<compile_context>
chip_gen: v7x
topology: tpu7x:2x2x1
jax: 0.10.2.dev20260603
libtpu: 0.0.44.dev20260713+nightly
codegen_flags: <defaults>
</compile_context>

<pallas_src>
import functools
import math

import jax
import jax.numpy as jnp
from jax import lax
from jax.experimental import pallas as pl
from jax.experimental.pallas import tpu as pltpu
from jax.experimental.pallas import tpu_sc as plsc

SEQ = 200
D = 64
BATCH = 4096
B = BATCH * SEQ
NC = 2
NS = 16
NW = NC * NS
BPW = B // NW
GB = 100
SPC = 2
CHUNK = SPC * SEQ
NGATH = CHUNK // GB
NCHUNK = BPW // CHUNK
XROWS = B // GB
NBUF = 4
BN = 128
TPP = SEQ // 2


def _pe_body(out_ref):
    pos = lax.broadcasted_iota(jnp.int32, (SEQ, D), 0).astype(jnp.float32)
    col = lax.broadcasted_iota(jnp.int32, (SEQ, D), 1)
    k = (col // 2) * 2
    angle = pos * jnp.exp(k.astype(jnp.float32) * (-math.log(10000.0) / D))
    out_ref[...] = jnp.where(col % 2 == 0, jnp.sin(angle), jnp.cos(angle))


_pe_table = pl.pallas_call(
    _pe_body, out_shape=jax.ShapeDtypeStruct((SEQ, D), jnp.float32))


ROWS2 = B // 2
RB = 3200


def _add_body(g_ref, pep_ref, out_ref):
    out_ref[...] = g_ref[...] + jnp.tile(pep_ref[...], (RB // TPP, 1))


_add_pe = pl.pallas_call(
    _add_body,
    grid=(ROWS2 // RB,),
    in_specs=[
        pl.BlockSpec((RB, 128), lambda j: (j, 0)),
        pl.BlockSpec((TPP, 128), lambda j: (0, 0)),
    ],
    out_specs=pl.BlockSpec((RB, 128), lambda j: (j, 0)),
    out_shape=jax.ShapeDtypeStruct((ROWS2, 128), jnp.float32),
)


@functools.partial(
    pl.kernel,
    out_type=jax.ShapeDtypeStruct((BATCH, SEQ, D), jnp.float32),
    mesh=plsc.VectorSubcoreMesh(core_axis_name="c", subcore_axis_name="s"),
    scratch_types=(
        [pltpu.VMEM((NGATH, GB), jnp.int32) for _ in range(NBUF)]
        + [pltpu.VMEM((SPC, SEQ, D), jnp.float32) for _ in range(NBUF)]
        + [pltpu.SemaphoreType.DMA] * (3 * NBUF)
    ),
    compiler_params=pltpu.CompilerParams(use_tc_tiling_on_sc=False),
)
def _sc_lookup(table_hbm, x_hbm, out_hbm, *scratch):
    idxs = scratch[0:NBUF]
    rows = scratch[NBUF:2 * NBUF]
    isems = scratch[2 * NBUF:3 * NBUF]
    gsems = scratch[3 * NBUF:4 * NBUF]
    ssems = scratch[4 * NBUF:5 * NBUF]

    wid = lax.axis_index("s") * NC + lax.axis_index("c")

    def stage_idx(c, b):
        rowbase = pl.multiple_of(wid * (BPW // GB) + c * NGATH, NGATH)
        pltpu.async_copy(x_hbm.at[pl.ds(rowbase, NGATH)], idxs[b], isems[b])

    def wait_idx(b):
        pltpu.make_async_copy(
            x_hbm.at[pl.ds(0, NGATH)], idxs[b], isems[b]).wait()

    def fire_gathers(b):
        for j in range(NGATH):
            pltpu.async_copy(
                table_hbm.at[idxs[b].at[j]],
                rows[b].at[j // SPC, pl.ds((j % SPC) * GB, GB)],
                gsems[b],
            )

    def wait_gathers(b):
        for _ in range(NGATH):
            pltpu.make_async_copy(
                table_hbm.at[pl.ds(0, GB)],
                rows[b].at[0, pl.ds(0, GB)],
                gsems[b],
            ).wait()

    def fire_scatter(c, b):
        seqbase = pl.multiple_of(wid * (BPW // SEQ) + c * SPC, SPC)
        pltpu.async_copy(rows[b], out_hbm.at[pl.ds(seqbase, SPC)], ssems[b])

    def wait_scatter(b):
        pltpu.make_async_copy(
            rows[b], out_hbm.at[pl.ds(0, SPC)], ssems[b]).wait()

    def body(cc, b, fire, stage, skip_scatter_wait=False):
        gb = (b + 2) % NBUF
        if fire:
            if not skip_scatter_wait:
                wait_scatter(gb)
            wait_idx(gb)
            fire_gathers(gb)
        wait_gathers(b)
        if stage:
            stage_idx(cc + NBUF, b)
        fire_scatter(cc, b)

    for c in range(NBUF):
        stage_idx(jnp.int32(c), c)
    wait_idx(0)
    fire_gathers(0)
    wait_idx(1)
    fire_gathers(1)
    body(jnp.int32(0), 0, fire=True, stage=True, skip_scatter_wait=True)
    body(jnp.int32(1), 1, fire=True, stage=True, skip_scatter_wait=True)

    @pl.loop(0, (NCHUNK - 8) // NBUF)
    def _grp(m):
        cc0 = 2 + NBUF * m
        for off in range(NBUF):
            body(cc0 + off, (2 + off) % NBUF, fire=True, stage=True)

    body(jnp.int32(NCHUNK - 6), 2, fire=True, stage=True)
    body(jnp.int32(NCHUNK - 5), 3, fire=True, stage=True)
    body(jnp.int32(NCHUNK - 4), 0, fire=True, stage=False)
    body(jnp.int32(NCHUNK - 3), 1, fire=True, stage=False)
    body(jnp.int32(NCHUNK - 2), 2, fire=False, stage=False)
    body(jnp.int32(NCHUNK - 1), 3, fire=False, stage=False)
    for b in range(NBUF):
        wait_scatter(b)


def kernel(x, table):
    pe = _pe_table()
    pep = pe.reshape(TPP, 128)
    x2d = x.reshape(XROWS, GB).astype(jnp.int32)
    g = _sc_lookup(table, x2d)
    g2 = g.reshape(ROWS2, 128)
    y = _add_pe(g2, pep)
    return y.reshape(BATCH, SEQ, D)

# --- scband reference (transcript-rebuilt; emitter-appended) ---
"""Pipeline reference for scband-positional-embedding-89421219103141 (READ-ONLY COPY).

The authoritative reference and input builder live on the scoring server;
editing this copy changes nothing except your own understanding.
"""

import jax, jax.numpy as jnp
import numpy as np

VOCAB = 100000
D_MODEL = 64


def get_positional_encoding(max_length, d_model):
    pos = jnp.arange(max_length, dtype=jnp.float32)[:, None]
    div = jnp.exp(jnp.arange(0, d_model, 2, dtype=jnp.float32) * (-jnp.log(10000.0) / d_model))
    pe = jnp.zeros((max_length, d_model), dtype=jnp.float32)
    pe = pe.at[:, 0::2].set(jnp.sin(pos * div))
    pe = pe.at[:, 1::2].set(jnp.cos(pos * div))
    return pe


def setup_inputs(seed: int = 0) -> dict:
    key = jax.random.key(seed)
    k1, k2 = jax.random.split(key)
    x = jax.random.randint(k1, (4096, 200), 0, VOCAB, dtype=jnp.int64 if jax.config.jax_enable_x64 else jnp.int32)
    table = jax.random.normal(k2, (VOCAB, D_MODEL), dtype=jnp.float32)
    return {"x": x, "table": table}


def reference(x, table):
    max_len = x.shape[-1]
    pe = get_positional_encoding(max_len, table.shape[-1])
    emb = jnp.take(table, x, axis=0)
    return emb + pe

if __name__ == "__main__":
    import jax
    _d = setup_inputs()
    print(jax.jit(kernel)(*tuple(_d.values())))

</pallas_src>

<mosaic_0001>
#map = affine_map<(d0, d1) -> (0, 0)>
#map1 = affine_map<(d0, d1) -> (0, 0, 0)>
module attributes {stable_mosaic.version = 14 : i64} {
  func.func @_sc_lookup(%arg0: i32, %arg1: i32, %arg2: memref<100000x64xf32, #tpu.memory_space<hbm>>, %arg3: memref<8192x100xi32, #tpu.memory_space<hbm>>, %arg4: memref<4096x200x64xf32, #tpu.memory_space<hbm>>, %arg5: memref<4x100xi32, #tpu.memory_space<vmem>>, %arg6: memref<4x100xi32, #tpu.memory_space<vmem>>, %arg7: memref<4x100xi32, #tpu.memory_space<vmem>>, %arg8: memref<4x100xi32, #tpu.memory_space<vmem>>, %arg9: memref<2x200x64xf32, #tpu.memory_space<vmem>>, %arg10: memref<2x200x64xf32, #tpu.memory_space<vmem>>, %arg11: memref<2x200x64xf32, #tpu.memory_space<vmem>>, %arg12: memref<2x200x64xf32, #tpu.memory_space<vmem>>, %arg13: memref<!tpu.dma_semaphore, #tpu.memory_space<semaphore_mem>>, %arg14: memref<!tpu.dma_semaphore, #tpu.memory_space<semaphore_mem>>, %arg15: memref<!tpu.dma_semaphore, #tpu.memory_space<semaphore_mem>>, %arg16: memref<!tpu.dma_semaphore, #tpu.memory_space<semaphore_mem>>, %arg17: memref<!tpu.dma_semaphore, #tpu.memory_space<semaphore_mem>>, %arg18: memref<!tpu.dma_semaphore, #tpu.memory_space<semaphore_mem>>, %arg19: memref<!tpu.dma_semaphore, #tpu.memory_space<semaphore_mem>>, %arg20: memref<!tpu.dma_semaphore, #tpu.memory_space<semaphore_mem>>, %arg21: memref<!tpu.dma_semaphore, #tpu.memory_space<semaphore_mem>>, %arg22: memref<!tpu.dma_semaphore, #tpu.memory_space<semaphore_mem>>, %arg23: memref<!tpu.dma_semaphore, #tpu.memory_space<semaphore_mem>>, %arg24: memref<!tpu.dma_semaphore, #tpu.memory_space<semaphore_mem>>) attributes {dimension_semantics = [#tpu.dimension_semantics<core_parallel>, #tpu.dimension_semantics<subcore_parallel>], iteration_bounds = array<i64: 2, 16>, scalar_prefetch = 0 : i64, scratch_operands = 20 : i64, tpu.core_type = #tpu.core_type<sc_vector_subcore>, window_params = [{transform_indices = #map}, {transform_indices = #map}, {transform_indices = #map1}]} {
    %mul3A = arith.constant 2 : i32
    %mul3A_0 = arith.muli %arg1, %mul3A : i32
    %add3A = arith.addi %mul3A_0, %arg0 : i32
    %mul3A_1 = arith.constant 256 : i32
    %mul3A_2 = arith.muli %add3A, %mul3A_1 : i32
    %mul3A_3 = arith.constant 0 : i32
    %mul3A_4 = arith.constant 4 : i32
    %mul3A_5 = arith.muli %mul3A_3, %mul3A_4 : i32
    %add3A_6 = arith.addi %mul3A_2, %mul3A_5 : i32
    %multiple_of3A = tpu.assume_multiple %add3A_6, 4 : i32
    %dma_start3A = arith.constant 0 : i32
    %dma_start3A_7 = tpu.memref_slice %arg3[%multiple_of3A, %dma_start3A] : memref<8192x100xi32, #tpu.memory_space<hbm>> -> memref<4x100xi32, #tpu.memory_space<hbm>>
    %dma_start3A_8 = arith.constant 0 : i32
    %dma_start3A_9 = tpu.memref_slice %arg3[%multiple_of3A, %dma_start3A_8] : memref<8192x100xi32, #tpu.memory_space<hbm>> -> memref<4x100xi32, #tpu.memory_space<hbm>>
    tpu.enqueue_dma source(%dma_start3A_9 : memref<4x100xi32, #tpu.memory_space<hbm>>) target(%arg5 : memref<4x100xi32, #tpu.memory_space<vmem>>) target_semaphore(%arg13 : memref<!tpu.dma_semaphore, #tpu.memory_space<semaphore_mem>>)
    %mul3A_10 = arith.constant 256 : i32
    %mul3A_11 = arith.muli %add3A, %mul3A_10 : i32
    %mul3A_12 = arith.constant 1 : i32
    %mul3A_13 = arith.constant 4 : i32
    %mul3A_14 = arith.muli %mul3A_12, %mul3A_13 : i32
    %add3A_15 = arith.addi %mul3A_11, %mul3A_14 : i32
    %multiple_of3A_16 = tpu.assume_multiple %add3A_15, 4 : i32
    %dma_start3A_17 = arith.constant 0 : i32
    %dma_start3A_18 = tpu.memref_slice %arg3[%multiple_of3A_16, %dma_start3A_17] : memref<8192x100xi32, #tpu.memory_space<hbm>> -> memref<4x100xi32, #tpu.memory_space<hbm>>
    %dma_start3A_19 = arith.constant 0 : i32
    %dma_start3A_20 = tpu.memref_slice %arg3[%multiple_of3A_16, %dma_start3A_19] : memref<8192x100xi32, #tpu.memory_space<hbm>> -> memref<4x100xi32, #tpu.memory_space<hbm>>
    tpu.enqueue_dma source(%dma_start3A_20 : memref<4x100xi32, #tpu.memory_space<hbm>>) target(%arg6 : memref<4x100xi32, #tpu.memory_space<vmem>>) target_semaphore(%arg14 : memref<!tpu.dma_semaphore, #tpu.memory_space<semaphore_mem>>)
    %mul3A_21 = arith.constant 256 : i32
    %mul3A_22 = arith.muli %add3A, %mul3A_21 : i32
    %mul3A_23 = arith.constant 2 : i32
    %mul3A_24 = arith.constant 4 : i32
    %mul3A_25 = arith.muli %mul3A_23, %mul3A_24 : i32
    %add3A_26 = arith.addi %mul3A_22, %mul3A_25 : i32
    %multiple_of3A_27 = tpu.assume_multiple %add3A_26, 4 : i32
    %dma_start3A_28 = arith.constant 0 : i32
    %dma_start3A_29 = tpu.memref_slice %arg3[%multiple_of3A_27, %dma_start3A_28] : memref<8192x100xi32, #tpu.memory_space<hbm>> -> memref<4x100xi32, #tpu.memory_space<hbm>>
    %dma_start3A_30 = arith.constant 0 : i32
    %dma_start3A_31 = tpu.memref_slice %arg3[%multiple_of3A_27, %dma_start3A_30] : memref<8192x100xi32, #tpu.memory_space<hbm>> -> memref<4x100xi32, #tpu.memory_space<hbm>>
    tpu.enqueue_dma source(%dma_start3A_31 : memref<4x100xi32, #tpu.memory_space<hbm>>) target(%arg7 : memref<4x100xi32, #tpu.memory_space<vmem>>) target_semaphore(%arg15 : memref<!tpu.dma_semaphore, #tpu.memory_space<semaphore_mem>>)
    %mul3A_32 = arith.constant 256 : i32
    %mul3A_33 = arith.muli %add3A, %mul3A_32 : i32
    %mul3A_34 = arith.constant 3 : i32
    %mul3A_35 = arith.constant 4 : i32
    %mul3A_36 = arith.muli %mul3A_34, %mul3A_35 : i32
    %add3A_37 = arith.addi %mul3A_33, %mul3A_36 : i32
    %multiple_of3A_38 = tpu.assume_multiple %add3A_37, 4 : i32
    %dma_start3A_39 = arith.constant 0 : i32
    %dma_start3A_40 = tpu.memref_slice %arg3[%multiple_of3A_38, %dma_start3A_39] : memref<8192x100xi32, #tpu.memory_space<hbm>> -> memref<4x100xi32, #tpu.memory_space<hbm>>
    %dma_start3A_41 = arith.constant 0 : i32
    %dma_start3A_42 = tpu.memref_slice %arg3[%multiple_of3A_38, %dma_start3A_41] : memref<8192x100xi32, #tpu.memory_space<hbm>> -> memref<4x100xi32, #tpu.memory_space<hbm>>
    tpu.enqueue_dma source(%dma_start3A_42 : memref<4x100xi32, #tpu.memory_space<hbm>>) target(%arg8 : memref<4x100xi32, #tpu.memory_space<vmem>>) target_semaphore(%arg16 : memref<!tpu.dma_semaphore, #tpu.memory_space<semaphore_mem>>)
    %dma_wait3A = arith.constant 0 : i32
    %dma_wait3A_43 = arith.constant 0 : i32
    %dma_wait3A_44 = tpu.memref_slice %arg3[%dma_wait3A, %dma_wait3A_43] : memref<8192x100xi32, #tpu.memory_space<hbm>> -> memref<4x100xi32, #tpu.memory_space<hbm>>
    %dma_wait3A_45 = arith.constant 0 : i32
    %dma_wait3A_46 = arith.constant 0 : i32
    %dma_wait3A_47 = tpu.memref_slice %arg3[%dma_wait3A_45, %dma_wait3A_46] : memref<8192x100xi32, #tpu.memory_space<hbm>> -> memref<4x100xi32, #tpu.memory_space<hbm>>
    tpu.wait_dma2 semaphore(%arg13 : memref<!tpu.dma_semaphore, #tpu.memory_space<semaphore_mem>>) src(%dma_wait3A_47 : memref<4x100xi32, #tpu.memory_space<hbm>>) dst(%arg5 : memref<4x100xi32, #tpu.memory_space<vmem>>)
    %dma_start3A_48 = arith.constant 0 : i32
    %dma_start3A_49 = arith.constant 0 : i32
    %dma_start3A_50 = arith.constant 0 : i32
    %dma_start3A_51 = arith.constant 0 : i32
    %dma_start3A_52 = tpu.memref_slice %arg9[%dma_start3A_49, %dma_start3A_50, %dma_start3A_51] : memref<2x200x64xf32, #tpu.memory_space<vmem>> -> memref<1x100x64xf32, #tpu.memory_space<vmem>>
    %dma_start3A_53 = tpu.memref_squeeze %dma_start3A_52 : memref<1x100x64xf32, #tpu.memory_space<vmem>> -> memref<100x64xf32, #tpu.memory_space<vmem>>
    %dma_start3A_54 = arith.constant 0 : i32
    %dma_start3A_55 = tpu.memref_slice %arg5[%dma_start3A_48, %dma_start3A_54] : memref<4x100xi32, #tpu.memory_space<vmem>> -> memref<1x100xi32, #tpu.memory_space<vmem>>
    %dma_start3A_56 = tpu.memref_squeeze %dma_start3A_55 : memref<1x100xi32, #tpu.memory_space<vmem>> -> memref<100xi32, #tpu.memory_space<vmem>>
    %dma_start3A_57 = arith.constant 0 : i32
    %dma_start3A_58 = arith.constant 0 : i32
    %dma_start3A_59 = tpu.memref_slice %arg2[%dma_start3A_57, %dma_start3A_58] : memref<100000x64xf32, #tpu.memory_space<hbm>> -> memref<100000x64xf32, #tpu.memory_space<hbm>>
    tpu.enqueue_indirect_dma source(%dma_start3A_59 : memref<100000x64xf32, #tpu.memory_space<hbm>>) target(%dma_start3A_53 : memref<100x64xf32, #tpu.memory_space<vmem>>) offsets(%dma_start3A_56 : memref<100xi32, #tpu.memory_space<vmem>>) semaphore(%arg17 : memref<!tpu.dma_semaphore, #tpu.memory_space<semaphore_mem>>)
    %dma_start3A_60 = arith.constant 1 : i32
    %dma_start3A_61 = arith.constant 0 : i32
    %dma_start3A_62 = arith.constant 100 : i32
    %dma_start3A_63 = arith.constant 0 : i32
    %dma_start3A_64 = tpu.memref_slice %arg9[%dma_start3A_61, %dma_start3A_62, %dma_start3A_63] : memref<2x200x64xf32, #tpu.memory_space<vmem>> -> memref<1x100x64xf32, #tpu.memory_space<vmem>>
    %dma_start3A_65 = tpu.memref_squeeze %dma_start3A_64 : memref<1x100x64xf32, #tpu.memory_space<vmem>> -> memref<100x64xf32, #tpu.memory_space<vmem>>
    %dma_start3A_66 = arith.constant 0 : i32
    %dma_start3A_67 = tpu.memref_slice %arg5[%dma_start3A_60, %dma_start3A_66] : memref<4x100xi32, #tpu.memory_space<vmem>> -> memref<1x100xi32, #tpu.memory_space<vmem>>
    %dma_start3A_68 = tpu.memref_squeeze %dma_start3A_67 : memref<1x100xi32, #tpu.memory_space<vmem>> -> memref<100xi32, #tpu.memory_space<vmem>>
    %dma_start3A_69 = arith.constant 0 : i32
    %dma_start3A_70 = arith.constant 0 : i32
    %dma_start3A_71 = tpu.memref_slice %arg2[%dma_start3A_69, %dma_start3A_70] : memref<100000x64xf32, #tpu.memory_space<hbm>> -> memref<100000x64xf32, #tpu.memory_space<hbm>>
    tpu.enqueue_indirect_dma source(%dma_start3A_71 : memref<100000x64xf32, #tpu.memory_space<hbm>>) target(%dma_start3A_65 : memref<100x64xf32, #tpu.memory_space<vmem>>) offsets(%dma_start3A_68 : memref<100xi32, #tpu.memory_space<vmem>>) semaphore(%arg17 : memref<!tpu.dma_semaphore, #tpu.memory_space<semaphore_mem>>)
    %dma_start3A_72 = arith.constant 2 : i32
    %dma_start3A_73 = arith.constant 1 : i32
    %dma_start3A_74 = arith.constant 0 : i32
    %dma_start3A_75 = arith.constant 0 : i32
    %dma_start3A_76 = tpu.memref_slice %arg9[%dma_start3A_73, %dma_start3A_74, %dma_start3A_75] : memref<2x200x64xf32, #tpu.memory_space<vmem>> -> memref<1x100x64xf32, #tpu.memory_space<vmem>>
    %dma_start3A_77 = tpu.memref_squeeze %dma_start3A_76 : memref<1x100x64xf32, #tpu.memory_space<vmem>> -> memref<100x64xf32, #tpu.memory_space<vmem>>
    %dma_start3A_78 = arith.constant 0 : i32
    %dma_start3A_79 = tpu.memref_slice %arg5[%dma_start3A_72, %dma_start3A_78] : memref<4x100xi32, #tpu.memory_space<vmem>> -> memref<1x100xi32, #tpu.memory_space<vmem>>
    %dma_start3A_80 = tpu.memref_squeeze %dma_start3A_79 : memref<1x100xi32, #tpu.memory_space<vmem>> -> memref<100xi32, #tpu.memory_space<vmem>>
    %dma_start3A_81 = arith.constant 0 : i32
    %dma_start3A_82 = arith.constant 0 : i32
    %dma_start3A_83 = tpu.memref_slice %arg2[%dma_start3A_81, %dma_start3A_82] : memref<100000x64xf32, #tpu.memory_space<hbm>> -> memref<100000x64xf32, #tpu.memory_space<hbm>>
    tpu.enqueue_indirect_dma source(%dma_start3A_83 : memref<100000x64xf32, #tpu.memory_space<hbm>>) target(%dma_start3A_77 : memref<100x64xf32, #tpu.memory_space<vmem>>) offsets(%dma_start3A_80 : memref<100xi32, #tpu.memory_space<vmem>>) semaphore(%arg17 : memref<!tpu.dma_semaphore, #tpu.memory_space<semaphore_mem>>)
    %dma_start3A_84 = arith.constant 3 : i32
    %dma_start3A_85 = arith.constant 1 : i32
    %dma_start3A_86 = arith.constant 100 : i32
    %dma_start3A_87 = arith.constant 0 : i32
    %dma_start3A_88 = tpu.memref_slice %arg9[%dma_start3A_85, %dma_start3A_86, %dma_start3A_87] : memref<2x200x64xf32, #tpu.memory_space<vmem>> -> memref<1x100x64xf32, #tpu.memory_space<vmem>>
    %dma_start3A_89 = tpu.memref_squeeze %dma_start3A_88 : memref<1x100x64xf32, #tpu.memory_space<vmem>> -> memref<100x64xf32, #tpu.memory_space<vmem>>
    %dma_start3A_90 = arith.constant 0 : i32
    %dma_start3A_91 = tpu.memref_slice %arg5[%dma_start3A_84, %dma_start3A_90] : memref<4x100xi32, #tpu.memory_space<vmem>> -> memref<1x100xi32, #tpu.memory_space<vmem>>
    %dma_start3A_92 = tpu.memref_squeeze %dma_start3A_91 : memref<1x100xi32, #tpu.memory_space<vmem>> -> memref<100xi32, #tpu.memory_space<vmem>>
    %dma_start3A_93 = arith.constant 0 : i32
    %dma_start3A_94 = arith.constant 0 : i32
    %dma_start3A_95 = tpu.memref_slice %arg2[%dma_start3A_93, %dma_start3A_94] : memref<100000x64xf32, #tpu.memory_space<hbm>> -> memref<100000x64xf32, #tpu.memory_space<hbm>>
    tpu.enqueue_indirect_dma source(%dma_start3A_95 : memref<100000x64xf32, #tpu.memory_space<hbm>>) target(%dma_start3A_89 : memref<100x64xf32, #tpu.memory_space<vmem>>) offsets(%dma_start3A_92 : memref<100xi32, #tpu.memory_space<vmem>>) semaphore(%arg17 : memref<!tpu.dma_semaphore, #tpu.memory_space<semaphore_mem>>)
    %dma_wait3A_96 = arith.constant 0 : i32
    %dma_wait3A_97 = arith.constant 0 : i32
    %dma_wait3A_98 = tpu.memref_slice %arg3[%dma_wait3A_96, %dma_wait3A_97] : memref<8192x100xi32, #tpu.memory_space<hbm>> -> memref<4x100xi32, #tpu.memory_space<hbm>>
    %dma_wait3A_99 = arith.constant 0 : i32
    %dma_wait3A_100 = arith.constant 0 : i32
    %dma_wait3A_101 = tpu.memref_slice %arg3[%dma_wait3A_99, %dma_wait3A_100] : memref<8192x100xi32, #tpu.memory_space<hbm>> -> memref<4x100xi32, #tpu.memory_space<hbm>>
    tpu.wait_dma2 semaphore(%arg14 : memref<!tpu.dma_semaphore, #tpu.memory_space<semaphore_mem>>) src(%dma_wait3A_101 : memref<4x100xi32, #tpu.memory_space<hbm>>) dst(%arg6 : memref<4x100xi32, #tpu.memory_space<vmem>>)
    %dma_start3A_102 = arith.constant 0 : i32
    %dma_start3A_103 = arith.constant 0 : i32
    %dma_start3A_104 = arith.constant 0 : i32
    %dma_start3A_105 = arith.constant 0 : i32
    %dma_start3A_106 = tpu.memref_slice %arg10[%dma_start3A_103, %dma_start3A_104, %dma_start3A_105] : memref<2x200x64xf32, #tpu.memory_space<vmem>> -> memref<1x100x64xf32, #tpu.memory_space<vmem>>
    %dma_start3A_107 = tpu.memref_squeeze %dma_start3A_106 : memref<1x100x64xf32, #tpu.memory_space<vmem>> -> memref<100x64xf32, #tpu.memory_space<vmem>>
    %dma_start3A_108 = arith.constant 0 : i32
    %dma_start3A_109 = tpu.memref_slice %arg6[%dma_start3A_102, %dma_start3A_108] : memref<4x100xi32, #tpu.memory_space<vmem>> -> memref<1x100xi32, #tpu.memory_space<vmem>>
    %dma_start3A_110 = tpu.memref_squeeze %dma_start3A_109 : memref<1x100xi32, #tpu.memory_space<vmem>> -> memref<100xi32, #tpu.memory_space<vmem>>
    %dma_start3A_111 = arith.constant 0 : i32
    %dma_start3A_112 = arith.constant 0 : i32
    %dma_start3A_113 = tpu.memref_slice %arg2[%dma_start3A_111, %dma_start3A_112] : memref<100000x64xf32, #tpu.memory_space<hbm>> -> memref<100000x64xf32, #tpu.memory_space<hbm>>
    tpu.enqueue_indirect_dma source(%dma_start3A_113 : memref<100000x64xf32, #tpu.memory_space<hbm>>) target(%dma_start3A_107 : memref<100x64xf32, #tpu.memory_space<vmem>>) offsets(%dma_start3A_110 : memref<100xi32, #tpu.memory_space<vmem>>) semaphore(%arg18 : memref<!tpu.dma_semaphore, #tpu.memory_space<semaphore_mem>>)
    %dma_start3A_114 = arith.constant 1 : i32
    %dma_start3A_115 = arith.constant 0 : i32
    %dma_start3A_116 = arith.constant 100 : i32
    %dma_start3A_117 = arith.constant 0 : i32
    %dma_start3A_118 = tpu.memref_slice %arg10[%dma_start3A_115, %dma_start3A_116, %dma_start3A_117] : memref<2x200x64xf32, #tpu.memory_space<vmem>> -> memref<1x100x64xf32, #tpu.memory_space<vmem>>
    %dma_start3A_119 = tpu.memref_squeeze %dma_start3A_118 : memref<1x100x64xf32, #tpu.memory_space<vmem>> -> memref<100x64xf32, #tpu.memory_space<vmem>>
    %dma_start3A_120 = arith.constant 0 : i32
    %dma_start3A_121 = tpu.memref_slice %arg6[%dma_start3A_114, %dma_start3A_120] : memref<4x100xi32, #tpu.memory_space<vmem>> -> memref<1x100xi32, #tpu.memory_space<vmem>>
    %dma_start3A_122 = tpu.memref_squeeze %dma_start3A_121 : memref<1x100xi32, #tpu.memory_space<vmem>> -> memref<100xi32, #tpu.memory_space<vmem>>
    %dma_start3A_123 = arith.constant 0 : i32
    %dma_start3A_124 = arith.constant 0 : i32
    %dma_start3A_125 = tpu.memref_slice %arg2[%dma_start3A_123, %dma_start3A_124] : memref<100000x64xf32, #tpu.memory_space<hbm>> -> memref<100000x64xf32, #tpu.memory_space<hbm>>
    tpu.enqueue_indirect_dma source(%dma_start3A_125 : memref<100000x64xf32, #tpu.memory_space<hbm>>) target(%dma_start3A_119 : memref<100x64xf32, #tpu.memory_space<vmem>>) offsets(%dma_start3A_122 : memref<100xi32, #tpu.memory_space<vmem>>) semaphore(%arg18 : memref<!tpu.dma_semaphore, #tpu.memory_space<semaphore_mem>>)
    %dma_start3A_126 = arith.constant 2 : i32
    %dma_start3A_127 = arith.constant 1 : i32
    %dma_start3A_128 = arith.constant 0 : i32
    %dma_start3A_129 = arith.constant 0 : i32
    %dma_start3A_130 = tpu.memref_slice %arg10[%dma_start3A_127, %dma_start3A_128, %dma_start3A_129] : memref<2x200x64xf32, #tpu.memory_space<vmem>> -> memref<1x100x64xf32, #tpu.memory_space<vmem>>
    %dma_start3A_131 = tpu.memref_squeeze %dma_start3A_130 : memref<1x100x64xf32, #tpu.memory_space<vmem>> -> memref<100x64xf32, #tpu.memory_space<vmem>>
    %dma_start3A_132 = arith.constant 0 : i32
    %dma_start3A_133 = tpu.memref_slice %arg6[%dma_start3A_126, %dma_start3A_132] : memref<4x100xi32, #tpu.memory_space<vmem>> -> memref<1x100xi32, #tpu.memory_space<vmem>>
    %dma_start3A_134 = tpu.memref_squeeze %dma_start3A_133 : memref<1x100xi32, #tpu.memory_space<vmem>> -> memref<100xi32, #tpu.memory_space<vmem>>
    %dma_start3A_135 = arith.constant 0 : i32
    %dma_start3A_136 = arith.constant 0 : i32
    %dma_start3A_137 = tpu.memref_slice %arg2[%dma_start3A_135, %dma_start3A_136] : memref<100000x64xf32, #tpu.memory_space<hbm>> -> memref<100000x64xf32, #tpu.memory_space<hbm>>
    tpu.enqueue_indirect_dma source(%dma_start3A_137 : memref<100000x64xf32, #tpu.memory_space<hbm>>) target(%dma_start3A_131 : memref<100x64xf32, #tpu.memory_space<vmem>>) offsets(%dma_start3A_134 : memref<100xi32, #tpu.memory_space<vmem>>) semaphore(%arg18 : memref<!tpu.dma_semaphore, #tpu.memory_space<semaphore_mem>>)
    %dma_start3A_138 = arith.constant 3 : i32
    %dma_start3A_139 = arith.constant 1 : i32
    %dma_start3A_140 = arith.constant 100 : i32
    %dma_start3A_141 = arith.constant 0 : i32
    %dma_start3A_142 = tpu.memref_slice %arg10[%dma_start3A_139, %dma_start3A_140, %dma_start3A_141] : memref<2x200x64xf32, #tpu.memory_space<vmem>> -> memref<1x100x64xf32, #tpu.memory_space<vmem>>
    %dma_start3A_143 = tpu.memref_squeeze %dma_start3A_142 : memref<1x100x64xf32, #tpu.memory_space<vmem>> -> memref<100x64xf32, #tpu.memory_space<vmem>>
    %dma_start3A_144 = arith.constant 0 : i32
    %dma_start3A_145 = tpu.memref_slice %arg6[%dma_start3A_138, %dma_start3A_144] : memref<4x100xi32, #tpu.memory_space<vmem>> -> memref<1x100xi32, #tpu.memory_space<vmem>>
    %dma_start3A_146 = tpu.memref_squeeze %dma_start3A_145 : memref<1x100xi32, #tpu.memory_space<vmem>> -> memref<100xi32, #tpu.memory_space<vmem>>
    %dma_start3A_147 = arith.constant 0 : i32
    %dma_start3A_148 = arith.constant 0 : i32
    %dma_start3A_149 = tpu.memref_slice %arg2[%dma_start3A_147, %dma_start3A_148] : memref<100000x64xf32, #tpu.memory_space<hbm>> -> memref<100000x64xf32, #tpu.memory_space<hbm>>
    tpu.enqueue_indirect_dma source(%dma_start3A_149 : memref<100000x64xf32, #tpu.memory_space<hbm>>) target(%dma_start3A_143 : memref<100x64xf32, #tpu.memory_space<vmem>>) offsets(%dma_start3A_146 : memref<100xi32, #tpu.memory_space<vmem>>) semaphore(%arg18 : memref<!tpu.dma_semaphore, #tpu.memory_space<semaphore_mem>>)
    %dma_wait3A_150 = arith.constant 0 : i32
    %dma_wait3A_151 = arith.constant 0 : i32
    %dma_wait3A_152 = tpu.memref_slice %arg3[%dma_wait3A_150, %dma_wait3A_151] : memref<8192x100xi32, #tpu.memory_space<hbm>> -> memref<4x100xi32, #tpu.memory_space<hbm>>
    %dma_wait3A_153 = arith.constant 0 : i32
    %dma_wait3A_154 = arith.constant 0 : i32
    %dma_wait3A_155 = tpu.memref_slice %arg3[%dma_wait3A_153, %dma_wait3A_154] : memref<8192x100xi32, #tpu.memory_space<hbm>> -> memref<4x100xi32, #tpu.memory_space<hbm>>
    tpu.wait_dma2 semaphore(%arg15 : memref<!tpu.dma_semaphore, #tpu.memory_space<semaphore_mem>>) src(%dma_wait3A_155 : memref<4x100xi32, #tpu.memory_space<hbm>>) dst(%arg7 : memref<4x100xi32, #tpu.memory_space<vmem>>)
    %dma_start3A_156 = arith.constant 0 : i32
    %dma_start3A_157 = arith.constant 0 : i32
    %dma_start3A_158 = arith.constant 0 : i32
    %dma_start3A_159 = arith.constant 0 : i32
    %dma_start3A_160 = tpu.memref_slice %arg11[%dma_start3A_157, %dma_start3A_158, %dma_start3A_159] : memref<2x200x64xf32, #tpu.memory_space<vmem>> -> memref<1x100x64xf32, #tpu.memory_space<vmem>>
    %dma_start3A_161 = tpu.memref_squeeze %dma_start3A_160 : memref<1x100x64xf32, #tpu.memory_space<vmem>> -> memref<100x64xf32, #tpu.memory_space<vmem>>
    %dma_start3A_162 = arith.constant 0 : i32
    %dma_start3A_163 = tpu.memref_slice %arg7[%dma_start3A_156, %dma_start3A_162] : memref<4x100xi32, #tpu.memory_space<vmem>> -> memref<1x100xi32, #tpu.memory_space<vmem>>
    %dma_start3A_164 = tpu.memref_squeeze %dma_start3A_163 : memref<1x100xi32, #tpu.memory_space<vmem>> -> memref<100xi32, #tpu.memory_space<vmem>>
    %dma_start3A_165 = arith.constant 0 : i32
    %dma_start3A_166 = arith.constant 0 : i32
    %dma_start3A_167 = tpu.memref_slice %arg2[%dma_start3A_165, %dma_start3A_166] : memref<100000x64xf32, #tpu.memory_space<hbm>> -> memref<100000x64xf32, #tpu.memory_space<hbm>>
    tpu.enqueue_indirect_dma source(%dma_start3A_167 : memref<100000x64xf32, #tpu.memory_space<hbm>>) target(%dma_start3A_161 : memref<100x64xf32, #tpu.memory_space<vmem>>) offsets(%dma_start3A_164 : memref<100xi32, #tpu.memory_space<vmem>>) semaphore(%arg19 : memref<!tpu.dma_semaphore, #tpu.memory_space<semaphore_mem>>)
    %dma_start3A_168 = arith.constant 1 : i32
    %dma_start3A_169 = arith.constant 0 : i32
    %dma_start3A_170 = arith.constant 100 : i32
    %dma_start3A_171 = arith.constant 0 : i32
    %dma_start3A_172 = tpu.memref_slice %arg11[%dma_start3A_169, %dma_start3A_170, %dma_start3A_171] : memref<2x200x64xf32, #tpu.memory_space<vmem>> -> memref<1x100x64xf32, #tpu.memory_space<vmem>>
    %dma_start3A_173 = tpu.memref_squeeze %dma_start3A_172 : memref<1x100x64xf32, #tpu.memory_space<vmem>> -> memref<100x64xf32, #tpu.memory_space<vmem>>
    %dma_start3A_174 = arith.constant 0 : i32
    %dma_start3A_175 = tpu.memref_slice %arg7[%dma_start3A_168, %dma_start3A_174] : memref<4x100xi32, #tpu.memory_space<vmem>> -> memref<1x100xi32, #tpu.memory_space<vmem>>
    %dma_start3A_176 = tpu.memref_squeeze %dma_start3A_175 : memref<1x100xi32, #tpu.memory_space<vmem>> -> memref<100xi32, #tpu.memory_space<vmem>>
    %dma_start3A_177 = arith.constant 0 : i32
    %dma_start3A_178 = arith.constant 0 : i32
    %dma_start3A_179 = tpu.memref_slice %arg2[%dma_start3A_177, %dma_start3A_178] : memref<100000x64xf32, #tpu.memory_space<hbm>> -> memref<100000x64xf32, #tpu.memory_space<hbm>>
    tpu.enqueue_indirect_dma source(%dma_start3A_179 : memref<100000x64xf32, #tpu.memory_space<hbm>>) target(%dma_start3A_173 : memref<100x64xf32, #tpu.memory_space<vmem>>) offsets(%dma_start3A_176 : memref<100xi32, #tpu.memory_space<vmem>>) semaphore(%arg19 : memref<!tpu.dma_semaphore, #tpu.memory_space<semaphore_mem>>)
    %dma_start3A_180 = arith.constant 2 : i32
    %dma_start3A_181 = arith.constant 1 : i32
    %dma_start3A_182 = arith.constant 0 : i32
    %dma_start3A_183 = arith.constant 0 : i32
    %dma_start3A_184 = tpu.memref_slice %arg11[%dma_start3A_181, %dma_start3A_182, %dma_start3A_183] : memref<2x200x64xf32, #tpu.memory_space<vmem>> -> memref<1x100x64xf32, #tpu.memory_space<vmem>>
    %dma_start3A_185 = tpu.memref_squeeze %dma_start3A_184 : memref<1x100x64xf32, #tpu.memory_space<vmem>> -> memref<100x64xf32, #tpu.memory_space<vmem>>
    %dma_start3A_186 = arith.constant 0 : i32
    %dma_start3A_187 = tpu.memref_slice %arg7[%dma_start3A_180, %dma_start3A_186] : memref<4x100xi32, #tpu.memory_space<vmem>> -> memref<1x100xi32, #tpu.memory_space<vmem>>
    %dma_start3A_188 = tpu.memref_squeeze %dma_start3A_187 : memref<1x100xi32, #tpu.memory_space<vmem>> -> memref<100xi32, #tpu.memory_space<vmem>>
    %dma_start3A_189 = arith.constant 0 : i32
    %dma_start3A_190 = arith.constant 0 : i32
    %dma_start3A_191 = tpu.memref_slice %arg2[%dma_start3A_189, %dma_start3A_190] : memref<100000x64xf32, #tpu.memory_space<hbm>> -> memref<100000x64xf32, #tpu.memory_space<hbm>>
    tpu.enqueue_indirect_dma source(%dma_start3A_191 : memref<100000x64xf32, #tpu.memory_space<hbm>>) target(%dma_start3A_185 : memref<100x64xf32, #tpu.memory_space<vmem>>) offsets(%dma_start3A_188 : memref<100xi32, #tpu.memory_space<vmem>>) semaphore(%arg19 : memref<!tpu.dma_semaphore, #tpu.memory_space<semaphore_mem>>)
    %dma_start3A_192 = arith.constant 3 : i32
    %dma_start3A_193 = arith.constant 1 : i32
    %dma_start3A_194 = arith.constant 100 : i32
    %dma_start3A_195 = arith.constant 0 : i32
    %dma_start3A_196 = tpu.memref_slice %arg11[%dma_start3A_193, %dma_start3A_194, %dma_start3A_195] : memref<2x200x64xf32, #tpu.memory_space<vmem>> -> memref<1x100x64xf32, #tpu.memory_space<vmem>>
    %dma_start3A_197 = tpu.memref_squeeze %dma_start3A_196 : memref<1x100x64xf32, #tpu.memory_space<vmem>> -> memref<100x64xf32, #tpu.memory_space<vmem>>
    %dma_start3A_198 = arith.constant 0 : i32
    %dma_start3A_199 = tpu.memref_slice %arg7[%dma_start3A_192, %dma_start3A_198] : memref<4x100xi32, #tpu.memory_space<vmem>> -> memref<1x100xi32, #tpu.memory_space<vmem>>
    %dma_start3A_200 = tpu.memref_squeeze %dma_start3A_199 : memref<1x100xi32, #tpu.memory_space<vmem>> -> memref<100xi32, #tpu.memory_space<vmem>>
    %dma_start3A_201 = arith.constant 0 : i32
    %dma_start3A_202 = arith.constant 0 : i32
    %dma_start3A_203 = tpu.memref_slice %arg2[%dma_start3A_201, %dma_start3A_202] : memref<100000x64xf32, #tpu.memory_space<hbm>> -> memref<100000x64xf32, #tpu.memory_space<hbm>>
    tpu.enqueue_indirect_dma source(%dma_start3A_203 : memref<100000x64xf32, #tpu.memory_space<hbm>>) target(%dma_start3A_197 : memref<100x64xf32, #tpu.memory_space<vmem>>) offsets(%dma_start3A_200 : memref<100xi32, #tpu.memory_space<vmem>>) semaphore(%arg19 : memref<!tpu.dma_semaphore, #tpu.memory_space<semaphore_mem>>)
    %dma_wait3A_204 = arith.constant 0 : i32
    %dma_wait3A_205 = arith.constant 0 : i32
    %dma_wait3A_206 = arith.constant 0 : i32
    %dma_wait3A_207 = tpu.memref_slice %arg9[%dma_wait3A_204, %dma_wait3A_205, %dma_wait3A_206] : memref<2x200x64xf32, #tpu.memory_space<vmem>> -> memref<1x100x64xf32, #tpu.memory_space<vmem>>
    %dma_wait3A_208 = tpu.memref_squeeze %dma_wait3A_207 : memref<1x100x64xf32, #tpu.memory_space<vmem>> -> memref<100x64xf32, #tpu.memory_space<vmem>>
    %dma_wait3A_209 = arith.constant 0 : i32
    %dma_wait3A_210 = arith.constant 0 : i32
    %dma_wait3A_211 = tpu.memref_slice %arg2[%dma_wait3A_209, %dma_wait3A_210] : memref<100000x64xf32, #tpu.memory_space<hbm>> -> memref<100x64xf32, #tpu.memory_space<hbm>>
    %dma_wait3A_212 = arith.constant 0 : i32
    %dma_wait3A_213 = arith.constant 0 : i32
    %dma_wait3A_214 = tpu.memref_slice %arg9[%dma_wait3A_204, %dma_wait3A_212, %dma_wait3A_213] : memref<2x200x64xf32, #tpu.memory_space<vmem>> -> memref<1x100x64xf32, #tpu.memory_space<vmem>>
    %dma_wait3A_215 = tpu.memref_squeeze %dma_wait3A_214 : memref<1x100x64xf32, #tpu.memory_space<vmem>> -> memref<100x64xf32, #tpu.memory_space<vmem>>
    %dma_wait3A_216 = arith.constant 0 : i32
    %dma_wait3A_217 = arith.constant 0 : i32
    %dma_wait3A_218 = tpu.memref_slice %arg2[%dma_wait3A_216, %dma_wait3A_217] : memref<100000x64xf32, #tpu.memory_space<hbm>> -> memref<100x64xf32, #tpu.memory_space<hbm>>
    tpu.wait_dma2 semaphore(%arg17 : memref<!tpu.dma_semaphore, #tpu.memory_space<semaphore_mem>>) src(%dma_wait3A_218 : memref<100x64xf32, #tpu.memory_space<hbm>>) dst(%dma_wait3A_215 : memref<100x64xf32, #tpu.memory_space<vmem>>)
    %dma_wait3A_219 = arith.constant 0 : i32
    %dma_wait3A_220 = arith.constant 0 : i32
    %dma_wait3A_221 = arith.constant 0 : i32
    %dma_wait3A_222 = tpu.memref_slice %arg9[%dma_wait3A_219, %dma_wait3A_220, %dma_wait3A_221] : memref<2x200x64xf32, #tpu.memory_space<vmem>> -> memref<1x100x64xf32, #tpu.memory_space<vmem>>
    %dma_wait3A_223 = tpu.memref_squeeze %dma_wait3A_222 : memref<1x100x64xf32, #tpu.memory_space<vmem>> -> memref<100x64xf32, #tpu.memory_space<vmem>>
    %dma_wait3A_224 = arith.constant 0 : i32
    %dma_wait3A_225 = arith.constant 0 : i32
    %dma_wait3A_226 = tpu.memref_slice %arg2[%dma_wait3A_224, %dma_wait3A_225] : memref<100000x64xf32, #tpu.memory_space<hbm>> -> memref<100x64xf32, #tpu.memory_space<hbm>>
    %dma_wait3A_227 = arith.constant 0 : i32
    %dma_wait3A_228 = arith.constant 0 : i32
    %dma_wait3A_229 = tpu.memref_slice %arg9[%dma_wait3A_219, %dma_wait3A_227, %dma_wait3A_228] : memref<2x200x64xf32, #tpu.memory_space<vmem>> -> memref<1x100x64xf32, #tpu.memory_space<vmem>>
    %dma_wait3A_230 = tpu.memref_squeeze %dma_wait3A_229 : memref<1x100x64xf32, #tpu.memory_space<vmem>> -> memref<100x64xf32, #tpu.memory_space<vmem>>
    %dma_wait3A_231 = arith.constant 0 : i32
    %dma_wait3A_232 = arith.constant 0 : i32
    %dma_wait3A_233 = tpu.memref_slice %arg2[%dma_wait3A_231, %dma_wait3A_232] : memref<100000x64xf32, #tpu.memory_space<hbm>> -> memref<100x64xf32, #tpu.memory_space<hbm>>
    tpu.wait_dma2 semaphore(%arg17 : memref<!tpu.dma_semaphore, #tpu.memory_space<semaphore_mem>>) src(%dma_wait3A_233 : memref<100x64xf32, #tpu.memory_space<hbm>>) dst(%dma_wait3A_230 : memref<100x64xf32, #tpu.memory_space<vmem>>)
    %dma_wait3A_234 = arith.constant 0 : i32
    %dma_wait3A_235 = arith.constant 0 : i32
    %dma_wait3A_236 = arith.constant 0 : i32
    %dma_wait3A_237 = tpu.memref_slice %arg9[%dma_wait3A_234, %dma_wait3A_235, %dma_wait3A_236] : memref<2x200x64xf32, #tpu.memory_space<vmem>> -> memref<1x100x64xf32, #tpu.memory_space<vmem>>
    %dma_wait3A_238 = tpu.memref_squeeze %dma_wait3A_237 : memref<1x100x64xf32, #tpu.memory_space<vmem>> -> memref<100x64xf32, #tpu.memory_space<vmem>>
    %dma_wait3A_239 = arith.constant 0 : i32
    %dma_wait3A_240 = arith.constant 0 : i32
    %dma_wait3A_241 = tpu.memref_slice %arg2[%dma_wait3A_239, %dma_wait3A_240] : memref<100000x64xf32, #tpu.memory_space<hbm>> -> memref<100x64xf32, #tpu.memory_space<hbm>>
    %dma_wait3A_242 = arith.constant 0 : i32
    %dma_wait3A_243 = arith.constant 0 : i32
    %dma_wait3A_244 = tpu.memref_slice %arg9[%dma_wait3A_234, %dma_wait3A_242, %dma_wait3A_243] : memref<2x200x64xf32, #tpu.memory_space<vmem>> -> memref<1x100x64xf32, #tpu.memory_space<vmem>>
    %dma_wait3A_245 = tpu.memref_squeeze %dma_wait3A_244 : memref<1x100x64xf32, #tpu.memory_space<vmem>> -> memref<100x64xf32, #tpu.memory_space<vmem>>
    %dma_wait3A_246 = arith.constant 0 : i32
    %dma_wait3A_247 = arith.constant 0 : i32
    %dma_wait3A_248 = tpu.memref_slice %arg2[%dma_wait3A_246, %dma_wait3A_247] : memref<100000x64xf32, #tpu.memory_space<hbm>> -> memref<100x64xf32, #tpu.memory_space<hbm>>
    tpu.wait_dma2 semaphore(%arg17 : memref<!tpu.dma_semaphore, #tpu.memory_space<semaphore_mem>>) src(%dma_wait3A_248 : memref<100x64xf32, #tpu.memory_space<hbm>>) dst(%dma_wait3A_245 : memref<100x64xf32, #tpu.memory_space<vmem>>)
    %dma_wait3A_249 = arith.constant 0 : i32
    %dma_wait3A_250 = arith.constant 0 : i32
    %dma_wait3A_251 = arith.constant 0 : i32
    %dma_wait3A_252 = tpu.memref_slice %arg9[%dma_wait3A_249, %dma_wait3A_250, %dma_wait3A_251] : memref<2x200x64xf32, #tpu.memory_space<vmem>> -> memref<1x100x64xf32, #tpu.memory_space<vmem>>
    %dma_wait3A_253 = tpu.memref_squeeze %dma_wait3A_252 : memref<1x100x64xf32, #tpu.memory_space<vmem>> -> memref<100x64xf32, #tpu.memory_space<vmem>>
    %dma_wait3A_254 = arith.constant 0 : i32
    %dma_wait3A_255 = arith.constant 0 : i32
    %dma_wait3A_256 = tpu.memref_slice %arg2[%dma_wait3A_254, %dma_wait3A_255] : memref<100000x64xf32, #tpu.memory_space<hbm>> -> memref<100x64xf32, #tpu.memory_space<hbm>>
    %dma_wait3A_257 = arith.constant 0 : i32
    %dma_wait3A_258 = arith.constant 0 : i32
    %dma_wait3A_259 = tpu.memref_slice %arg9[%dma_wait3A_249, %dma_wait3A_257, %dma_wait3A_258] : memref<2x200x64xf32, #tpu.memory_space<vmem>> -> memref<1x100x64xf32, #tpu.memory_space<vmem>>
    %dma_wait3A_260 = tpu.memref_squeeze %dma_wait3A_259 : memref<1x100x64xf32, #tpu.memory_space<vmem>> -> memref<100x64xf32, #tpu.memory_space<vmem>>
    %dma_wait3A_261 = arith.constant 0 : i32
    %dma_wait3A_262 = arith.constant 0 : i32
    %dma_wait3A_263 = tpu.memref_slice %arg2[%dma_wait3A_261, %dma_wait3A_262] : memref<100000x64xf32, #tpu.memory_space<hbm>> -> memref<100x64xf32, #tpu.memory_space<hbm>>
    tpu.wait_dma2 semaphore(%arg17 : memref<!tpu.dma_semaphore, #tpu.memory_space<semaphore_mem>>) src(%dma_wait3A_263 : memref<100x64xf32, #tpu.memory_space<hbm>>) dst(%dma_wait3A_260 : memref<100x64xf32, #tpu.memory_space<vmem>>)
    %add3A_264 = arith.constant 0 : i32
    %add3A_265 = arith.constant 4 : i32
    %add3A_266 = arith.addi %add3A_264, %add3A_265 : i32
    %mul3A_267 = arith.constant 256 : i32
    %mul3A_268 = arith.muli %add3A, %mul3A_267 : i32
    %mul3A_269 = arith.constant 4 : i32
    %mul3A_270 = arith.muli %add3A_266, %mul3A_269 : i32
    %add3A_271 = arith.addi %mul3A_268, %mul3A_270 : i32
    %multiple_of3A_272 = tpu.assume_multiple %add3A_271, 4 : i32
    %dma_start3A_273 = arith.constant 0 : i32
    %dma_start3A_274 = tpu.memref_slice %arg3[%multiple_of3A_272, %dma_start3A_273] : memref<8192x100xi32, #tpu.memory_space<hbm>> -> memref<4x100xi32, #tpu.memory_space<hbm>>
    %dma_start3A_275 = arith.constant 0 : i32
    %dma_start3A_276 = tpu.memref_slice %arg3[%multiple_of3A_272, %dma_start3A_275] : memref<8192x100xi32, #tpu.memory_space<hbm>> -> memref<4x100xi32, #tpu.memory_space<hbm>>
    tpu.enqueue_dma source(%dma_start3A_276 : memref<4x100xi32, #tpu.memory_space<hbm>>) target(%arg5 : memref<4x100xi32, #tpu.memory_space<vmem>>) target_semaphore(%arg13 : memref<!tpu.dma_semaphore, #tpu.memory_space<semaphore_mem>>)
    %mul3A_277 = arith.constant 128 : i32
    %mul3A_278 = arith.muli %add3A, %mul3A_277 : i32
    %mul3A_279 = arith.constant 0 : i32
    %mul3A_280 = arith.constant 2 : i32
    %mul3A_281 = arith.muli %mul3A_279, %mul3A_280 : i32
    %add3A_282 = arith.addi %mul3A_278, %mul3A_281 : i32
    %multiple_of3A_283 = tpu.assume_multiple %add3A_282, 2 : i32
    %dma_start3A_284 = arith.constant 0 : i32
    %dma_start3A_285 = arith.constant 0 : i32
    %dma_start3A_286 = tpu.memref_slice %arg4[%multiple_of3A_283, %dma_start3A_284, %dma_start3A_285] : memref<4096x200x64xf32, #tpu.memory_space<hbm>> -> memref<2x200x64xf32, #tpu.memory_space<hbm>>
    %dma_start3A_287 = arith.constant 0 : i32
    %dma_start3A_288 = arith.constant 0 : i32
    %dma_start3A_289 = tpu.memref_slice %arg4[%multiple_of3A_283, %dma_start3A_287, %dma_start3A_288] : memref<4096x200x64xf32, #tpu.memory_space<hbm>> -> memref<2x200x64xf32, #tpu.memory_space<hbm>>
    tpu.enqueue_dma source(%arg9 : memref<2x200x64xf32, #tpu.memory_space<vmem>>) target(%dma_start3A_289 : memref<2x200x64xf32, #tpu.memory_space<hbm>>) target_semaphore(%arg21 : memref<!tpu.dma_semaphore, #tpu.memory_space<semaphore_mem>>)
    %dma_wait3A_290 = arith.constant 0 : i32
    %dma_wait3A_291 = arith.constant 0 : i32
    %dma_wait3A_292 = tpu.memref_slice %arg3[%dma_wait3A_290, %dma_wait3A_291] : memref<8192x100xi32, #tpu.memory_space<hbm>> -> memref<4x100xi32, #tpu.memory_space<hbm>>
    %dma_wait3A_293 = arith.constant 0 : i32
    %dma_wait3A_294 = arith.constant 0 : i32
    %dma_wait3A_295 = tpu.memref_slice %arg3[%dma_wait3A_293, %dma_wait3A_294] : memref<8192x100xi32, #tpu.memory_space<hbm>> -> memref<4x100xi32, #tpu.memory_space<hbm>>
    tpu.wait_dma2 semaphore(%arg16 : memref<!tpu.dma_semaphore, #tpu.memory_space<semaphore_mem>>) src(%dma_wait3A_295 : memref<4x100xi32, #tpu.memory_space<hbm>>) dst(%arg8 : memref<4x100xi32, #tpu.memory_space<vmem>>)
    %dma_start3A_296 = arith.constant 0 : i32
    %dma_start3A_297 = arith.constant 0 : i32
    %dma_start3A_298 = arith.constant 0 : i32
    %dma_start3A_299 = arith.constant 0 : i32
    %dma_start3A_300 = tpu.memref_slice %arg12[%dma_start3A_297, %dma_start3A_298, %dma_start3A_299] : memref<2x200x64xf32, #tpu.memory_space<vmem>> -> memref<1x100x64xf32, #tpu.memory_space<vmem>>
    %dma_start3A_301 = tpu.memref_squeeze %dma_start3A_300 : memref<1x100x64xf32, #tpu.memory_space<vmem>> -> memref<100x64xf32, #tpu.memory_space<vmem>>
    %dma_start3A_302 = arith.constant 0 : i32
    %dma_start3A_303 = tpu.memref_slice %arg8[%dma_start3A_296, %dma_start3A_302] : memref<4x100xi32, #tpu.memory_space<vmem>> -> memref<1x100xi32, #tpu.memory_space<vmem>>
    %dma_start3A_304 = tpu.memref_squeeze %dma_start3A_303 : memref<1x100xi32, #tpu.memory_space<vmem>> -> memref<100xi32, #tpu.memory_space<vmem>>
    %dma_start3A_305 = arith.constant 0 : i32
    %dma_start3A_306 = arith.constant 0 : i32
    %dma_start3A_307 = tpu.memref_slice %arg2[%dma_start3A_305, %dma_start3A_306] : memref<100000x64xf32, #tpu.memory_space<hbm>> -> memref<100000x64xf32, #tpu.memory_space<hbm>>
    tpu.enqueue_indirect_dma source(%dma_start3A_307 : memref<100000x64xf32, #tpu.memory_space<hbm>>) target(%dma_start3A_301 : memref<100x64xf32, #tpu.memory_space<vmem>>) offsets(%dma_start3A_304 : memref<100xi32, #tpu.memory_space<vmem>>) semaphore(%arg20 : memref<!tpu.dma_semaphore, #tpu.memory_space<semaphore_mem>>)
    %dma_start3A_308 = arith.constant 1 : i32
    %dma_start3A_309 = arith.constant 0 : i32
    %dma_start3A_310 = arith.constant 100 : i32
    %dma_start3A_311 = arith.constant 0 : i32
    %dma_start3A_312 = tpu.memref_slice %arg12[%dma_start3A_309, %dma_start3A_310, %dma_start3A_311] : memref<2x200x64xf32, #tpu.memory_space<vmem>> -> memref<1x100x64xf32, #tpu.memory_space<vmem>>
    %dma_start3A_313 = tpu.memref_squeeze %dma_start3A_312 : memref<1x100x64xf32, #tpu.memory_space<vmem>> -> memref<100x64xf32, #tpu.memory_space<vmem>>
    %dma_start3A_314 = arith.constant 0 : i32
    %dma_start3A_315 = tpu.memref_slice %arg8[%dma_start3A_308, %dma_start3A_314] : memref<4x100xi32, #tpu.memory_space<vmem>> -> memref<1x100xi32, #tpu.memory_space<vmem>>
    %dma_start3A_316 = tpu.memref_squeeze %dma_start3A_315 : memref<1x100xi32, #tpu.memory_space<vmem>> -> memref<100xi32, #tpu.memory_space<vmem>>
    %dma_start3A_317 = arith.constant 0 : i32
    %dma_start3A_318 = arith.constant 0 : i32
    %dma_start3A_319 = tpu.memref_slice %arg2[%dma_start3A_317, %dma_start3A_318] : memref<100000x64xf32, #tpu.memory_space<hbm>> -> memref<100000x64xf32, #tpu.memory_space<hbm>>
    tpu.enqueue_indirect_dma source(%dma_start3A_319 : memref<100000x64xf32, #tpu.memory_space<hbm>>) target(%dma_start3A_313 : memref<100x64xf32, #tpu.memory_space<vmem>>) offsets(%dma_start3A_316 : memref<100xi32, #tpu.memory_space<vmem>>) semaphore(%arg20 : memref<!tpu.dma_semaphore, #tpu.memory_space<semaphore_mem>>)
    %dma_start3A_320 = arith.constant 2 : i32
    %dma_start3A_321 = arith.constant 1 : i32
    %dma_start3A_322 = arith.constant 0 : i32
    %dma_start3A_323 = arith.constant 0 : i32
    %dma_start3A_324 = tpu.memref_slice %arg12[%dma_start3A_321, %dma_start3A_322, %dma_start3A_323] : memref<2x200x64xf32, #tpu.memory_space<vmem>> -> memref<1x100x64xf32, #tpu.memory_space<vmem>>
    %dma_start3A_325 = tpu.memref_squeeze %dma_start3A_324 : memref<1x100x64xf32, #tpu.memory_space<vmem>> -> memref<100x64xf32, #tpu.memory_space<vmem>>
    %dma_start3A_326 = arith.constant 0 : i32
    %dma_start3A_327 = tpu.memref_slice %arg8[%dma_start3A_320, %dma_start3A_326] : memref<4x100xi32, #tpu.memory_space<vmem>> -> memref<1x100xi32, #tpu.memory_space<vmem>>
    %dma_start3A_328 = tpu.memref_squeeze %dma_start3A_327 : memref<1x100xi32, #tpu.memory_space<vmem>> -> memref<100xi32, #tpu.memory_space<vmem>>
    %dma_start3A_329 = arith.constant 0 : i32
    %dma_start3A_330 = arith.constant 0 : i32
    %dma_start3A_331 = tpu.memref_slice %arg2[%dma_start3A_329, %dma_start3A_330] : memref<100000x64xf32, #tpu.memory_space<hbm>> -> memref<100000x64xf32, #tpu.memory_space<hbm>>
    tpu.enqueue_indirect_dma source(%dma_start3A_331 : memref<100000x64xf32, #tpu.memory_space<hbm>>) target(%dma_start3A_325 : memref<100x64xf32, #tpu.memory_space<vmem>>) offsets(%dma_start3A_328 : memref<100xi32, #tpu.memory_space<vmem>>) semaphore(%arg20 : memref<!tpu.dma_semaphore, #tpu.memory_space<semaphore_mem>>)
    %dma_start3A_332 = arith.constant 3 : i32
    %dma_start3A_333 = arith.constant 1 : i32
    %dma_start3A_334 = arith.constant 100 : i32
    %dma_start3A_335 = arith.constant 0 : i32
    %dma_start3A_336 = tpu.memref_slice %arg12[%dma_start3A_333, %dma_start3A_334, %dma_start3A_335] : memref<2x200x64xf32, #tpu.memory_space<vmem>> -> memref<1x100x64xf32, #tpu.memory_space<vmem>>
    %dma_start3A_337 = tpu.memref_squeeze %dma_start3A_336 : memref<1x100x64xf32, #tpu.memory_space<vmem>> -> memref<100x64xf32, #tpu.memory_space<vmem>>
    %dma_start3A_338 = arith.constant 0 : i32
    %dma_start3A_339 = tpu.memref_slice %arg8[%dma_start3A_332, %dma_start3A_338] : memref<4x100xi32, #tpu.memory_space<vmem>> -> memref<1x100xi32, #tpu.memory_space<vmem>>
    %dma_start3A_340 = tpu.memref_squeeze %dma_start3A_339 : memref<1x100xi32, #tpu.memory_space<vmem>> -> memref<100xi32, #tpu.memory_space<vmem>>
    %dma_start3A_341 = arith.constant 0 : i32
    %dma_start3A_342 = arith.constant 0 : i32
    %dma_start3A_343 = tpu.memref_slice %arg2[%dma_start3A_341, %dma_start3A_342] : memref<100000x64xf32, #tpu.memory_space<hbm>> -> memref<100000x64xf32, #tpu.memory_space<hbm>>
    tpu.enqueue_indirect_dma source(%dma_start3A_343 : memref<100000x64xf32, #tpu.memory_space<hbm>>) target(%dma_start3A_337 : memref<100x64xf32, #tpu.memory_space<vmem>>) offsets(%dma_start3A_340 : memref<100xi32, #tpu.memory_space<vmem>>) semaphore(%arg20 : memref<!tpu.dma_semaphore, #tpu.memory_space<semaphore_mem>>)
    %dma_wait3A_344 = arith.constant 0 : i32
    %dma_wait3A_345 = arith.constant 0 : i32
    %dma_wait3A_346 = arith.constant 0 : i32
    %dma_wait3A_347 = tpu.memref_slice %arg10[%dma_wait3A_344, %dma_wait3A_345, %dma_wait3A_346] : memref<2x200x64xf32, #tpu.memory_space<vmem>> -> memref<1x100x64xf32, #tpu.memory_space<vmem>>
    %dma_wait3A_348 = tpu.memref_squeeze %dma_wait3A_347 : memref<1x100x64xf32, #tpu.memory_space<vmem>> -> memref<100x64xf32, #tpu.memory_space<vmem>>
    %dma_wait3A_349 = arith.constant 0 : i32
    %dma_wait3A_350 = arith.constant 0 : i32
    %dma_wait3A_351 = tpu.memref_slice %arg2[%dma_wait3A_349, %dma_wait3A_350] : memref<100000x64xf32, #tpu.memory_space<hbm>> -> memref<100x64xf32, #tpu.memory_space<hbm>>
    %dma_wait3A_352 = arith.constant 0 : i32
    %dma_wait3A_353 = arith.constant 0 : i32
    %dma_wait3A_354 = tpu.memref_slice %arg10[%dma_wait3A_344, %dma_wait3A_352, %dma_wait3A_353] : memref<2x200x64xf32, #tpu.memory_space<vmem>> -> memref<1x100x64xf32, #tpu.memory_space<vmem>>
    %dma_wait3A_355 = tpu.memref_squeeze %dma_wait3A_354 : memref<1x100x64xf32, #tpu.memory_space<vmem>> -> memref<100x64xf32, #tpu.memory_space<vmem>>
    %dma_wait3A_356 = arith.constant 0 : i32
    %dma_wait3A_357 = arith.constant 0 : i32
    %dma_wait3A_358 = tpu.memref_slice %arg2[%dma_wait3A_356, %dma_wait3A_357] : memref<100000x64xf32, #tpu.memory_space<hbm>> -> memref<100x64xf32, #tpu.memory_space<hbm>>
    tpu.wait_dma2 semaphore(%arg18 : memref<!tpu.dma_semaphore, #tpu.memory_space<semaphore_mem>>) src(%dma_wait3A_358 : memref<100x64xf32, #tpu.memory_space<hbm>>) dst(%dma_wait3A_355 : memref<100x64xf32, #tpu.memory_space<vmem>>)
    %dma_wait3A_359 = arith.constant 0 : i32
    %dma_wait3A_360 = arith.constant 0 : i32
    %dma_wait3A_361 = arith.constant 0 : i32
    %dma_wait3A_362 = tpu.memref_slice %arg10[%dma_wait3A_359, %dma_wait3A_360, %dma_wait3A_361] : memref<2x200x64xf32, #tpu.memory_space<vmem>> -> memref<1x100x64xf32, #tpu.memory_space<vmem>>
    %dma_wait3A_363 = tpu.memref_squeeze %dma_wait3A_362 : memref<1x100x64xf32, #tpu.memory_space<vmem>> -> memref<100x64xf32, #tpu.memory_space<vmem>>
    %dma_wait3A_364 = arith.constant 0 : i32
    %dma_wait3A_365 = arith.constant 0 : i32
    %dma_wait3A_366 = tpu.memref_slice %arg2[%dma_wait3A_364, %dma_wait3A_365] : memref<100000x64xf32, #tpu.memory_space<hbm>> -> memref<100x64xf32, #tpu.memory_space<hbm>>
    %dma_wait3A_367 = arith.constant 0 : i32
    %dma_wait3A_368 = arith.constant 0 : i32
    %dma_wait3A_369 = tpu.memref_slice %arg10[%dma_wait3A_359, %dma_wait3A_367, %dma_wait3A_368] : memref<2x200x64xf32, #tpu.memory_space<vmem>> -> memref<1x100x64xf32, #tpu.memory_space<vmem>>
    %dma_wait3A_370 = tpu.memref_squeeze %dma_wait3A_369 : memref<1x100x64xf32, #tpu.memory_space<vmem>> -> memref<100x64xf32, #tpu.memory_space<vmem>>
    %dma_wait3A_371 = arith.constant 0 : i32
    %dma_wait3A_372 = arith.constant 0 : i32
    %dma_wait3A_373 = tpu.memref_slice %arg2[%dma_wait3A_371, %dma_wait3A_372] : memref<100000x64xf32, #tpu.memory_space<hbm>> -> memref<100x64xf32, #tpu.memory_space<hbm>>
    tpu.wait_dma2 semaphore(%arg18 : memref<!tpu.dma_semaphore, #tpu.memory_space<semaphore_mem>>) src(%dma_wait3A_373 : memref<100x64xf32, #tpu.memory_space<hbm>>) dst(%dma_wait3A_370 : memref<100x64xf32, #tpu.memory_space<vmem>>)
    %dma_wait3A_374 = arith.constant 0 : i32
    %dma_wait3A_375 = arith.constant 0 : i32
    %dma_wait3A_376 = arith.constant 0 : i32
    %dma_wait3A_377 = tpu.memref_slice %arg10[%dma_wait3A_374, %dma_wait3A_375, %dma_wait3A_376] : memref<2x200x64xf32, #tpu.memory_space<vmem>> -> memref<1x100x64xf32, #tpu.memory_space<vmem>>
    %dma_wait3A_378 = tpu.memref_squeeze %dma_wait3A_377 : memref<1x100x64xf32, #tpu.memory_space<vmem>> -> memref<100x64xf32, #tpu.memory_space<vmem>>
    %dma_wait3A_379 = arith.constant 0 : i32
    %dma_wait3A_380 = arith.constant 0 : i32
    %dma_wait3A_381 = tpu.memref_slice %arg2[%dma_wait3A_379, %dma_wait3A_380] : memref<100000x64xf32, #tpu.memory_space<hbm>> -> memref<100x64xf32, #tpu.memory_space<hbm>>
    %dma_wait3A_382 = arith.constant 0 : i32
    %dma_wait3A_383 = arith.constant 0 : i32
    %dma_wait3A_384 = tpu.memref_slice %arg10[%dma_wait3A_374, %dma_wait3A_382, %dma_wait3A_383] : memref<2x200x64xf32, #tpu.memory_space<vmem>> -> memref<1x100x64xf32, #tpu.memory_space<vmem>>
    %dma_wait3A_385 = tpu.memref_squeeze %dma_wait3A_384 : memref<1x100x64xf32, #tpu.memory_space<vmem>> -> memref<100x64xf32, #tpu.memory_space<vmem>>
    %dma_wait3A_386 = arith.constant 0 : i32
    %dma_wait3A_387 = arith.constant 0 : i32
    %dma_wait3A_388 = tpu.memref_slice %arg2[%dma_wait3A_386, %dma_wait3A_387] : memref<100000x64xf32, #tpu.memory_space<hbm>> -> memref<100x64xf32, #tpu.memory_space<hbm>>
    tpu.wait_dma2 semaphore(%arg18 : memref<!tpu.dma_semaphore, #tpu.memory_space<semaphore_mem>>) src(%dma_wait3A_388 : memref<100x64xf32, #tpu.memory_space<hbm>>) dst(%dma_wait3A_385 : memref<100x64xf32, #tpu.memory_space<vmem>>)
    %dma_wait3A_389 = arith.constant 0 : i32
    %dma_wait3A_390 = arith.constant 0 : i32
    %dma_wait3A_391 = arith.constant 0 : i32
    %dma_wait3A_392 = tpu.memref_slice %arg10[%dma_wait3A_389, %dma_wait3A_390, %dma_wait3A_391] : memref<2x200x64xf32, #tpu.memory_space<vmem>> -> memref<1x100x64xf32, #tpu.memory_space<vmem>>
    %dma_wait3A_393 = tpu.memref_squeeze %dma_wait3A_392 : memref<1x100x64xf32, #tpu.memory_space<vmem>> -> memref<100x64xf32, #tpu.memory_space<vmem>>
    %dma_wait3A_394 = arith.constant 0 : i32
    %dma_wait3A_395 = arith.constant 0 : i32
    %dma_wait3A_396 = tpu.memref_slice %arg2[%dma_wait3A_394, %dma_wait3A_395] : memref<100000x64xf32, #tpu.memory_space<hbm>> -> memref<100x64xf32, #tpu.memory_space<hbm>>
    %dma_wait3A_397 = arith.constant 0 : i32
    %dma_wait3A_398 = arith.constant 0 : i32
    %dma_wait3A_399 = tpu.memref_slice %arg10[%dma_wait3A_389, %dma_wait3A_397, %dma_wait3A_398] : memref<2x200x64xf32, #tpu.memory_space<vmem>> -> memref<1x100x64xf32, #tpu.memory_space<vmem>>
    %dma_wait3A_400 = tpu.memref_squeeze %dma_wait3A_399 : memref<1x100x64xf32, #tpu.memory_space<vmem>> -> memref<100x64xf32, #tpu.memory_space<vmem>>
    %dma_wait3A_401 = arith.constant 0 : i32
    %dma_wait3A_402 = arith.constant 0 : i32
    %dma_wait3A_403 = tpu.memref_slice %arg2[%dma_wait3A_401, %dma_wait3A_402] : memref<100000x64xf32, #tpu.memory_space<hbm>> -> memref<100x64xf32, #tpu.memory_space<hbm>>
    tpu.wait_dma2 semaphore(%arg18 : memref<!tpu.dma_semaphore, #tpu.memory_space<semaphore_mem>>) src(%dma_wait3A_403 : memref<100x64xf32, #tpu.memory_space<hbm>>) dst(%dma_wait3A_400 : memref<100x64xf32, #tpu.memory_space<vmem>>)
    %add3A_404 = arith.constant 1 : i32
    %add3A_405 = arith.constant 4 : i32
    %add3A_406 = arith.addi %add3A_404, %add3A_405 : i32
    %mul3A_407 = arith.constant 256 : i32
    %mul3A_408 = arith.muli %add3A, %mul3A_407 : i32
    %mul3A_409 = arith.constant 4 : i32
    %mul3A_410 = arith.muli %add3A_406, %mul3A_409 : i32
    %add3A_411 = arith.addi %mul3A_408, %mul3A_410 : i32
    %multiple_of3A_412 = tpu.assume_multiple %add3A_411, 4 : i32
    %dma_start3A_413 = arith.constant 0 : i32
    %dma_start3A_414 = tpu.memref_slice %arg3[%multiple_of3A_412, %dma_start3A_413] : memref<8192x100xi32, #tpu.memory_space<hbm>> -> memref<4x100xi32, #tpu.memory_space<hbm>>
    %dma_start3A_415 = arith.constant 0 : i32
    %dma_start3A_416 = tpu.memref_slice %arg3[%multiple_of3A_412, %dma_start3A_415] : memref<8192x100xi32, #tpu.memory_space<hbm>> -> memref<4x100xi32, #tpu.memory_space<hbm>>
    tpu.enqueue_dma source(%dma_start3A_416 : memref<4x100xi32, #tpu.memory_space<hbm>>) target(%arg6 : memref<4x100xi32, #tpu.memory_space<vmem>>) target_semaphore(%arg14 : memref<!tpu.dma_semaphore, #tpu.memory_space<semaphore_mem>>)
    %mul3A_417 = arith.constant 128 : i32
    %mul3A_418 = arith.muli %add3A, %mul3A_417 : i32
    %mul3A_419 = arith.constant 1 : i32
    %mul3A_420 = arith.constant 2 : i32
    %mul3A_421 = arith.muli %mul3A_419, %mul3A_420 : i32
    %add3A_422 = arith.addi %mul3A_418, %mul3A_421 : i32
    %multiple_of3A_423 = tpu.assume_multiple %add3A_422, 2 : i32
    %dma_start3A_424 = arith.constant 0 : i32
    %dma_start3A_425 = arith.constant 0 : i32
    %dma_start3A_426 = tpu.memref_slice %arg4[%multiple_of3A_423, %dma_start3A_424, %dma_start3A_425] : memref<4096x200x64xf32, #tpu.memory_space<hbm>> -> memref<2x200x64xf32, #tpu.memory_space<hbm>>
    %dma_start3A_427 = arith.constant 0 : i32
    %dma_start3A_428 = arith.constant 0 : i32
    %dma_start3A_429 = tpu.memref_slice %arg4[%multiple_of3A_423, %dma_start3A_427, %dma_start3A_428] : memref<4096x200x64xf32, #tpu.memory_space<hbm>> -> memref<2x200x64xf32, #tpu.memory_space<hbm>>
    tpu.enqueue_dma source(%arg10 : memref<2x200x64xf32, #tpu.memory_space<vmem>>) target(%dma_start3A_429 : memref<2x200x64xf32, #tpu.memory_space<hbm>>) target_semaphore(%arg22 : memref<!tpu.dma_semaphore, #tpu.memory_space<semaphore_mem>>)
    %scan3A = arith.constant 0 : i32
    %scan3A_430 = arith.constant 14 : i32
    %scan3A_431 = arith.addi %scan3A, %scan3A_430 : i32
    %scan3A_432 = arith.constant 1 : i32
    scf.for %scan3A_1178 = %scan3A to %scan3A_431 step %scan3A_432  : i32 {
      %mul3A_1179 = arith.constant 1 : i32
      %mul3A_1180 = arith.muli %scan3A_1178, %mul3A_1179 : i32
      %add3A_1181 = arith.constant 0 : i32
      %add3A_1182 = arith.addi %add3A_1181, %mul3A_1180 : i32
      %mul3A_1183 = arith.constant 4 : i32
      %mul3A_1184 = arith.muli %mul3A_1183, %add3A_1182 : i32
      %add3A_1185 = arith.constant 2 : i32
      %add3A_1186 = arith.addi %add3A_1185, %mul3A_1184 : i32
      %add3A_1187 = arith.constant 0 : i32
      %add3A_1188 = arith.addi %add3A_1186, %add3A_1187 : i32
      %dma_wait3A_1189 = arith.constant 0 : i32
      %dma_wait3A_1190 = arith.constant 0 : i32
      %dma_wait3A_1191 = arith.constant 0 : i32
      %dma_wait3A_1192 = tpu.memref_slice %arg4[%dma_wait3A_1189, %dma_wait3A_1190, %dma_wait3A_1191] : memref<4096x200x64xf32, #tpu.memory_space<hbm>> -> memref<2x200x64xf32, #tpu.memory_space<hbm>>
      %dma_wait3A_1193 = arith.constant 0 : i32
      %dma_wait3A_1194 = arith.constant 0 : i32
      %dma_wait3A_1195 = arith.constant 0 : i32
      %dma_wait3A_1196 = tpu.memref_slice %arg4[%dma_wait3A_1193, %dma_wait3A_1194, %dma_wait3A_1195] : memref<4096x200x64xf32, #tpu.memory_space<hbm>> -> memref<2x200x64xf32, #tpu.memory_space<hbm>>
      tpu.wait_dma2 semaphore(%arg21 : memref<!tpu.dma_semaphore, #tpu.memory_space<semaphore_mem>>) src(%arg9 : memref<2x200x64xf32, #tpu.memory_space<vmem>>) dst(%dma_wait3A_1196 : memref<2x200x64xf32, #tpu.memory_space<hbm>>)
      %dma_wait3A_1197 = arith.constant 0 : i32
      %dma_wait3A_1198 = arith.constant 0 : i32
      %dma_wait3A_1199 = tpu.memref_slice %arg3[%dma_wait3A_1197, %dma_wait3A_1198] : memref<8192x100xi32, #tpu.memory_space<hbm>> -> memref<4x100xi32, #tpu.memory_space<hbm>>
      %dma_wait3A_1200 = arith.constant 0 : i32
      %dma_wait3A_1201 = arith.constant 0 : i32
      %dma_wait3A_1202 = tpu.memref_slice %arg3[%dma_wait3A_1200, %dma_wait3A_1201] : memref<8192x100xi32, #tpu.memory_space<hbm>> -> memref<4x100xi32, #tpu.memory_space<hbm>>
      tpu.wait_dma2 semaphore(%arg13 : memref<!tpu.dma_semaphore, #tpu.memory_space<semaphore_mem>>) src(%dma_wait3A_1202 : memref<4x100xi32, #tpu.memory_space<hbm>>) dst(%arg5 : memref<4x100xi32, #tpu.memory_space<vmem>>)
      %dma_start3A_1203 = arith.constant 0 : i32
      %dma_start3A_1204 = arith.constant 0 : i32
      %dma_start3A_1205 = arith.constant 0 : i32
      %dma_start3A_1206 = arith.constant 0 : i32
      %dma_start3A_1207 = tpu.memref_slice %arg9[%dma_start3A_1204, %dma_start3A_1205, %dma_start3A_1206] : memref<2x200x64xf32, #tpu.memory_space<vmem>> -> memref<1x100x64xf32, #tpu.memory_space<vmem>>
      %dma_start3A_1208 = tpu.memref_squeeze %dma_start3A_1207 : memref<1x100x64xf32, #tpu.memory_space<vmem>> -> memref<100x64xf32, #tpu.memory_space<vmem>>
      %dma_start3A_1209 = arith.constant 0 : i32
      %dma_start3A_1210 = tpu.memref_slice %arg5[%dma_start3A_1203, %dma_start3A_1209] : memref<4x100xi32, #tpu.memory_space<vmem>> -> memref<1x100xi32, #tpu.memory_space<vmem>>
      %dma_start3A_1211 = tpu.memref_squeeze %dma_start3A_1210 : memref<1x100xi32, #tpu.memory_space<vmem>> -> memref<100xi32, #tpu.memory_space<vmem>>
      %dma_start3A_1212 = arith.constant 0 : i32
      %dma_start3A_1213 = arith.constant 0 : i32
      %dma_start3A_1214 = tpu.memref_slice %arg2[%dma_start3A_1212, %dma_start3A_1213] : memref<100000x64xf32, #tpu.memory_space<hbm>> -> memref<100000x64xf32, #tpu.memory_space<hbm>>
      tpu.enqueue_indirect_dma source(%dma_start3A_1214 : memref<100000x64xf32, #tpu.memory_space<hbm>>) target(%dma_start3A_1208 : memref<100x64xf32, #tpu.memory_space<vmem>>) offsets(%dma_start3A_1211 : memref<100xi32, #tpu.memory_space<vmem>>) semaphore(%arg17 : memref<!tpu.dma_semaphore, #tpu.memory_space<semaphore_mem>>)
      %dma_start3A_1215 = arith.constant 1 : i32
      %dma_start3A_1216 = arith.constant 0 : i32
      %dma_start3A_1217 = arith.constant 100 : i32
      %dma_start3A_1218 = arith.constant 0 : i32
      %dma_start3A_1219 = tpu.memref_slice %arg9[%dma_start3A_1216, %dma_start3A_1217, %dma_start3A_1218] : memref<2x200x64xf32, #tpu.memory_space<vmem>> -> memref<1x100x64xf32, #tpu.memory_space<vmem>>
      %dma_start3A_1220 = tpu.memref_squeeze %dma_start3A_1219 : memref<1x100x64xf32, #tpu.memory_space<vmem>> -> memref<100x64xf32, #tpu.memory_space<vmem>>
      %dma_start3A_1221 = arith.constant 0 : i32
      %dma_start3A_1222 = tpu.memref_slice %arg5[%dma_start3A_1215, %dma_start3A_1221] : memref<4x100xi32, #tpu.memory_space<vmem>> -> memref<1x100xi32, #tpu.memory_space<vmem>>
      %dma_start3A_1223 = tpu.memref_squeeze %dma_start3A_1222 : memref<1x100xi32, #tpu.memory_space<vmem>> -> memref<100xi32, #tpu.memory_space<vmem>>
      %dma_start3A_1224 = arith.constant 0 : i32
      %dma_start3A_1225 = arith.constant 0 : i32
      %dma_start3A_1226 = tpu.memref_slice %arg2[%dma_start3A_1224, %dma_start3A_1225] : memref<100000x64xf32, #tpu.memory_space<hbm>> -> memref<100000x64xf32, #tpu.memory_space<hbm>>
      tpu.enqueue_indirect_dma source(%dma_start3A_1226 : memref<100000x64xf32, #tpu.memory_space<hbm>>) target(%dma_start3A_1220 : memref<100x64xf32, #tpu.memory_space<vmem>>) offsets(%dma_start3A_1223 : memref<100xi32, #tpu.memory_space<vmem>>) semaphore(%arg17 : memref<!tpu.dma_semaphore, #tpu.memory_space<semaphore_mem>>)
      %dma_start3A_1227 = arith.constant 2 : i32
      %dma_start3A_1228 = arith.constant 1 : i32
      %dma_start3A_1229 = arith.constant 0 : i32
      %dma_start3A_1230 = arith.constant 0 : i32
      %dma_start3A_1231 = tpu.memref_slice %arg9[%dma_start3A_1228, %dma_start3A_1229, %dma_start3A_1230] : memref<2x200x64xf32, #tpu.memory_space<vmem>> -> memref<1x100x64xf32, #tpu.memory_space<vmem>>
      %dma_start3A_1232 = tpu.memref_squeeze %dma_start3A_1231 : memref<1x100x64xf32, #tpu.memory_space<vmem>> -> memref<100x64xf32, #tpu.memory_space<vmem>>
      %dma_start3A_1233 = arith.constant 0 : i32
      %dma_start3A_1234 = tpu.memref_slice %arg5[%dma_start3A_1227, %dma_start3A_1233] : memref<4x100xi32, #tpu.memory_space<vmem>> -> memref<1x100xi32, #tpu.memory_space<vmem>>
      %dma_start3A_1235 = tpu.memref_squeeze %dma_start3A_1234 : memref<1x100xi32, #tpu.memory_space<vmem>> -> memref<100xi32, #tpu.memory_space<vmem>>
      %dma_start3A_1236 = arith.constant 0 : i32
      %dma_start3A_1237 = arith.constant 0 : i32
      %dma_start3A_1238 = tpu.memref_slice %arg2[%dma_start3A_1236, %dma_start3A_1237] : memref<100000x64xf32, #tpu.memory_space<hbm>> -> memref<100000x64xf32, #tpu.memory_space<hbm>>
      tpu.enqueue_indirect_dma source(%dma_start3A_1238 : memref<100000x64xf32, #tpu.memory_space<hbm>>) target(%dma_start3A_1232 : memref<100x64xf32, #tpu.memory_space<vmem>>) offsets(%dma_start3A_1235 : memref<100xi32, #tpu.memory_space<vmem>>) semaphore(%arg17 : memref<!tpu.dma_semaphore, #tpu.memory_space<semaphore_mem>>)
      %dma_start3A_1239 = arith.constant 3 : i32
      %dma_start3A_1240 = arith.constant 1 : i32
      %dma_start3A_1241 = arith.constant 100 : i32
      %dma_start3A_1242 = arith.constant 0 : i32
      %dma_start3A_1243 = tpu.memref_slice %arg9[%dma_start3A_1240, %dma_start3A_1241, %dma_start3A_1242] : memref<2x200x64xf32, #tpu.memory_space<vmem>> -> memref<1x100x64xf32, #tpu.memory_space<vmem>>
      %dma_start3A_1244 = tpu.memref_squeeze %dma_start3A_1243 : memref<1x100x64xf32, #tpu.memory_space<vmem>> -> memref<100x64xf32, #tpu.memory_space<vmem>>
      %dma_start3A_1245 = arith.constant 0 : i32
      %dma_start3A_1246 = tpu.memref_slice %arg5[%dma_start3A_1239, %dma_start3A_1245] : memref<4x100xi32, #tpu.memory_space<vmem>> -> memref<1x100xi32, #tpu.memory_space<vmem>>
      %dma_start3A_1247 = tpu.memref_squeeze %dma_start3A_1246 : memref<1x100xi32, #tpu.memory_space<vmem>> -> memref<100xi32, #tpu.memory_space<vmem>>
      %dma_start3A_1248 = arith.constant 0 : i32
      %dma_start3A_1249 = arith.constant 0 : i32
      %dma_start3A_1250 = tpu.memref_slice %arg2[%dma_start3A_1248, %dma_start3A_1249] : memref<100000x64xf32, #tpu.memory_space<hbm>> -> memref<100000x64xf32, #tpu.memory_space<hbm>>
      tpu.enqueue_indirect_dma source(%dma_start3A_1250 : memref<100000x64xf32, #tpu.memory_space<hbm>>) target(%dma_start3A_1244 : memref<100x64xf32, #tpu.memory_space<vmem>>) offsets(%dma_start3A_1247 : memref<100xi32, #tpu.memory_space<vmem>>) semaphore(%arg17 : memref<!tpu.dma_semaphore, #tpu.memory_space<semaphore_mem>>)
      %dma_wait3A_1251 = arith.constant 0 : i32
      %dma_wait3A_1252 = arith.constant 0 : i32
      %dma_wait3A_1253 = arith.constant 0 : i32
      %dma_wait3A_1254 = tpu.memref_slice %arg11[%dma_wait3A_1251, %dma_wait3A_1252, %dma_wait3A_1253] : memref<2x200x64xf32, #tpu.memory_space<vmem>> -> memref<1x100x64xf32, #tpu.memory_space<vmem>>
      %dma_wait3A_1255 = tpu.memref_squeeze %dma_wait3A_1254 : memref<1x100x64xf32, #tpu.memory_space<vmem>> -> memref<100x64xf32, #tpu.memory_space<vmem>>
      %dma_wait3A_1256 = arith.constant 0 : i32
      %dma_wait3A_1257 = arith.constant 0 : i32
      %dma_wait3A_1258 = tpu.memref_slice %arg2[%dma_wait3A_1256, %dma_wait3A_1257] : memref<100000x64xf32, #tpu.memory_space<hbm>> -> memref<100x64xf32, #tpu.memory_space<hbm>>
      %dma_wait3A_1259 = arith.constant 0 : i32
      %dma_wait3A_1260 = arith.constant 0 : i32
      %dma_wait3A_1261 = tpu.memref_slice %arg11[%dma_wait3A_1251, %dma_wait3A_1259, %dma_wait3A_1260] : memref<2x200x64xf32, #tpu.memory_space<vmem>> -> memref<1x100x64xf32, #tpu.memory_space<vmem>>
      %dma_wait3A_1262 = tpu.memref_squeeze %dma_wait3A_1261 : memref<1x100x64xf32, #tpu.memory_space<vmem>> -> memref<100x64xf32, #tpu.memory_space<vmem>>
      %dma_wait3A_1263 = arith.constant 0 : i32
      %dma_wait3A_1264 = arith.constant 0 : i32
      %dma_wait3A_1265 = tpu.memref_slice %arg2[%dma_wait3A_1263, %dma_wait3A_1264] : memref<100000x64xf32, #tpu.memory_space<hbm>> -> memref<100x64xf32, #tpu.memory_space<hbm>>
      tpu.wait_dma2 semaphore(%arg19 : memref<!tpu.dma_semaphore, #tpu.memory_space<semaphore_mem>>) src(%dma_wait3A_1265 : memref<100x64xf32, #tpu.memory_space<hbm>>) dst(%dma_wait3A_1262 : memref<100x64xf32, #tpu.memory_space<vmem>>)
      %dma_wait3A_1266 = arith.constant 0 : i32
      %dma_wait3A_1267 = arith.constant 0 : i32
      %dma_wait3A_1268 = arith.constant 0 : i32
      %dma_wait3A_1269 = tpu.memref_slice %arg11[%dma_wait3A_1266, %dma_wait3A_1267, %dma_wait3A_1268] : memref<2x200x64xf32, #tpu.memory_space<vmem>> -> memref<1x100x64xf32, #tpu.memory_space<vmem>>
      %dma_wait3A_1270 = tpu.memref_squeeze %dma_wait3A_1269 : memref<1x100x64xf32, #tpu.memory_space<vmem>> -> memref<100x64xf32, #tpu.memory_space<vmem>>
      %dma_wait3A_1271 = arith.constant 0 : i32
      %dma_wait3A_1272 = arith.constant 0 : i32
      %dma_wait3A_1273 = tpu.memref_slice %arg2[%dma_wait3A_1271, %dma_wait3A_1272] : memref<100000x64xf32, #tpu.memory_space<hbm>> -> memref<100x64xf32, #tpu.memory_space<hbm>>
      %dma_wait3A_1274 = arith.constant 0 : i32
      %dma_wait3A_1275 = arith.constant 0 : i32
      %dma_wait3A_1276 = tpu.memref_slice %arg11[%dma_wait3A_1266, %dma_wait3A_1274, %dma_wait3A_1275] : memref<2x200x64xf32, #tpu.memory_space<vmem>> -> memref<1x100x64xf32, #tpu.memory_space<vmem>>
      %dma_wait3A_1277 = tpu.memref_squeeze %dma_wait3A_1276 : memref<1x100x64xf32, #tpu.memory_space<vmem>> -> memref<100x64xf32, #tpu.memory_space<vmem>>
      %dma_wait3A_1278 = arith.constant 0 : i32
      %dma_wait3A_1279 = arith.constant 0 : i32
      %dma_wait3A_1280 = tpu.memref_slice %arg2[%dma_wait3A_1278, %dma_wait3A_1279] : memref<100000x64xf32, #tpu.memory_space<hbm>> -> memref<100x64xf32, #tpu.memory_space<hbm>>
      tpu.wait_dma2 semaphore(%arg19 : memref<!tpu.dma_semaphore, #tpu.memory_space<semaphore_mem>>) src(%dma_wait3A_1280 : memref<100x64xf32, #tpu.memory_space<hbm>>) dst(%dma_wait3A_1277 : memref<100x64xf32, #tpu.memory_space<vmem>>)
      %dma_wait3A_1281 = arith.constant 0 : i32
      %dma_wait3A_1282 = arith.constant 0 : i32
      %dma_wait3A_1283 = arith.constant 0 : i32
      %dma_wait3A_1284 = tpu.memref_slice %arg11[%dma_wait3A_1281, %dma_wait3A_1282, %dma_wait3A_1283] : memref<2x200x64xf32, #tpu.memory_space<vmem>> -> memref<1x100x64xf32, #tpu.memory_space<vmem>>
      %dma_wait3A_1285 = tpu.memref_squeeze %dma_wait3A_1284 : memref<1x100x64xf32, #tpu.memory_space<vmem>> -> memref<100x64xf32, #tpu.memory_space<vmem>>
      %dma_wait3A_1286 = arith.constant 0 : i32
      %dma_wait3A_1287 = arith.constant 0 : i32
      %dma_wait3A_1288 = tpu.memref_slice %arg2[%dma_wait3A_1286, %dma_wait3A_1287] : memref<100000x64xf32, #tpu.memory_space<hbm>> -> memref<100x64xf32, #tpu.memory_space<hbm>>
      %dma_wait3A_1289 = arith.constant 0 : i32
      %dma_wait3A_1290 = arith.constant 0 : i32
      %dma_wait3A_1291 = tpu.memref_slice %arg11[%dma_wait3A_1281, %dma_wait3A_1289, %dma_wait3A_1290] : memref<2x200x64xf32, #tpu.memory_space<vmem>> -> memref<1x100x64xf32, #tpu.memory_space<vmem>>
      %dma_wait3A_1292 = tpu.memref_squeeze %dma_wait3A_1291 : memref<1x100x64xf32, #tpu.memory_space<vmem>> -> memref<100x64xf32, #tpu.memory_space<vmem>>
      %dma_wait3A_1293 = arith.constant 0 : i32
      %dma_wait3A_1294 = arith.constant 0 : i32
      %dma_wait3A_1295 = tpu.memref_slice %arg2[%dma_wait3A_1293, %dma_wait3A_1294] : memref<100000x64xf32, #tpu.memory_space<hbm>> -> memref<100x64xf32, #tpu.memory_space<hbm>>
      tpu.wait_dma2 semaphore(%arg19 : memref<!tpu.dma_semaphore, #tpu.memory_space<semaphore_mem>>) src(%dma_wait3A_1295 : memref<100x64xf32, #tpu.memory_space<hbm>>) dst(%dma_wait3A_1292 : memref<100x64xf32, #tpu.memory_space<vmem>>)
      %dma_wait3A_1296 = arith.constant 0 : i32
      %dma_wait3A_1297 = arith.constant 0 : i32
      %dma_wait3A_1298 = arith.constant 0 : i32
      %dma_wait3A_1299 = tpu.memref_slice %arg11[%dma_wait3A_1296, %dma_wait3A_1297, %dma_wait3A_1298] : memref<2x200x64xf32, #tpu.memory_space<vmem>> -> memref<1x100x64xf32, #tpu.memory_space<vmem>>
      %dma_wait3A_1300 = tpu.memref_squeeze %dma_wait3A_1299 : memref<1x100x64xf32, #tpu.memory_space<vmem>> -> memref<100x64xf32, #tpu.memory_space<vmem>>
      %dma_wait3A_1301 = arith.constant 0 : i32
      %dma_wait3A_1302 = arith.constant 0 : i32
      %dma_wait3A_1303 = tpu.memref_slice %arg2[%dma_wait3A_1301, %dma_wait3A_1302] : memref<100000x64xf32, #tpu.memory_space<hbm>> -> memref<100x64xf32, #tpu.memory_space<hbm>>
      %dma_wait3A_1304 = arith.constant 0 : i32
      %dma_wait3A_1305 = arith.constant 0 : i32
      %dma_wait3A_1306 = tpu.memref_slice %arg11[%dma_wait3A_1296, %dma_wait3A_1304, %dma_wait3A_1305] : memref<2x200x64xf32, #tpu.memory_space<vmem>> -> memref<1x100x64xf32, #tpu.memory_space<vmem>>
      %dma_wait3A_1307 = tpu.memref_squeeze %dma_wait3A_1306 : memref<1x100x64xf32, #tpu.memory_space<vmem>> -> memref<100x64xf32, #tpu.memory_space<vmem>>
      %dma_wait3A_1308 = arith.constant 0 : i32
      %dma_wait3A_1309 = arith.constant 0 : i32
      %dma_wait3A_1310 = tpu.memref_slice %arg2[%dma_wait3A_1308, %dma_wait3A_1309] : memref<100000x64xf32, #tpu.memory_space<hbm>> -> memref<100x64xf32, #tpu.memory_space<hbm>>
      tpu.wait_dma2 semaphore(%arg19 : memref<!tpu.dma_semaphore, #tpu.memory_space<semaphore_mem>>) src(%dma_wait3A_1310 : memref<100x64xf32, #tpu.memory_space<hbm>>) dst(%dma_wait3A_1307 : memref<100x64xf32, #tpu.memory_space<vmem>>)
      %add3A_1311 = arith.constant 4 : i32
      %add3A_1312 = arith.addi %add3A_1188, %add3A_1311 : i32
      %mul3A_1313 = arith.constant 256 : i32
      %mul3A_1314 = arith.muli %add3A, %mul3A_1313 : i32
      %mul3A_1315 = arith.constant 4 : i32
      %mul3A_1316 = arith.muli %add3A_1312, %mul3A_1315 : i32
      %add3A_1317 = arith.addi %mul3A_1314, %mul3A_1316 : i32
      %multiple_of3A_1318 = tpu.assume_multiple %add3A_1317, 4 : i32
      %dma_start3A_1319 = arith.constant 0 : i32
      %dma_start3A_1320 = tpu.memref_slice %arg3[%multiple_of3A_1318, %dma_start3A_1319] : memref<8192x100xi32, #tpu.memory_space<hbm>> -> memref<4x100xi32, #tpu.memory_space<hbm>>
      %dma_start3A_1321 = arith.constant 0 : i32
      %dma_start3A_1322 = tpu.memref_slice %arg3[%multiple_of3A_1318, %dma_start3A_1321] : memref<8192x100xi32, #tpu.memory_space<hbm>> -> memref<4x100xi32, #tpu.memory_space<hbm>>
      tpu.enqueue_dma source(%dma_start3A_1322 : memref<4x100xi32, #tpu.memory_space<hbm>>) target(%arg7 : memref<4x100xi32, #tpu.memory_space<vmem>>) target_semaphore(%arg15 : memref<!tpu.dma_semaphore, #tpu.memory_space<semaphore_mem>>)
      %mul3A_1323 = arith.constant 128 : i32
      %mul3A_1324 = arith.muli %add3A, %mul3A_1323 : i32
      %mul3A_1325 = arith.constant 2 : i32
      %mul3A_1326 = arith.muli %add3A_1188, %mul3A_1325 : i32
      %add3A_1327 = arith.addi %mul3A_1324, %mul3A_1326 : i32
      %multiple_of3A_1328 = tpu.assume_multiple %add3A_1327, 2 : i32
      %dma_start3A_1329 = arith.constant 0 : i32
      %dma_start3A_1330 = arith.constant 0 : i32
      %dma_start3A_1331 = tpu.memref_slice %arg4[%multiple_of3A_1328, %dma_start3A_1329, %dma_start3A_1330] : memref<4096x200x64xf32, #tpu.memory_space<hbm>> -> memref<2x200x64xf32, #tpu.memory_space<hbm>>
      %dma_start3A_1332 = arith.constant 0 : i32
      %dma_start3A_1333 = arith.constant 0 : i32
      %dma_start3A_1334 = tpu.memref_slice %arg4[%multiple_of3A_1328, %dma_start3A_1332, %dma_start3A_1333] : memref<4096x200x64xf32, #tpu.memory_space<hbm>> -> memref<2x200x64xf32, #tpu.memory_space<hbm>>
      tpu.enqueue_dma source(%arg11 : memref<2x200x64xf32, #tpu.memory_space<vmem>>) target(%dma_start3A_1334 : memref<2x200x64xf32, #tpu.memory_space<hbm>>) target_semaphore(%arg23 : memref<!tpu.dma_semaphore, #tpu.memory_space<semaphore_mem>>)
      %add3A_1335 = arith.constant 1 : i32
      %add3A_1336 = arith.addi %add3A_1186, %add3A_1335 : i32
      %dma_wait3A_1337 = arith.constant 0 : i32
      %dma_wait3A_1338 = arith.constant 0 : i32
      %dma_wait3A_1339 = arith.constant 0 : i32
      %dma_wait3A_1340 = tpu.memref_slice %arg4[%dma_wait3A_1337, %dma_wait3A_1338, %dma_wait3A_1339] : memref<4096x200x64xf32, #tpu.memory_space<hbm>> -> memref<2x200x64xf32, #tpu.memory_space<hbm>>
      %dma_wait3A_1341 = arith.constant 0 : i32
      %dma_wait3A_1342 = arith.constant 0 : i32
      %dma_wait3A_1343 = arith.constant 0 : i32
      %dma_wait3A_1344 = tpu.memref_slice %arg4[%dma_wait3A_1341, %dma_wait3A_1342, %dma_wait3A_1343] : memref<4096x200x64xf32, #tpu.memory_space<hbm>> -> memref<2x200x64xf32, #tpu.memory_space<hbm>>
      tpu.wait_dma2 semaphore(%arg22 : memref<!tpu.dma_semaphore, #tpu.memory_space<semaphore_mem>>) src(%arg10 : memref<2x200x64xf32, #tpu.memory_space<vmem>>) dst(%dma_wait3A_1344 : memref<2x200x64xf32, #tpu.memory_space<hbm>>)
      %dma_wait3A_1345 = arith.constant 0 : i32
      %dma_wait3A_1346 = arith.constant 0 : i32
      %dma_wait3A_1347 = tpu.memref_slice %arg3[%dma_wait3A_1345, %dma_wait3A_1346] : memref<8192x100xi32, #tpu.memory_space<hbm>> -> memref<4x100xi32, #tpu.memory_space<hbm>>
      %dma_wait3A_1348 = arith.constant 0 : i32
      %dma_wait3A_1349 = arith.constant 0 : i32
      %dma_wait3A_1350 = tpu.memref_slice %arg3[%dma_wait3A_1348, %dma_wait3A_1349] : memref<8192x100xi32, #tpu.memory_space<hbm>> -> memref<4x100xi32, #tpu.memory_space<hbm>>
      tpu.wait_dma2 semaphore(%arg14 : memref<!tpu.dma_semaphore, #tpu.memory_space<semaphore_mem>>) src(%dma_wait3A_1350 : memref<4x100xi32, #tpu.memory_space<hbm>>) dst(%arg6 : memref<4x100xi32, #tpu.memory_space<vmem>>)
      %dma_start3A_1351 = arith.constant 0 : i32
      %dma_start3A_1352 = arith.constant 0 : i32
      %dma_start3A_1353 = arith.constant 0 : i32
      %dma_start3A_1354 = arith.constant 0 : i32
      %dma_start3A_1355 = tpu.memref_slice %arg10[%dma_start3A_1352, %dma_start3A_1353, %dma_start3A_1354] : memref<2x200x64xf32, #tpu.memory_space<vmem>> -> memref<1x100x64xf32, #tpu.memory_space<vmem>>
      %dma_start3A_1356 = tpu.memref_squeeze %dma_start3A_1355 : memref<1x100x64xf32, #tpu.memory_space<vmem>> -> memref<100x64xf32, #tpu.memory_space<vmem>>
      %dma_start3A_1357 = arith.constant 0 : i32
      %dma_start3A_1358 = tpu.memref_slice %arg6[%dma_start3A_1351, %dma_start3A_1357] : memref<4x100xi32, #tpu.memory_space<vmem>> -> memref<1x100xi32, #tpu.memory_space<vmem>>
      %dma_start3A_1359 = tpu.memref_squeeze %dma_start3A_1358 : memref<1x100xi32, #tpu.memory_space<vmem>> -> memref<100xi32, #tpu.memory_space<vmem>>
      %dma_start3A_1360 = arith.constant 0 : i32
      %dma_start3A_1361 = arith.constant 0 : i32
      %dma_start3A_1362 = tpu.memref_slice %arg2[%dma_start3A_1360, %dma_start3A_1361] : memref<100000x64xf32, #tpu.memory_space<hbm>> -> memref<100000x64xf32, #tpu.memory_space<hbm>>
      tpu.enqueue_indirect_dma source(%dma_start3A_1362 : memref<100000x64xf32, #tpu.memory_space<hbm>>) target(%dma_start3A_1356 : memref<100x64xf32, #tpu.memory_space<vmem>>) offsets(%dma_start3A_1359 : memref<100xi32, #tpu.memory_space<vmem>>) semaphore(%arg18 : memref<!tpu.dma_semaphore, #tpu.memory_space<semaphore_mem>>)
      %dma_start3A_1363 = arith.constant 1 : i32
      %dma_start3A_1364 = arith.constant 0 : i32
      %dma_start3A_1365 = arith.constant 100 : i32
      %dma_start3A_1366 = arith.constant 0 : i32
      %dma_start3A_1367 = tpu.memref_slice %arg10[%dma_start3A_1364, %dma_start3A_1365, %dma_start3A_1366] : memref<2x200x64xf32, #tpu.memory_space<vmem>> -> memref<1x100x64xf32, #tpu.memory_space<vmem>>
      %dma_start3A_1368 = tpu.memref_squeeze %dma_start3A_1367 : memref<1x100x64xf32, #tpu.memory_space<vmem>> -> memref<100x64xf32, #tpu.memory_space<vmem>>
      %dma_start3A_1369 = arith.constant 0 : i32
      %dma_start3A_1370 = tpu.memref_slice %arg6[%dma_start3A_1363, %dma_start3A_1369] : memref<4x100xi32, #tpu.memory_space<vmem>> -> memref<1x100xi32, #tpu.memory_space<vmem>>
      %dma_start3A_1371 = tpu.memref_squeeze %dma_start3A_1370 : memref<1x100xi32, #tpu.memory_space<vmem>> -> memref<100xi32, #tpu.memory_space<vmem>>
      %dma_start3A_1372 = arith.constant 0 : i32
      %dma_start3A_1373 = arith.constant 0 : i32
      %dma_start3A_1374 = tpu.memref_slice %arg2[%dma_start3A_1372, %dma_start3A_1373] : memref<100000x64xf32, #tpu.memory_space<hbm>> -> memref<100000x64xf32, #tpu.memory_space<hbm>>
      tpu.enqueue_indirect_dma source(%dma_start3A_1374 : memref<100000x64xf32, #tpu.memory_space<hbm>>) target(%dma_start3A_1368 : memref<100x64xf32, #tpu.memory_space<vmem>>) offsets(%dma_start3A_1371 : memref<100xi32, #tpu.memory_space<vmem>>) semaphore(%arg18 : memref<!tpu.dma_semaphore, #tpu.memory_space<semaphore_mem>>)
      %dma_start3A_1375 = arith.constant 2 : i32
      %dma_start3A_1376 = arith.constant 1 : i32
      %dma_start3A_1377 = arith.constant 0 : i32
      %dma_start3A_1378 = arith.constant 0 : i32
      %dma_start3A_1379 = tpu.memref_slice %arg10[%dma_start3A_1376, %dma_start3A_1377, %dma_start3A_1378] : memref<2x200x64xf32, #tpu.memory_space<vmem>> -> memref<1x100x64xf32, #tpu.memory_space<vmem>>
      %dma_start3A_1380 = tpu.memref_squeeze %dma_start3A_1379 : memref<1x100x64xf32, #tpu.memory_space<vmem>> -> memref<100x64xf32, #tpu.memory_space<vmem>>
      %dma_start3A_1381 = arith.constant 0 : i32
      %dma_start3A_1382 = tpu.memref_slice %arg6[%dma_start3A_1375, %dma_start3A_1381] : memref<4x100xi32, #tpu.memory_space<vmem>> -> memref<1x100xi32, #tpu.memory_space<vmem>>
      %dma_start3A_1383 = tpu.memref_squeeze %dma_start3A_1382 : memref<1x100xi32, #tpu.memory_space<vmem>> -> memref<100xi32, #tpu.memory_space<vmem>>
      %dma_start3A_1384 = arith.constant 0 : i32
      %dma_start3A_1385 = arith.constant 0 : i32
      %dma_start3A_1386 = tpu.memref_slice %arg2[%dma_start3A_1384, %dma_start3A_1385] : memref<100000x64xf32, #tpu.memory_space<hbm>> -> memref<100000x64xf32, #tpu.memory_space<hbm>>
      tpu.enqueue_indirect_dma source(%dma_start3A_1386 : memref<100000x64xf32, #tpu.memory_space<hbm>>) target(%dma_start3A_1380 : memref<100x64xf32, #tpu.memory_space<vmem>>) offsets(%dma_start3A_1383 : memref<100xi32, #tpu.memory_space<vmem>>) semaphore(%arg18 : memref<!tpu.dma_semaphore, #tpu.memory_space<semaphore_mem>>)
      %dma_start3A_1387 = arith.constant 3 : i32
      %dma_start3A_1388 = arith.constant 1 : i32
      %dma_start3A_1389 = arith.constant 100 : i32
      %dma_start3A_1390 = arith.constant 0 : i32
      %dma_start3A_1391 = tpu.memref_slice %arg10[%dma_start3A_1388, %dma_start3A_1389, %dma_start3A_1390] : memref<2x200x64xf32, #tpu.memory_space<vmem>> -> memref<1x100x64xf32, #tpu.memory_space<vmem>>
      %dma_start3A_1392 = tpu.memref_squeeze %dma_start3A_1391 : memref<1x100x64xf32, #tpu.memory_space<vmem>> -> memref<100x64xf32, #tpu.memory_space<vmem>>
      %dma_start3A_1393 = arith.constant 0 : i32
      %dma_start3A_1394 = tpu.memref_slice %arg6[%dma_start3A_1387, %dma_start3A_1393] : memref<4x100xi32, #tpu.memory_space<vmem>> -> memref<1x100xi32, #tpu.memory_space<vmem>>
      %dma_start3A_1395 = tpu.memref_squeeze %dma_start3A_1394 : memref<1x100xi32, #tpu.memory_space<vmem>> -> memref<100xi32, #tpu.memory_space<vmem>>
      %dma_start3A_1396 = arith.constant 0 : i32
      %dma_start3A_1397 = arith.constant 0 : i32
      %dma_start3A_1398 = tpu.memref_slice %arg2[%dma_start3A_1396, %dma_start3A_1397] : memref<100000x64xf32, #tpu.memory_space<hbm>> -> memref<100000x64xf32, #tpu.memory_space<hbm>>
      tpu.enqueue_indirect_dma source(%dma_start3A_1398 : memref<100000x64xf32, #tpu.memory_space<hbm>>) target(%dma_start3A_1392 : memref<100x64xf32, #tpu.memory_space<vmem>>) offsets(%dma_start3A_1395 : memref<100xi32, #tpu.memory_space<vmem>>) semaphore(%arg18 : memref<!tpu.dma_semaphore, #tpu.memory_space<semaphore_mem>>)
      %dma_wait3A_1399 = arith.constant 0 : i32
      %dma_wait3A_1400 = arith.constant 0 : i32
      %dma_wait3A_1401 = arith.constant 0 : i32
      %dma_wait3A_1402 = tpu.memref_slice %arg12[%dma_wait3A_1399, %dma_wait3A_1400, %dma_wait3A_1401] : memref<2x200x64xf32, #tpu.memory_space<vmem>> -> memref<1x100x64xf32, #tpu.memory_space<vmem>>
      %dma_wait3A_1403 = tpu.memref_squeeze %dma_wait3A_1402 : memref<1x100x64xf32, #tpu.memory_space<vmem>> -> memref<100x64xf32, #tpu.memory_space<vmem>>
      %dma_wait3A_1404 = arith.constant 0 : i32
      %dma_wait3A_1405 = arith.constant 0 : i32
      %dma_wait3A_1406 = tpu.memref_slice %arg2[%dma_wait3A_1404, %dma_wait3A_1405] : memref<100000x64xf32, #tpu.memory_space<hbm>> -> memref<100x64xf32, #tpu.memory_space<hbm>>
      %dma_wait3A_1407 = arith.constant 0 : i32
      %dma_wait3A_1408 = arith.constant 0 : i32
      %dma_wait3A_1409 = tpu.memref_slice %arg12[%dma_wait3A_1399, %dma_wait3A_1407, %dma_wait3A_1408] : memref<2x200x64xf32, #tpu.memory_space<vmem>> -> memref<1x100x64xf32, #tpu.memory_space<vmem>>
      %dma_wait3A_1410 = tpu.memref_squeeze %dma_wait3A_1409 : memref<1x100x64xf32, #tpu.memory_space<vmem>> -> memref<100x64xf32, #tpu.memory_space<vmem>>
      %dma_wait3A_1411 = arith.constant 0 : i32
      %dma_wait3A_1412 = arith.constant 0 : i32
      %dma_wait3A_1413 = tpu.memref_slice %arg2[%dma_wait3A_1411, %dma_wait3A_1412] : memref<100000x64xf32, #tpu.memory_space<hbm>> -> memref<100x64xf32, #tpu.memory_space<hbm>>
      tpu.wait_dma2 semaphore(%arg20 : memref<!tpu.dma_semaphore, #tpu.memory_space<semaphore_mem>>) src(%dma_wait3A_1413 : memref<100x64xf32, #tpu.memory_space<hbm>>) dst(%dma_wait3A_1410 : memref<100x64xf32, #tpu.memory_space<vmem>>)
      %dma_wait3A_1414 = arith.constant 0 : i32
      %dma_wait3A_1415 = arith.constant 0 : i32
      %dma_wait3A_1416 = arith.constant 0 : i32
      %dma_wait3A_1417 = tpu.memref_slice %arg12[%dma_wait3A_1414, %dma_wait3A_1415, %dma_wait3A_1416] : memref<2x200x64xf32, #tpu.memory_space<vmem>> -> memref<1x100x64xf32, #tpu.memory_space<vmem>>
      %dma_wait3A_1418 = tpu.memref_squeeze %dma_wait3A_1417 : memref<1x100x64xf32, #tpu.memory_space<vmem>> -> memref<100x64xf32, #tpu.memory_space<vmem>>
      %dma_wait3A_1419 = arith.constant 0 : i32
      %dma_wait3A_1420 = arith.constant 0 : i32
      %dma_wait3A_1421 = tpu.memref_slice %arg2[%dma_wait3A_1419, %dma_wait3A_1420] : memref<100000x64xf32, #tpu.memory_space<hbm>> -> memref<100x64xf32, #tpu.memory_space<hbm>>
      %dma_wait3A_1422 = arith.constant 0 : i32
      %dma_wait3A_1423 = arith.constant 0 : i32
      %dma_wait3A_1424 = tpu.memref_slice %arg12[%dma_wait3A_1414, %dma_wait3A_1422, %dma_wait3A_1423] : memref<2x200x64xf32, #tpu.memory_space<vmem>> -> memref<1x100x64xf32, #tpu.memory_space<vmem>>
      %dma_wait3A_1425 = tpu.memref_squeeze %dma_wait3A_1424 : memref<1x100x64xf32, #tpu.memory_space<vmem>> -> memref<100x64xf32, #tpu.memory_space<vmem>>
      %dma_wait3A_1426 = arith.constant 0 : i32
      %dma_wait3A_1427 = arith.constant 0 : i32
      %dma_wait3A_1428 = tpu.memref_slice %arg2[%dma_wait3A_1426, %dma_wait3A_1427] : memref<100000x64xf32, #tpu.memory_space<hbm>> -> memref<100x64xf32, #tpu.memory_space<hbm>>
      tpu.wait_dma2 semaphore(%arg20 : memref<!tpu.dma_semaphore, #tpu.memory_space<semaphore_mem>>) src(%dma_wait3A_1428 : memref<100x64xf32, #tpu.memory_space<hbm>>) dst(%dma_wait3A_1425 : memref<100x64xf32, #tpu.memory_space<vmem>>)
      %dma_wait3A_1429 = arith.constant 0 : i32
      %dma_wait3A_1430 = arith.constant 0 : i32
      %dma_wait3A_1431 = arith.constant 0 : i32
      %dma_wait3A_1432 = tpu.memref_slice %arg12[%dma_wait3A_1429, %dma_wait3A_1430, %dma_wait3A_1431] : memref<2x200x64xf32, #tpu.memory_space<vmem>> -> memref<1x100x64xf32, #tpu.memory_space<vmem>>
      %dma_wait3A_1433 = tpu.memref_squeeze %dma_wait3A_1432 : memref<1x100x64xf32, #tpu.memory_space<vmem>> -> memref<100x64xf32, #tpu.memory_space<vmem>>
      %dma_wait3A_1434 = arith.constant 0 : i32
      %dma_wait3A_1435 = arith.constant 0 : i32
      %dma_wait3A_1436 = tpu.memref_slice %arg2[%dma_wait3A_1434, %dma_wait3A_1435] : memref<100000x64xf32, #tpu.memory_space<hbm>> -> memref<100x64xf32, #tpu.memory_space<hbm>>
      %dma_wait3A_1437 = arith.constant 0 : i32
      %dma_wait3A_1438 = arith.constant 0 : i32
      %dma_wait3A_1439 = tpu.memref_slice %arg12[%dma_wait3A_1429, %dma_wait3A_1437, %dma_wait3A_1438] : memref<2x200x64xf32, #tpu.memory_space<vmem>> -> memref<1x100x64xf32, #tpu.memory_space<vmem>>
      %dma_wait3A_1440 = tpu.memref_squeeze %dma_wait3A_1439 : memref<1x100x64xf32, #tpu.memory_space<vmem>> -> memref<100x64xf32, #tpu.memory_space<vmem>>
      %dma_wait3A_1441 = arith.constant 0 : i32
      %dma_wait3A_1442 = arith.constant 0 : i32
      %dma_wait3A_1443 = tpu.memref_slice %arg2[%dma_wait3A_1441, %dma_wait3A_1442] : memref<100000x64xf32, #tpu.memory_space<hbm>> -> memref<100x64xf32, #tpu.memory_space<hbm>>
      tpu.wait_dma2 semaphore(%arg20 : memref<!tpu.dma_semaphore, #tpu.memory_space<semaphore_mem>>) src(%dma_wait3A_1443 : memref<100x64xf32, #tpu.memory_space<hbm>>) dst(%dma_wait3A_1440 : memref<100x64xf32, #tpu.memory_space<vmem>>)
      %dma_wait3A_1444 = arith.constant 0 : i32
      %dma_wait3A_1445 = arith.constant 0 : i32
      %dma_wait3A_1446 = arith.constant 0 : i32
      %dma_wait3A_1447 = tpu.memref_slice %arg12[%dma_wait3A_1444, %dma_wait3A_1445, %dma_wait3A_1446] : memref<2x200x64xf32, #tpu.memory_space<vmem>> -> memref<1x100x64xf32, #tpu.memory_space<vmem>>
      %dma_wait3A_1448 = tpu.memref_squeeze %dma_wait3A_1447 : memref<1x100x64xf32, #tpu.memory_space<vmem>> -> memref<100x64xf32, #tpu.memory_space<vmem>>
      %dma_wait3A_1449 = arith.constant 0 : i32
      %dma_wait3A_1450 = arith.constant 0 : i32
      %dma_wait3A_1451 = tpu.memref_slice %arg2[%dma_wait3A_1449, %dma_wait3A_1450] : memref<100000x64xf32, #tpu.memory_space<hbm>> -> memref<100x64xf32, #tpu.memory_space<hbm>>
      %dma_wait3A_1452 = arith.constant 0 : i32
      %dma_wait3A_1453 = arith.constant 0 : i32
      %dma_wait3A_1454 = tpu.memref_slice %arg12[%dma_wait3A_1444, %dma_wait3A_1452, %dma_wait3A_1453] : memref<2x200x64xf32, #tpu.memory_space<vmem>> -> memref<1x100x64xf32, #tpu.memory_space<vmem>>
      %dma_wait3A_1455 = tpu.memref_squeeze %dma_wait3A_1454 : memref<1x100x64xf32, #tpu.memory_space<vmem>> -> memref<100x64xf32, #tpu.memory_space<vmem>>
      %dma_wait3A_1456 = arith.constant 0 : i32
      %dma_wait3A_1457 = arith.constant 0 : i32
      %dma_wait3A_1458 = tpu.memref_slice %arg2[%dma_wait3A_1456, %dma_wait3A_1457] : memref<100000x64xf32, #tpu.memory_space<hbm>> -> memref<100x64xf32, #tpu.memory_space<hbm>>
      tpu.wait_dma2 semaphore(%arg20 : memref<!tpu.dma_semaphore, #tpu.memory_space<semaphore_mem>>) src(%dma_wait3A_1458 : memref<100x64xf32, #tpu.memory_space<hbm>>) dst(%dma_wait3A_1455 : memref<100x64xf32, #tpu.memory_space<vmem>>)
      %add3A_1459 = arith.constant 4 : i32
      %add3A_1460 = arith.addi %add3A_1336, %add3A_1459 : i32
      %mul3A_1461 = arith.constant 256 : i32
      %mul3A_1462 = arith.muli %add3A, %mul3A_1461 : i32
      %mul3A_1463 = arith.constant 4 : i32
      %mul3A_1464 = arith.muli %add3A_1460, %mul3A_1463 : i32
      %add3A_1465 = arith.addi %mul3A_1462, %mul3A_1464 : i32
      %multiple_of3A_1466 = tpu.assume_multiple %add3A_1465, 4 : i32
      %dma_start3A_1467 = arith.constant 0 : i32
      %dma_start3A_1468 = tpu.memref_slice %arg3[%multiple_of3A_1466, %dma_start3A_1467] : memref<8192x100xi32, #tpu.memory_space<hbm>> -> memref<4x100xi32, #tpu.memory_space<hbm>>
      %dma_start3A_1469 = arith.constant 0 : i32
      %dma_start3A_1470 = tpu.memref_slice %arg3[%multiple_of3A_1466, %dma_start3A_1469] : memref<8192x100xi32, #tpu.memory_space<hbm>> -> memref<4x100xi32, #tpu.memory_space<hbm>>
      tpu.enqueue_dma source(%dma_start3A_1470 : memref<4x100xi32, #tpu.memory_space<hbm>>) target(%arg8 : memref<4x100xi32, #tpu.memory_space<vmem>>) target_semaphore(%arg16 : memref<!tpu.dma_semaphore, #tpu.memory_space<semaphore_mem>>)
      %mul3A_1471 = arith.constant 128 : i32
      %mul3A_1472 = arith.muli %add3A, %mul3A_1471 : i32
      %mul3A_1473 = arith.constant 2 : i32
      %mul3A_1474 = arith.muli %add3A_1336, %mul3A_1473 : i32
      %add3A_1475 = arith.addi %mul3A_1472, %mul3A_1474 : i32
      %multiple_of3A_1476 = tpu.assume_multiple %add3A_1475, 2 : i32
      %dma_start3A_1477 = arith.constant 0 : i32
      %dma_start3A_1478 = arith.constant 0 : i32
      %dma_start3A_1479 = tpu.memref_slice %arg4[%multiple_of3A_1476, %dma_start3A_1477, %dma_start3A_1478] : memref<4096x200x64xf32, #tpu.memory_space<hbm>> -> memref<2x200x64xf32, #tpu.memory_space<hbm>>
      %dma_start3A_1480 = arith.constant 0 : i32
      %dma_start3A_1481 = arith.constant 0 : i32
      %dma_start3A_1482 = tpu.memref_slice %arg4[%multiple_of3A_1476, %dma_start3A_1480, %dma_start3A_1481] : memref<4096x200x64xf32, #tpu.memory_space<hbm>> -> memref<2x200x64xf32, #tpu.memory_space<hbm>>
      tpu.enqueue_dma source(%arg12 : memref<2x200x64xf32, #tpu.memory_space<vmem>>) target(%dma_start3A_1482 : memref<2x200x64xf32, #tpu.memory_space<hbm>>) target_semaphore(%arg24 : memref<!tpu.dma_semaphore, #tpu.memory_space<semaphore_mem>>)
      %add3A_1483 = arith.constant 2 : i32
      %add3A_1484 = arith.addi %add3A_1186, %add3A_1483 : i32
      %dma_wait3A_1485 = arith.constant 0 : i32
      %dma_wait3A_1486 = arith.constant 0 : i32
      %dma_wait3A_1487 = arith.constant 0 : i32
      %dma_wait3A_1488 = tpu.memref_slice %arg4[%dma_wait3A_1485, %dma_wait3A_1486, %dma_wait3A_1487] : memref<4096x200x64xf32, #tpu.memory_space<hbm>> -> memref<2x200x64xf32, #tpu.memory_space<hbm>>
      %dma_wait3A_1489 = arith.constant 0 : i32
      %dma_wait3A_1490 = arith.constant 0 : i32
      %dma_wait3A_1491 = arith.constant 0 : i32
      %dma_wait3A_1492 = tpu.memref_slice %arg4[%dma_wait3A_1489, %dma_wait3A_1490, %dma_wait3A_1491] : memref<4096x200x64xf32, #tpu.memory_space<hbm>> -> memref<2x200x64xf32, #tpu.memory_space<hbm>>
      tpu.wait_dma2 semaphore(%arg23 : memref<!tpu.dma_semaphore, #tpu.memory_space<semaphore_mem>>) src(%arg11 : memref<2x200x64xf32, #tpu.memory_space<vmem>>) dst(%dma_wait3A_1492 : memref<2x200x64xf32, #tpu.memory_space<hbm>>)
      %dma_wait3A_1493 = arith.constant 0 : i32
      %dma_wait3A_1494 = arith.constant 0 : i32
      %dma_wait3A_1495 = tpu.memref_slice %arg3[%dma_wait3A_1493, %dma_wait3A_1494] : memref<8192x100xi32, #tpu.memory_space<hbm>> -> memref<4x100xi32, #tpu.memory_space<hbm>>
      %dma_wait3A_1496 = arith.constant 0 : i32
      %dma_wait3A_1497 = arith.constant 0 : i32
      %dma_wait3A_1498 = tpu.memref_slice %arg3[%dma_wait3A_1496, %dma_wait3A_1497] : memref<8192x100xi32, #tpu.memory_space<hbm>> -> memref<4x100xi32, #tpu.memory_space<hbm>>
      tpu.wait_dma2 semaphore(%arg15 : memref<!tpu.dma_semaphore, #tpu.memory_space<semaphore_mem>>) src(%dma_wait3A_1498 : memref<4x100xi32, #tpu.memory_space<hbm>>) dst(%arg7 : memref<4x100xi32, #tpu.memory_space<vmem>>)
      %dma_start3A_1499 = arith.constant 0 : i32
      %dma_start3A_1500 = arith.constant 0 : i32
      %dma_start3A_1501 = arith.constant 0 : i32
      %dma_start3A_1502 = arith.constant 0 : i32
      %dma_start3A_1503 = tpu.memref_slice %arg11[%dma_start3A_1500, %dma_start3A_1501, %dma_start3A_1502] : memref<2x200x64xf32, #tpu.memory_space<vmem>> -> memref<1x100x64xf32, #tpu.memory_space<vmem>>
      %dma_start3A_1504 = tpu.memref_squeeze %dma_start3A_1503 : memref<1x100x64xf32, #tpu.memory_space<vmem>> -> memref<100x64xf32, #tpu.memory_space<vmem>>
      %dma_start3A_1505 = arith.constant 0 : i32
      %dma_start3A_1506 = tpu.memref_slice %arg7[%dma_start3A_1499, %dma_start3A_1505] : memref<4x100xi32, #tpu.memory_space<vmem>> -> memref<1x100xi32, #tpu.memory_space<vmem>>
      %dma_start3A_1507 = tpu.memref_squeeze %dma_start3A_1506 : memref<1x100xi32, #tpu.memory_space<vmem>> -> memref<100xi32, #tpu.memory_space<vmem>>
      %dma_start3A_1508 = arith.constant 0 : i32
      %dma_start3A_1509 = arith.constant 0 : i32
      %dma_start3A_1510 = tpu.memref_slice %arg2[%dma_start3A_1508, %dma_start3A_1509] : memref<100000x64xf32, #tpu.memory_space<hbm>> -> memref<100000x64xf32, #tpu.memory_space<hbm>>
      tpu.enqueue_indirect_dma source(%dma_start3A_1510 : memref<100000x64xf32, #tpu.memory_space<hbm>>) target(%dma_start3A_1504 : memref<100x64xf32, #tpu.memory_space<vmem>>) offsets(%dma_start3A_1507 : memref<100xi32, #tpu.memory_space<vmem>>) semaphore(%arg19 : memref<!tpu.dma_semaphore, #tpu.memory_space<semaphore_mem>>)
      %dma_start3A_1511 = arith.constant 1 : i32
      %dma_start3A_1512 = arith.constant 0 : i32
      %dma_start3A_1513 = arith.constant 100 : i32
      %dma_start3A_1514 = arith.constant 0 : i32
      %dma_start3A_1515 = tpu.memref_slice %arg11[%dma_start3A_1512, %dma_start3A_1513, %dma_start3A_1514] : memref<2x200x64xf32, #tpu.memory_space<vmem>> -> memref<1x100x64xf32, #tpu.memory_space<vmem>>
      %dma_start3A_1516 = tpu.memref_squeeze %dma_start3A_1515 : memref<1x100x64xf32, #tpu.memory_space<vmem>> -> memref<100x64xf32, #tpu.memory_space<vmem>>
      %dma_start3A_1517 = arith.constant 0 : i32
      %dma_start3A_1518 = tpu.memref_slice %arg7[%dma_start3A_1511, %dma_start3A_1517] : memref<4x100xi32, #tpu.memory_space<vmem>> -> memref<1x100xi32, #tpu.memory_space<vmem>>
      %dma_start3A_1519 = tpu.memref_squeeze %dma_start3A_1518 : memref<1x100xi32, #tpu.memory_space<vmem>> -> memref<100xi32, #tpu.memory_space<vmem>>
      %dma_start3A_1520 = arith.constant 0 : i32
      %dma_start3A_1521 = arith.constant 0 : i32
      %dma_start3A_1522 = tpu.memref_slice %arg2[%dma_start3A_1520, %dma_start3A_1521] : memref<100000x64xf32, #tpu.memory_space<hbm>> -> memref<100000x64xf32, #tpu.memory_space<hbm>>
      tpu.enqueue_indirect_dma source(%dma_start3A_1522 : memref<100000x64xf32, #tpu.memory_space<hbm>>) target(%dma_start3A_1516 : memref<100x64xf32, #tpu.memory_space<vmem>>) offsets(%dma_start3A_1519 : memref<100xi32, #tpu.memory_space<vmem>>) semaphore(%arg19 : memref<!tpu.dma_semaphore, #tpu.memory_space<semaphore_mem>>)
      %dma_start3A_1523 = arith.constant 2 : i32
      %dma_start3A_1524 = arith.constant 1 : i32
      %dma_start3A_1525 = arith.constant 0 : i32
      %dma_start3A_1526 = arith.constant 0 : i32
      %dma_start3A_1527 = tpu.memref_slice %arg11[%dma_start3A_1524, %dma_start3A_1525, %dma_start3A_1526] : memref<2x200x64xf32, #tpu.memory_space<vmem>> -> memref<1x100x64xf32, #tpu.memory_space<vmem>>
      %dma_start3A_1528 = tpu.memref_squeeze %dma_start3A_1527 : memref<1x100x64xf32, #tpu.memory_space<vmem>> -> memref<100x64xf32, #tpu.memory_space<vmem>>
      %dma_start3A_1529 = arith.constant 0 : i32
      %dma_start3A_1530 = tpu.memref_slice %arg7[%dma_start3A_1523, %dma_start3A_1529] : memref<4x100xi32, #tpu.memory_space<vmem>> -> memref<1x100xi32, #tpu.memory_space<vmem>>
      %dma_start3A_1531 = tpu.memref_squeeze %dma_start3A_1530 : memref<1x100xi32, #tpu.memory_space<vmem>> -> memref<100xi32, #tpu.memory_space<vmem>>
      %dma_start3A_1532 = arith.constant 0 : i32
      %dma_start3A_1533 = arith.constant 0 : i32
      %dma_start3A_1534 = tpu.memref_slice %arg2[%dma_start3A_1532, %dma_start3A_1533] : memref<100000x64xf32, #tpu.memory_space<hbm>> -> memref<100000x64xf32, #tpu.memory_space<hbm>>
      tpu.enqueue_indirect_dma source(%dma_start3A_1534 : memref<100000x64xf32, #tpu.memory_space<hbm>>) target(%dma_start3A_1528 : memref<100x64xf32, #tpu.memory_space<vmem>>) offsets(%dma_start3A_1531 : memref<100xi32, #tpu.memory_space<vmem>>) semaphore(%arg19 : memref<!tpu.dma_semaphore, #tpu.memory_space<semaphore_mem>>)
      %dma_start3A_1535 = arith.constant 3 : i32
      %dma_start3A_1536 = arith.constant 1 : i32
      %dma_start3A_1537 = arith.constant 100 : i32
      %dma_start3A_1538 = arith.constant 0 : i32
      %dma_start3A_1539 = tpu.memref_slice %arg11[%dma_start3A_1536, %dma_start3A_1537, %dma_start3A_1538] : memref<2x200x64xf32, #tpu.memory_space<vmem>> -> memref<1x100x64xf32, #tpu.memory_space<vmem>>
      %dma_start3A_1540 = tpu.memref_squeeze %dma_start3A_1539 : memref<1x100x64xf32, #tpu.memory_space<vmem>> -> memref<100x64xf32, #tpu.memory_space<vmem>>
      %dma_start3A_1541 = arith.constant 0 : i32
      %dma_start3A_1542 = tpu.memref_slice %arg7[%dma_start3A_1535, %dma_start3A_1541] : memref<4x100xi32, #tpu.memory_space<vmem>> -> memref<1x100xi32, #tpu.memory_space<vmem>>
      %dma_start3A_1543 = tpu.memref_squeeze %dma_start3A_1542 : memref<1x100xi32, #tpu.memory_space<vmem>> -> memref<100xi32, #tpu.memory_space<vmem>>
      %dma_start3A_1544 = arith.constant 0 : i32
      %dma_start3A_1545 = arith.constant 0 : i32
      %dma_start3A_1546 = tpu.memref_slice %arg2[%dma_start3A_1544, %dma_start3A_1545] : memref<100000x64xf32, #tpu.memory_space<hbm>> -> memref<100000x64xf32, #tpu.memory_space<hbm>>
      tpu.enqueue_indirect_dma source(%dma_start3A_1546 : memref<100000x64xf32, #tpu.memory_space<hbm>>) target(%dma_start3A_1540 : memref<100x64xf32, #tpu.memory_space<vmem>>) offsets(%dma_start3A_1543 : memref<100xi32, #tpu.memory_space<vmem>>) semaphore(%arg19 : memref<!tpu.dma_semaphore, #tpu.memory_space<semaphore_mem>>)
      %dma_wait3A_1547 = arith.constant 0 : i32
      %dma_wait3A_1548 = arith.constant 0 : i32
      %dma_wait3A_1549 = arith.constant 0 : i32
      %dma_wait3A_1550 = tpu.memref_slice %arg9[%dma_wait3A_1547, %dma_wait3A_1548, %dma_wait3A_1549] : memref<2x200x64xf32, #tpu.memory_space<vmem>> -> memref<1x100x64xf32, #tpu.memory_space<vmem>>
      %dma_wait3A_1551 = tpu.memref_squeeze %dma_wait3A_1550 : memref<1x100x64xf32, #tpu.memory_space<vmem>> -> memref<100x64xf32, #tpu.memory_space<vmem>>
      %dma_wait3A_1552 = arith.constant 0 : i32
      %dma_wait3A_1553 = arith.constant 0 : i32
      %dma_wait3A_1554 = tpu.memref_slice %arg2[%dma_wait3A_1552, %dma_wait3A_1553] : memref<100000x64xf32, #tpu.memory_space<hbm>> -> memref<100x64xf32, #tpu.memory_space<hbm>>
      %dma_wait3A_1555 = arith.constant 0 : i32
      %dma_wait3A_1556 = arith.constant 0 : i32
      %dma_wait3A_1557 = tpu.memref_slice %arg9[%dma_wait3A_1547, %dma_wait3A_1555, %dma_wait3A_1556] : memref<2x200x64xf32, #tpu.memory_space<vmem>> -> memref<1x100x64xf32, #tpu.memory_space<vmem>>
      %dma_wait3A_1558 = tpu.memref_squeeze %dma_wait3A_1557 : memref<1x100x64xf32, #tpu.memory_space<vmem>> -> memref<100x64xf32, #tpu.memory_space<vmem>>
      %dma_wait3A_1559 = arith.constant 0 : i32
      %dma_wait3A_1560 = arith.constant 0 : i32
      %dma_wait3A_1561 = tpu.memref_slice %arg2[%dma_wait3A_1559, %dma_wait3A_1560] : memref<100000x64xf32, #tpu.memory_space<hbm>> -> memref<100x64xf32, #tpu.memory_space<hbm>>
      tpu.wait_dma2 semaphore(%arg17 : memref<!tpu.dma_semaphore, #tpu.memory_space<semaphore_mem>>) src(%dma_wait3A_1561 : memref<100x64xf32, #tpu.memory_space<hbm>>) dst(%dma_wait3A_1558 : memref<100x64xf32, #tpu.memory_space<vmem>>)
      %dma_wait3A_1562 = arith.constant 0 : i32
      %dma_wait3A_1563 = arith.constant 0 : i32
      %dma_wait3A_1564 = arith.constant 0 : i32
      %dma_wait3A_1565 = tpu.memref_slice %arg9[%dma_wait3A_1562, %dma_wait3A_1563, %dma_wait3A_1564] : memref<2x200x64xf32, #tpu.memory_space<vmem>> -> memref<1x100x64xf32, #tpu.memory_space<vmem>>
      %dma_wait3A_1566 = tpu.memref_squeeze %dma_wait3A_1565 : memref<1x100x64xf32, #tpu.memory_space<vmem>> -> memref<100x64xf32, #tpu.memory_space<vmem>>
      %dma_wait3A_1567 = arith.constant 0 : i32
      %dma_wait3A_1568 = arith.constant 0 : i32
      %dma_wait3A_1569 = tpu.memref_slice %arg2[%dma_wait3A_1567, %dma_wait3A_1568] : memref<100000x64xf32, #tpu.memory_space<hbm>> -> memref<100x64xf32, #tpu.memory_space<hbm>>
      %dma_wait3A_1570 = arith.constant 0 : i32
      %dma_wait3A_1571 = arith.constant 0 : i32
      %dma_wait3A_1572 = tpu.memref_slice %arg9[%dma_wait3A_1562, %dma_wait3A_1570, %dma_wait3A_1571] : memref<2x200x64xf32, #tpu.memory_space<vmem>> -> memref<1x100x64xf32, #tpu.memory_space<vmem>>
      %dma_wait3A_1573 = tpu.memref_squeeze %dma_wait3A_1572 : memref<1x100x64xf32, #tpu.memory_space<vmem>> -> memref<100x64xf32, #tpu.memory_space<vmem>>
      %dma_wait3A_1574 = arith.constant 0 : i32
      %dma_wait3A_1575 = arith.constant 0 : i32
      %dma_wait3A_1576 = tpu.memref_slice %arg2[%dma_wait3A_1574, %dma_wait3A_1575] : memref<100000x64xf32, #tpu.memory_space<hbm>> -> memref<100x64xf32, #tpu.memory_space<hbm>>
      tpu.wait_dma2 semaphore(%arg17 : memref<!tpu.dma_semaphore, #tpu.memory_space<semaphore_mem>>) src(%dma_wait3A_1576 : memref<100x64xf32, #tpu.memory_space<hbm>>) dst(%dma_wait3A_1573 : memref<100x64xf32, #tpu.memory_space<vmem>>)
      %dma_wait3A_1577 = arith.constant 0 : i32
      %dma_wait3A_1578 = arith.constant 0 : i32
      %dma_wait3A_1579 = arith.constant 0 : i32
      %dma_wait3A_1580 = tpu.memref_slice %arg9[%dma_wait3A_1577, %dma_wait3A_1578, %dma_wait3A_1579] : memref<2x200x64xf32, #tpu.memory_space<vmem>> -> memref<1x100x64xf32, #tpu.memory_space<vmem>>
      %dma_wait3A_1581 = tpu.memref_squeeze %dma_wait3A_1580 : memref<1x100x64xf32, #tpu.memory_space<vmem>> -> memref<100x64xf32, #tpu.memory_space<vmem>>
      %dma_wait3A_1582 = arith.constant 0 : i32
      %dma_wait3A_1583 = arith.constant 0 : i32
      %dma_wait3A_1584 = tpu.memref_slice %arg2[%dma_wait3A_1582, %dma_wait3A_1583] : memref<100000x64xf32, #tpu.memory_space<hbm>> -> memref<100x64xf32, #tpu.memory_space<hbm>>
      %dma_wait3A_1585 = arith.constant 0 : i32
      %dma_wait3A_1586 = arith.constant 0 : i32
      %dma_wait3A_1587 = tpu.memref_slice %arg9[%dma_wait3A_1577, %dma_wait3A_1585, %dma_wait3A_1586] : memref<2x200x64xf32, #tpu.memory_space<vmem>> -> memref<1x100x64xf32, #tpu.memory_space<vmem>>
      %dma_wait3A_1588 = tpu.memref_squeeze %dma_wait3A_1587 : memref<1x100x64xf32, #tpu.memory_space<vmem>> -> memref<100x64xf32, #tpu.memory_space<vmem>>
      %dma_wait3A_1589 = arith.constant 0 : i32
      %dma_wait3A_1590 = arith.constant 0 : i32
      %dma_wait3A_1591 = tpu.memref_slice %arg2[%dma_wait3A_1589, %dma_wait3A_1590] : memref<100000x64xf32, #tpu.memory_space<hbm>> -> memref<100x64xf32, #tpu.memory_space<hbm>>
      tpu.wait_dma2 semaphore(%arg17 : memref<!tpu.dma_semaphore, #tpu.memory_space<semaphore_mem>>) src(%dma_wait3A_1591 : memref<100x64xf32, #tpu.memory_space<hbm>>) dst(%dma_wait3A_1588 : memref<100x64xf32, #tpu.memory_space<vmem>>)
      %dma_wait3A_1592 = arith.constant 0 : i32
      %dma_wait3A_1593 = arith.constant 0 : i32
      %dma_wait3A_1594 = arith.constant 0 : i32
      %dma_wait3A_1595 = tpu.memref_slice %arg9[%dma_wait3A_1592, %dma_wait3A_1593, %dma_wait3A_1594] : memref<2x200x64xf32, #tpu.memory_space<vmem>> -> memref<1x100x64xf32, #tpu.memory_space<vmem>>
      %dma_wait3A_1596 = tpu.memref_squeeze %dma_wait3A_1595 : memref<1x100x64xf32, #tpu.memory_space<vmem>> -> memref<100x64xf32, #tpu.memory_space<vmem>>
      %dma_wait3A_1597 = arith.constant 0 : i32
      %dma_wait3A_1598 = arith.constant 0 : i32
      %dma_wait3A_1599 = tpu.memref_slice %arg2[%dma_wait3A_1597, %dma_wait3A_1598] : memref<100000x64xf32, #tpu.memory_space<hbm>> -> memref<100x64xf32, #tpu.memory_space<hbm>>
      %dma_wait3A_1600 = arith.constant 0 : i32
      %dma_wait3A_1601 = arith.constant 0 : i32
      %dma_wait3A_1602 = tpu.memref_slice %arg9[%dma_wait3A_1592, %dma_wait3A_1600, %dma_wait3A_1601] : memref<2x200x64xf32, #tpu.memory_space<vmem>> -> memref<1x100x64xf32, #tpu.memory_space<vmem>>
      %dma_wait3A_1603 = tpu.memref_squeeze %dma_wait3A_1602 : memref<1x100x64xf32, #tpu.memory_space<vmem>> -> memref<100x64xf32, #tpu.memory_space<vmem>>
      %dma_wait3A_1604 = arith.constant 0 : i32
      %dma_wait3A_1605 = arith.constant 0 : i32
      %dma_wait3A_1606 = tpu.memref_slice %arg2[%dma_wait3A_1604, %dma_wait3A_1605] : memref<100000x64xf32, #tpu.memory_space<hbm>> -> memref<100x64xf32, #tpu.memory_space<hbm>>
      tpu.wait_dma2 semaphore(%arg17 : memref<!tpu.dma_semaphore, #tpu.memory_space<semaphore_mem>>) src(%dma_wait3A_1606 : memref<100x64xf32, #tpu.memory_space<hbm>>) dst(%dma_wait3A_1603 : memref<100x64xf32, #tpu.memory_space<vmem>>)
      %add3A_1607 = arith.constant 4 : i32
      %add3A_1608 = arith.addi %add3A_1484, %add3A_1607 : i32
      %mul3A_1609 = arith.constant 256 : i32
      %mul3A_1610 = arith.muli %add3A, %mul3A_1609 : i32
      %mul3A_1611 = arith.constant 4 : i32
      %mul3A_1612 = arith.muli %add3A_1608, %mul3A_1611 : i32
      %add3A_1613 = arith.addi %mul3A_1610, %mul3A_1612 : i32
      %multiple_of3A_1614 = tpu.assume_multiple %add3A_1613, 4 : i32
      %dma_start3A_1615 = arith.constant 0 : i32
      %dma_start3A_1616 = tpu.memref_slice %arg3[%multiple_of3A_1614, %dma_start3A_1615] : memref<8192x100xi32, #tpu.memory_space<hbm>> -> memref<4x100xi32, #tpu.memory_space<hbm>>
      %dma_start3A_1617 = arith.constant 0 : i32
      %dma_start3A_1618 = tpu.memref_slice %arg3[%multiple_of3A_1614, %dma_start3A_1617] : memref<8192x100xi32, #tpu.memory_space<hbm>> -> memref<4x100xi32, #tpu.memory_space<hbm>>
      tpu.enqueue_dma source(%dma_start3A_1618 : memref<4x100xi32, #tpu.memory_space<hbm>>) target(%arg5 : memref<4x100xi32, #tpu.memory_space<vmem>>) target_semaphore(%arg13 : memref<!tpu.dma_semaphore, #tpu.memory_space<semaphore_mem>>)
      %mul3A_1619 = arith.constant 128 : i32
      %mul3A_1620 = arith.muli %add3A, %mul3A_1619 : i32
      %mul3A_1621 = arith.constant 2 : i32
      %mul3A_1622 = arith.muli %add3A_1484, %mul3A_1621 : i32
      %add3A_1623 = arith.addi %mul3A_1620, %mul3A_1622 : i32
      %multiple_of3A_1624 = tpu.assume_multiple %add3A_1623, 2 : i32
      %dma_start3A_1625 = arith.constant 0 : i32
      %dma_start3A_1626 = arith.constant 0 : i32
      %dma_start3A_1627 = tpu.memref_slice %arg4[%multiple_of3A_1624, %dma_start3A_1625, %dma_start3A_1626] : memref<4096x200x64xf32, #tpu.memory_space<hbm>> -> memref<2x200x64xf32, #tpu.memory_space<hbm>>
      %dma_start3A_1628 = arith.constant 0 : i32
      %dma_start3A_1629 = arith.constant 0 : i32
      %dma_start3A_1630 = tpu.memref_slice %arg4[%multiple_of3A_1624, %dma_start3A_1628, %dma_start3A_1629] : memref<4096x200x64xf32, #tpu.memory_space<hbm>> -> memref<2x200x64xf32, #tpu.memory_space<hbm>>
      tpu.enqueue_dma source(%arg9 : memref<2x200x64xf32, #tpu.memory_space<vmem>>) target(%dma_start3A_1630 : memref<2x200x64xf32, #tpu.memory_space<hbm>>) target_semaphore(%arg21 : memref<!tpu.dma_semaphore, #tpu.memory_space<semaphore_mem>>)
      %add3A_1631 = arith.constant 3 : i32
      %add3A_1632 = arith.addi %add3A_1186, %add3A_1631 : i32
      %dma_wait3A_1633 = arith.constant 0 : i32
      %dma_wait3A_1634 = arith.constant 0 : i32
      %dma_wait3A_1635 = arith.constant 0 : i32
      %dma_wait3A_1636 = tpu.memref_slice %arg4[%dma_wait3A_1633, %dma_wait3A_1634, %dma_wait3A_1635] : memref<4096x200x64xf32, #tpu.memory_space<hbm>> -> memref<2x200x64xf32, #tpu.memory_space<hbm>>
      %dma_wait3A_1637 = arith.constant 0 : i32
      %dma_wait3A_1638 = arith.constant 0 : i32
      %dma_wait3A_1639 = arith.constant 0 : i32
      %dma_wait3A_1640 = tpu.memref_slice %arg4[%dma_wait3A_1637, %dma_wait3A_1638, %dma_wait3A_1639] : memref<4096x200x64xf32, #tpu.memory_space<hbm>> -> memref<2x200x64xf32, #tpu.memory_space<hbm>>
      tpu.wait_dma2 semaphore(%arg24 : memref<!tpu.dma_semaphore, #tpu.memory_space<semaphore_mem>>) src(%arg12 : memref<2x200x64xf32, #tpu.memory_space<vmem>>) dst(%dma_wait3A_1640 : memref<2x200x64xf32, #tpu.memory_space<hbm>>)
      %dma_wait3A_1641 = arith.constant 0 : i32
      %dma_wait3A_1642 = arith.constant 0 : i32
      %dma_wait3A_1643 = tpu.memref_slice %arg3[%dma_wait3A_1641, %dma_wait3A_1642] : memref<8192x100xi32, #tpu.memory_space<hbm>> -> memref<4x100xi32, #tpu.memory_space<hbm>>
      %dma_wait3A_1644 = arith.constant 0 : i32
      %dma_wait3A_1645 = arith.constant 0 : i32
      %dma_wait3A_1646 = tpu.memref_slice %arg3[%dma_wait3A_1644, %dma_wait3A_1645] : memref<8192x100xi32, #tpu.memory_space<hbm>> -> memref<4x100xi32, #tpu.memory_space<hbm>>
      tpu.wait_dma2 semaphore(%arg16 : memref<!tpu.dma_semaphore, #tpu.memory_space<semaphore_mem>>) src(%dma_wait3A_1646 : memref<4x100xi32, #tpu.memory_space<hbm>>) dst(%arg8 : memref<4x100xi32, #tpu.memory_space<vmem>>)
      %dma_start3A_1647 = arith.constant 0 : i32
      %dma_start3A_1648 = arith.constant 0 : i32
      %dma_start3A_1649 = arith.constant 0 : i32
      %dma_start3A_1650 = arith.constant 0 : i32
      %dma_start3A_1651 = tpu.memref_slice %arg12[%dma_start3A_1648, %dma_start3A_1649, %dma_start3A_1650] : memref<2x200x64xf32, #tpu.memory_space<vmem>> -> memref<1x100x64xf32, #tpu.memory_space<vmem>>
      %dma_start3A_1652 = tpu.memref_squeeze %dma_start3A_1651 : memref<1x100x64xf32, #tpu.memory_space<vmem>> -> memref<100x64xf32, #tpu.memory_space<vmem>>
      %dma_start3A_1653 = arith.constant 0 : i32
      %dma_start3A_1654 = tpu.memref_slice %arg8[%dma_start3A_1647, %dma_start3A_1653] : memref<4x100xi32, #tpu.memory_space<vmem>> -> memref<1x100xi32, #tpu.memory_space<vmem>>
      %dma_start3A_1655 = tpu.memref_squeeze %dma_start3A_1654 : memref<1x100xi32, #tpu.memory_space<vmem>> -> memref<100xi32, #tpu.memory_space<vmem>>
      %dma_start3A_1656 = arith.constant 0 : i32
      %dma_start3A_1657 = arith.constant 0 : i32
      %dma_start3A_1658 = tpu.memref_slice %arg2[%dma_start3A_1656, %dma_start3A_1657] : memref<100000x64xf32, #tpu.memory_space<hbm>> -> memref<100000x64xf32, #tpu.memory_space<hbm>>
      tpu.enqueue_indirect_dma source(%dma_start3A_1658 : memref<100000x64xf32, #tpu.memory_space<hbm>>) target(%dma_start3A_1652 : memref<100x64xf32, #tpu.memory_space<vmem>>) offsets(%dma_start3A_1655 : memref<100xi32, #tpu.memory_space<vmem>>) semaphore(%arg20 : memref<!tpu.dma_semaphore, #tpu.memory_space<semaphore_mem>>)
      %dma_start3A_1659 = arith.constant 1 : i32
      %dma_start3A_1660 = arith.constant 0 : i32
      %dma_start3A_1661 = arith.constant 100 : i32
      %dma_start3A_1662 = arith.constant 0 : i32
      %dma_start3A_1663 = tpu.memref_slice %arg12[%dma_start3A_1660, %dma_start3A_1661, %dma_start3A_1662] : memref<2x200x64xf32, #tpu.memory_space<vmem>> -> memref<1x100x64xf32, #tpu.memory_space<vmem>>
      %dma_start3A_1664 = tpu.memref_squeeze %dma_start3A_1663 : memref<1x100x64xf32, #tpu.memory_space<vmem>> -> memref<100x64xf32, #tpu.memory_space<vmem>>
      %dma_start3A_1665 = arith.constant 0 : i32
      %dma_start3A_1666 = tpu.memref_slice %arg8[%dma_start3A_1659, %dma_start3A_1665] : memref<4x100xi32, #tpu.memory_space<vmem>> -> memref<1x100xi32, #tpu.memory_space<vmem>>
      %dma_start3A_1667 = tpu.memref_squeeze %dma_start3A_1666 : memref<1x100xi32, #tpu.memory_space<vmem>> -> memref<100xi32, #tpu.memory_space<vmem>>
      %dma_start3A_1668 = arith.constant 0 : i32
      %dma_start3A_1669 = arith.constant 0 : i32
      %dma_start3A_1670 = tpu.memref_slice %arg2[%dma_start3A_1668, %dma_start3A_1669] : memref<100000x64xf32, #tpu.memory_space<hbm>> -> memref<100000x64xf32, #tpu.memory_space<hbm>>
      tpu.enqueue_indirect_dma source(%dma_start3A_1670 : memref<100000x64xf32, #tpu.memory_space<hbm>>) target(%dma_start3A_1664 : memref<100x64xf32, #tpu.memory_space<vmem>>) offsets(%dma_start3A_1667 : memref<100xi32, #tpu.memory_space<vmem>>) semaphore(%arg20 : memref<!tpu.dma_semaphore, #tpu.memory_space<semaphore_mem>>)
      %dma_start3A_1671 = arith.constant 2 : i32
      %dma_start3A_1672 = arith.constant 1 : i32
      %dma_start3A_1673 = arith.constant 0 : i32
      %dma_start3A_1674 = arith.constant 0 : i32
      %dma_start3A_1675 = tpu.memref_slice %arg12[%dma_start3A_1672, %dma_start3A_1673, %dma_start3A_1674] : memref<2x200x64xf32, #tpu.memory_space<vmem>> -> memref<1x100x64xf32, #tpu.memory_space<vmem>>
      %dma_start3A_1676 = tpu.memref_squeeze %dma_start3A_1675 : memref<1x100x64xf32, #tpu.memory_space<vmem>> -> memref<100x64xf32, #tpu.memory_space<vmem>>
      %dma_start3A_1677 = arith.constant 0 : i32
      %dma_start3A_1678 = tpu.memref_slice %arg8[%dma_start3A_1671, %dma_start3A_1677] : memref<4x100xi32, #tpu.memory_space<vmem>> -> memref<1x100xi32, #tpu.memory_space<vmem>>
      %dma_start3A_1679 = tpu.memref_squeeze %dma_start3A_1678 : memref<1x100xi32, #tpu.memory_space<vmem>> -> memref<100xi32, #tpu.memory_space<vmem>>
      %dma_start3A_1680 = arith.constant 0 : i32
      %dma_start3A_1681 = arith.constant 0 : i32
      %dma_start3A_1682 = tpu.memref_slice %arg2[%dma_start3A_1680, %dma_start3A_1681] : memref<100000x64xf32, #tpu.memory_space<hbm>> -> memref<100000x64xf32, #tpu.memory_space<hbm>>
      tpu.enqueue_indirect_dma source(%dma_start3A_1682 : memref<100000x64xf32, #tpu.memory_space<hbm>>) target(%dma_start3A_1676 : memref<100x64xf32, #tpu.memory_space<vmem>>) offsets(%dma_start3A_1679 : memref<100xi32, #tpu.memory_space<vmem>>) semaphore(%arg20 : memref<!tpu.dma_semaphore, #tpu.memory_space<semaphore_mem>>)
      %dma_start3A_1683 = arith.constant 3 : i32
      %dma_start3A_1684 = arith.constant 1 : i32
      %dma_start3A_1685 = arith.constant 100 : i32
      %dma_start3A_1686 = arith.constant 0 : i32
      %dma_start3A_1687 = tpu.memref_slice %arg12[%dma_start3A_1684, %dma_start3A_1685, %dma_start3A_1686] : memref<2x200x64xf32, #tpu.memory_space<vmem>> -> memref<1x100x64xf32, #tpu.memory_space<vmem>>
      %dma_start3A_1688 = tpu.memref_squeeze %dma_start3A_1687 : memref<1x100x64xf32, #tpu.memory_space<vmem>> -> memref<100x64xf32, #tpu.memory_space<vmem>>
      %dma_start3A_1689 = arith.constant 0 : i32
      %dma_start3A_1690 = tpu.memref_slice %arg8[%dma_start3A_1683, %dma_start3A_1689] : memref<4x100xi32, #tpu.memory_space<vmem>> -> memref<1x100xi32, #tpu.memory_space<vmem>>
      %dma_start3A_1691 = tpu.memref_squeeze %dma_start3A_1690 : memref<1x100xi32, #tpu.memory_space<vmem>> -> memref<100xi32, #tpu.memory_space<vmem>>
      %dma_start3A_1692 = arith.constant 0 : i32
      %dma_start3A_1693 = arith.constant 0 : i32
      %dma_start3A_1694 = tpu.memref_slice %arg2[%dma_start3A_1692, %dma_start3A_1693] : memref<100000x64xf32, #tpu.memory_space<hbm>> -> memref<100000x64xf32, #tpu.memory_space<hbm>>
      tpu.enqueue_indirect_dma source(%dma_start3A_1694 : memref<100000x64xf32, #tpu.memory_space<hbm>>) target(%dma_start3A_1688 : memref<100x64xf32, #tpu.memory_space<vmem>>) offsets(%dma_start3A_1691 : memref<100xi32, #tpu.memory_space<vmem>>) semaphore(%arg20 : memref<!tpu.dma_semaphore, #tpu.memory_space<semaphore_mem>>)
      %dma_wait3A_1695 = arith.constant 0 : i32
      %dma_wait3A_1696 = arith.constant 0 : i32
      %dma_wait3A_1697 = arith.constant 0 : i32
      %dma_wait3A_1698 = tpu.memref_slice %arg10[%dma_wait3A_1695, %dma_wait3A_1696, %dma_wait3A_1697] : memref<2x200x64xf32, #tpu.memory_space<vmem>> -> memref<1x100x64xf32, #tpu.memory_space<vmem>>
      %dma_wait3A_1699 = tpu.memref_squeeze %dma_wait3A_1698 : memref<1x100x64xf32, #tpu.memory_space<vmem>> -> memref<100x64xf32, #tpu.memory_space<vmem>>
      %dma_wait3A_1700 = arith.constant 0 : i32
      %dma_wait3A_1701 = arith.constant 0 : i32
      %dma_wait3A_1702 = tpu.memref_slice %arg2[%dma_wait3A_1700, %dma_wait3A_1701] : memref<100000x64xf32, #tpu.memory_space<hbm>> -> memref<100x64xf32, #tpu.memory_space<hbm>>
      %dma_wait3A_1703 = arith.constant 0 : i32
      %dma_wait3A_1704 = arith.constant 0 : i32
      %dma_wait3A_1705 = tpu.memref_slice %arg10[%dma_wait3A_1695, %dma_wait3A_1703, %dma_wait3A_1704] : memref<2x200x64xf32, #tpu.memory_space<vmem>> -> memref<1x100x64xf32, #tpu.memory_space<vmem>>
      %dma_wait3A_1706 = tpu.memref_squeeze %dma_wait3A_1705 : memref<1x100x64xf32, #tpu.memory_space<vmem>> -> memref<100x64xf32, #tpu.memory_space<vmem>>
      %dma_wait3A_1707 = arith.constant 0 : i32
      %dma_wait3A_1708 = arith.constant 0 : i32
      %dma_wait3A_1709 = tpu.memref_slice %arg2[%dma_wait3A_1707, %dma_wait3A_1708] : memref<100000x64xf32, #tpu.memory_space<hbm>> -> memref<100x64xf32, #tpu.memory_space<hbm>>
      tpu.wait_dma2 semaphore(%arg18 : memref<!tpu.dma_semaphore, #tpu.memory_space<semaphore_mem>>) src(%dma_wait3A_1709 : memref<100x64xf32, #tpu.memory_space<hbm>>) dst(%dma_wait3A_1706 : memref<100x64xf32, #tpu.memory_space<vmem>>)
      %dma_wait3A_1710 = arith.constant 0 : i32
      %dma_wait3A_1711 = arith.constant 0 : i32
      %dma_wait3A_1712 = arith.constant 0 : i32
      %dma_wait3A_1713 = tpu.memref_slice %arg10[%dma_wait3A_1710, %dma_wait3A_1711, %dma_wait3A_1712] : memref<2x200x64xf32, #tpu.memory_space<vmem>> -> memref<1x100x64xf32, #tpu.memory_space<vmem>>
      %dma_wait3A_1714 = tpu.memref_squeeze %dma_wait3A_1713 : memref<1x100x64xf32, #tpu.memory_space<vmem>> -> memref<100x64xf32, #tpu.memory_space<vmem>>
      %dma_wait3A_1715 = arith.constant 0 : i32
      %dma_wait3A_1716 = arith.constant 0 : i32
      %dma_wait3A_1717 = tpu.memref_slice %arg2[%dma_wait3A_1715, %dma_wait3A_1716] : memref<100000x64xf32, #tpu.memory_space<hbm>> -> memref<100x64xf32, #tpu.memory_space<hbm>>
      %dma_wait3A_1718 = arith.constant 0 : i32
      %dma_wait3A_1719 = arith.constant 0 : i32
      %dma_wait3A_1720 = tpu.memref_slice %arg10[%dma_wait3A_1710, %dma_wait3A_1718, %dma_wait3A_1719] : memref<2x200x64xf32, #tpu.memory_space<vmem>> -> memref<1x100x64xf32, #tpu.memory_space<vmem>>
      %dma_wait3A_1721 = tpu.memref_squeeze %dma_wait3A_1720 : memref<1x100x64xf32, #tpu.memory_space<vmem>> -> memref<100x64xf32, #tpu.memory_space<vmem>>
      %dma_wait3A_1722 = arith.constant 0 : i32
      %dma_wait3A_1723 = arith.constant 0 : i32
      %dma_wait3A_1724 = tpu.memref_slice %arg2[%dma_wait3A_1722, %dma_wait3A_1723] : memref<100000x64xf32, #tpu.memory_space<hbm>> -> memref<100x64xf32, #tpu.memory_space<hbm>>
      tpu.wait_dma2 semaphore(%arg18 : memref<!tpu.dma_semaphore, #tpu.memory_space<semaphore_mem>>) src(%dma_wait3A_1724 : memref<100x64xf32, #tpu.memory_space<hbm>>) dst(%dma_wait3A_1721 : memref<100x64xf32, #tpu.memory_space<vmem>>)
      %dma_wait3A_1725 = arith.constant 0 : i32
      %dma_wait3A_1726 = arith.constant 0 : i32
      %dma_wait3A_1727 = arith.constant 0 : i32
      %dma_wait3A_1728 = tpu.memref_slice %arg10[%dma_wait3A_1725, %dma_wait3A_1726, %dma_wait3A_1727] : memref<2x200x64xf32, #tpu.memory_space<vmem>> -> memref<1x100x64xf32, #tpu.memory_space<vmem>>
      %dma_wait3A_1729 = tpu.memref_squeeze %dma_wait3A_1728 : memref<1x100x64xf32, #tpu.memory_space<vmem>> -> memref<100x64xf32, #tpu.memory_space<vmem>>
      %dma_wait3A_1730 = arith.constant 0 : i32
      %dma_wait3A_1731 = arith.constant 0 : i32
      %dma_wait3A_1732 = tpu.memref_slice %arg2[%dma_wait3A_1730, %dma_wait3A_1731] : memref<100000x64xf32, #tpu.memory_space<hbm>> -> memref<100x64xf32, #tpu.memory_space<hbm>>
      %dma_wait3A_1733 = arith.constant 0 : i32
      %dma_wait3A_1734 = arith.constant 0 : i32
      %dma_wait3A_1735 = tpu.memref_slice %arg10[%dma_wait3A_1725, %dma_wait3A_1733, %dma_wait3A_1734] : memref<2x200x64xf32, #tpu.memory_space<vmem>> -> memref<1x100x64xf32, #tpu.memory_space<vmem>>
      %dma_wait3A_1736 = tpu.memref_squeeze %dma_wait3A_1735 : memref<1x100x64xf32, #tpu.memory_space<vmem>> -> memref<100x64xf32, #tpu.memory_space<vmem>>
      %dma_wait3A_1737 = arith.constant 0 : i32
      %dma_wait3A_1738 = arith.constant 0 : i32
      %dma_wait3A_1739 = tpu.memref_slice %arg2[%dma_wait3A_1737, %dma_wait3A_1738] : memref<100000x64xf32, #tpu.memory_space<hbm>> -> memref<100x64xf32, #tpu.memory_space<hbm>>
      tpu.wait_dma2 semaphore(%arg18 : memref<!tpu.dma_semaphore, #tpu.memory_space<semaphore_mem>>) src(%dma_wait3A_1739 : memref<100x64xf32, #tpu.memory_space<hbm>>) dst(%dma_wait3A_1736 : memref<100x64xf32, #tpu.memory_space<vmem>>)
      %dma_wait3A_1740 = arith.constant 0 : i32
      %dma_wait3A_1741 = arith.constant 0 : i32
      %dma_wait3A_1742 = arith.constant 0 : i32
      %dma_wait3A_1743 = tpu.memref_slice %arg10[%dma_wait3A_1740, %dma_wait3A_1741, %dma_wait3A_1742] : memref<2x200x64xf32, #tpu.memory_space<vmem>> -> memref<1x100x64xf32, #tpu.memory_space<vmem>>
      %dma_wait3A_1744 = tpu.memref_squeeze %dma_wait3A_1743 : memref<1x100x64xf32, #tpu.memory_space<vmem>> -> memref<100x64xf32, #tpu.memory_space<vmem>>
      %dma_wait3A_1745 = arith.constant 0 : i32
      %dma_wait3A_1746 = arith.constant 0 : i32
      %dma_wait3A_1747 = tpu.memref_slice %arg2[%dma_wait3A_1745, %dma_wait3A_1746] : memref<100000x64xf32, #tpu.memory_space<hbm>> -> memref<100x64xf32, #tpu.memory_space<hbm>>
      %dma_wait3A_1748 = arith.constant 0 : i32
      %dma_wait3A_1749 = arith.constant 0 : i32
      %dma_wait3A_1750 = tpu.memref_slice %arg10[%dma_wait3A_1740, %dma_wait3A_1748, %dma_wait3A_1749] : memref<2x200x64xf32, #tpu.memory_space<vmem>> -> memref<1x100x64xf32, #tpu.memory_space<vmem>>
      %dma_wait3A_1751 = tpu.memref_squeeze %dma_wait3A_1750 : memref<1x100x64xf32, #tpu.memory_space<vmem>> -> memref<100x64xf32, #tpu.memory_space<vmem>>
      %dma_wait3A_1752 = arith.constant 0 : i32
      %dma_wait3A_1753 = arith.constant 0 : i32
      %dma_wait3A_1754 = tpu.memref_slice %arg2[%dma_wait3A_1752, %dma_wait3A_1753] : memref<100000x64xf32, #tpu.memory_space<hbm>> -> memref<100x64xf32, #tpu.memory_space<hbm>>
      tpu.wait_dma2 semaphore(%arg18 : memref<!tpu.dma_semaphore, #tpu.memory_space<semaphore_mem>>) src(%dma_wait3A_1754 : memref<100x64xf32, #tpu.memory_space<hbm>>) dst(%dma_wait3A_1751 : memref<100x64xf32, #tpu.memory_space<vmem>>)
      %add3A_1755 = arith.constant 4 : i32
      %add3A_1756 = arith.addi %add3A_1632, %add3A_1755 : i32
      %mul3A_1757 = arith.constant 256 : i32
      %mul3A_1758 = arith.muli %add3A, %mul3A_1757 : i32
      %mul3A_1759 = arith.constant 4 : i32
      %mul3A_1760 = arith.muli %add3A_1756, %mul3A_1759 : i32
      %add3A_1761 = arith.addi %mul3A_1758, %mul3A_1760 : i32
      %multiple_of3A_1762 = tpu.assume_multiple %add3A_1761, 4 : i32
      %dma_start3A_1763 = arith.constant 0 : i32
      %dma_start3A_1764 = tpu.memref_slice %arg3[%multiple_of3A_1762, %dma_start3A_1763] : memref<8192x100xi32, #tpu.memory_space<hbm>> -> memref<4x100xi32, #tpu.memory_space<hbm>>
      %dma_start3A_1765 = arith.constant 0 : i32
      %dma_start3A_1766 = tpu.memref_slice %arg3[%multiple_of3A_1762, %dma_start3A_1765] : memref<8192x100xi32, #tpu.memory_space<hbm>> -> memref<4x100xi32, #tpu.memory_space<hbm>>
      tpu.enqueue_dma source(%dma_start3A_1766 : memref<4x100xi32, #tpu.memory_space<hbm>>) target(%arg6 : memref<4x100xi32, #tpu.memory_space<vmem>>) target_semaphore(%arg14 : memref<!tpu.dma_semaphore, #tpu.memory_space<semaphore_mem>>)
      %mul3A_1767 = arith.constant 128 : i32
      %mul3A_1768 = arith.muli %add3A, %mul3A_1767 : i32
      %mul3A_1769 = arith.constant 2 : i32
      %mul3A_1770 = arith.muli %add3A_1632, %mul3A_1769 : i32
      %add3A_1771 = arith.addi %mul3A_1768, %mul3A_1770 : i32
      %multiple_of3A_1772 = tpu.assume_multiple %add3A_1771, 2 : i32
      %dma_start3A_1773 = arith.constant 0 : i32
      %dma_start3A_1774 = arith.constant 0 : i32
      %dma_start3A_1775 = tpu.memref_slice %arg4[%multiple_of3A_1772, %dma_start3A_1773, %dma_start3A_1774] : memref<4096x200x64xf32, #tpu.memory_space<hbm>> -> memref<2x200x64xf32, #tpu.memory_space<hbm>>
      %dma_start3A_1776 = arith.constant 0 : i32
      %dma_start3A_1777 = arith.constant 0 : i32
      %dma_start3A_1778 = tpu.memref_slice %arg4[%multiple_of3A_1772, %dma_start3A_1776, %dma_start3A_1777] : memref<4096x200x64xf32, #tpu.memory_space<hbm>> -> memref<2x200x64xf32, #tpu.memory_space<hbm>>
      tpu.enqueue_dma source(%arg10 : memref<2x200x64xf32, #tpu.memory_space<vmem>>) target(%dma_start3A_1778 : memref<2x200x64xf32, #tpu.memory_space<hbm>>) target_semaphore(%arg22 : memref<!tpu.dma_semaphore, #tpu.memory_space<semaphore_mem>>)
    }
    %scan3A_433 = arith.constant 14 : i32
    %dma_wait3A_434 = arith.constant 0 : i32
    %dma_wait3A_435 = arith.constant 0 : i32
    %dma_wait3A_436 = arith.constant 0 : i32
    %dma_wait3A_437 = tpu.memref_slice %arg4[%dma_wait3A_434, %dma_wait3A_435, %dma_wait3A_436] : memref<4096x200x64xf32, #tpu.memory_space<hbm>> -> memref<2x200x64xf32, #tpu.memory_space<hbm>>
    %dma_wait3A_438 = arith.constant 0 : i32
    %dma_wait3A_439 = arith.constant 0 : i32
    %dma_wait3A_440 = arith.constant 0 : i32
    %dma_wait3A_441 = tpu.memref_slice %arg4[%dma_wait3A_438, %dma_wait3A_439, %dma_wait3A_440] : memref<4096x200x64xf32, #tpu.memory_space<hbm>> -> memref<2x200x64xf32, #tpu.memory_space<hbm>>
    tpu.wait_dma2 semaphore(%arg21 : memref<!tpu.dma_semaphore, #tpu.memory_space<semaphore_mem>>) src(%arg9 : memref<2x200x64xf32, #tpu.memory_space<vmem>>) dst(%dma_wait3A_441 : memref<2x200x64xf32, #tpu.memory_space<hbm>>)
    %dma_wait3A_442 = arith.constant 0 : i32
    %dma_wait3A_443 = arith.constant 0 : i32
    %dma_wait3A_444 = tpu.memref_slice %arg3[%dma_wait3A_442, %dma_wait3A_443] : memref<8192x100xi32, #tpu.memory_space<hbm>> -> memref<4x100xi32, #tpu.memory_space<hbm>>
    %dma_wait3A_445 = arith.constant 0 : i32
    %dma_wait3A_446 = arith.constant 0 : i32
    %dma_wait3A_447 = tpu.memref_slice %arg3[%dma_wait3A_445, %dma_wait3A_446] : memref<8192x100xi32, #tpu.memory_space<hbm>> -> memref<4x100xi32, #tpu.memory_space<hbm>>
    tpu.wait_dma2 semaphore(%arg13 : memref<!tpu.dma_semaphore, #tpu.memory_space<semaphore_mem>>) src(%dma_wait3A_447 : memref<4x100xi32, #tpu.memory_space<hbm>>) dst(%arg5 : memref<4x100xi32, #tpu.memory_space<vmem>>)
    %dma_start3A_448 = arith.constant 0 : i32
    %dma_start3A_449 = arith.constant 0 : i32
    %dma_start3A_450 = arith.constant 0 : i32
    %dma_start3A_451 = arith.constant 0 : i32
    %dma_start3A_452 = tpu.memref_slice %arg9[%dma_start3A_449, %dma_start3A_450, %dma_start3A_451] : memref<2x200x64xf32, #tpu.memory_space<vmem>> -> memref<1x100x64xf32, #tpu.memory_space<vmem>>
    %dma_start3A_453 = tpu.memref_squeeze %dma_start3A_452 : memref<1x100x64xf32, #tpu.memory_space<vmem>> -> memref<100x64xf32, #tpu.memory_space<vmem>>
    %dma_start3A_454 = arith.constant 0 : i32
    %dma_start3A_455 = tpu.memref_slice %arg5[%dma_start3A_448, %dma_start3A_454] : memref<4x100xi32, #tpu.memory_space<vmem>> -> memref<1x100xi32, #tpu.memory_space<vmem>>
    %dma_start3A_456 = tpu.memref_squeeze %dma_start3A_455 : memref<1x100xi32, #tpu.memory_space<vmem>> -> memref<100xi32, #tpu.memory_space<vmem>>
    %dma_start3A_457 = arith.constant 0 : i32
    %dma_start3A_458 = arith.constant 0 : i32
    %dma_start3A_459 = tpu.memref_slice %arg2[%dma_start3A_457, %dma_start3A_458] : memref<100000x64xf32, #tpu.memory_space<hbm>> -> memref<100000x64xf32, #tpu.memory_space<hbm>>
    tpu.enqueue_indirect_dma source(%dma_start3A_459 : memref<100000x64xf32, #tpu.memory_space<hbm>>) target(%dma_start3A_453 : memref<100x64xf32, #tpu.memory_space<vmem>>) offsets(%dma_start3A_456 : memref<100xi32, #tpu.memory_space<vmem>>) semaphore(%arg17 : memref<!tpu.dma_semaphore, #tpu.memory_space<semaphore_mem>>)
    %dma_start3A_460 = arith.constant 1 : i32
    %dma_start3A_461 = arith.constant 0 : i32
    %dma_start3A_462 = arith.constant 100 : i32
    %dma_start3A_463 = arith.constant 0 : i32
    %dma_start3A_464 = tpu.memref_slice %arg9[%dma_start3A_461, %dma_start3A_462, %dma_start3A_463] : memref<2x200x64xf32, #tpu.memory_space<vmem>> -> memref<1x100x64xf32, #tpu.memory_space<vmem>>
    %dma_start3A_465 = tpu.memref_squeeze %dma_start3A_464 : memref<1x100x64xf32, #tpu.memory_space<vmem>> -> memref<100x64xf32, #tpu.memory_space<vmem>>
    %dma_start3A_466 = arith.constant 0 : i32
    %dma_start3A_467 = tpu.memref_slice %arg5[%dma_start3A_460, %dma_start3A_466] : memref<4x100xi32, #tpu.memory_space<vmem>> -> memref<1x100xi32, #tpu.memory_space<vmem>>
    %dma_start3A_468 = tpu.memref_squeeze %dma_start3A_467 : memref<1x100xi32, #tpu.memory_space<vmem>> -> memref<100xi32, #tpu.memory_space<vmem>>
    %dma_start3A_469 = arith.constant 0 : i32
    %dma_start3A_470 = arith.constant 0 : i32
    %dma_start3A_471 = tpu.memref_slice %arg2[%dma_start3A_469, %dma_start3A_470] : memref<100000x64xf32, #tpu.memory_space<hbm>> -> memref<100000x64xf32, #tpu.memory_space<hbm>>
    tpu.enqueue_indirect_dma source(%dma_start3A_471 : memref<100000x64xf32, #tpu.memory_space<hbm>>) target(%dma_start3A_465 : memref<100x64xf32, #tpu.memory_space<vmem>>) offsets(%dma_start3A_468 : memref<100xi32, #tpu.memory_space<vmem>>) semaphore(%arg17 : memref<!tpu.dma_semaphore, #tpu.memory_space<semaphore_mem>>)
    %dma_start3A_472 = arith.constant 2 : i32
    %dma_start3A_473 = arith.constant 1 : i32
    %dma_start3A_474 = arith.constant 0 : i32
    %dma_start3A_475 = arith.constant 0 : i32
    %dma_start3A_476 = tpu.memref_slice %arg9[%dma_start3A_473, %dma_start3A_474, %dma_start3A_475] : memref<2x200x64xf32, #tpu.memory_space<vmem>> -> memref<1x100x64xf32, #tpu.memory_space<vmem>>
    %dma_start3A_477 = tpu.memref_squeeze %dma_start3A_476 : memref<1x100x64xf32, #tpu.memory_space<vmem>> -> memref<100x64xf32, #tpu.memory_space<vmem>>
    %dma_start3A_478 = arith.constant 0 : i32
    %dma_start3A_479 = tpu.memref_slice %arg5[%dma_start3A_472, %dma_start3A_478] : memref<4x100xi32, #tpu.memory_space<vmem>> -> memref<1x100xi32, #tpu.memory_space<vmem>>
    %dma_start3A_480 = tpu.memref_squeeze %dma_start3A_479 : memref<1x100xi32, #tpu.memory_space<vmem>> -> memref<100xi32, #tpu.memory_space<vmem>>
    %dma_start3A_481 = arith.constant 0 : i32
    %dma_start3A_482 = arith.constant 0 : i32
    %dma_start3A_483 = tpu.memref_slice %arg2[%dma_start3A_481, %dma_start3A_482] : memref<100000x64xf32, #tpu.memory_space<hbm>> -> memref<100000x64xf32, #tpu.memory_space<hbm>>
    tpu.enqueue_indirect_dma source(%dma_start3A_483 : memref<100000x64xf32, #tpu.memory_space<hbm>>) target(%dma_start3A_477 : memref<100x64xf32, #tpu.memory_space<vmem>>) offsets(%dma_start3A_480 : memref<100xi32, #tpu.memory_space<vmem>>) semaphore(%arg17 : memref<!tpu.dma_semaphore, #tpu.memory_space<semaphore_mem>>)
    %dma_start3A_484 = arith.constant 3 : i32
    %dma_start3A_485 = arith.constant 1 : i32
    %dma_start3A_486 = arith.constant 100 : i32
    %dma_start3A_487 = arith.constant 0 : i32
    %dma_start3A_488 = tpu.memref_slice %arg9[%dma_start3A_485, %dma_start3A_486, %dma_start3A_487] : memref<2x200x64xf32, #tpu.memory_space<vmem>> -> memref<1x100x64xf32, #tpu.memory_space<vmem>>
    %dma_start3A_489 = tpu.memref_squeeze %dma_start3A_488 : memref<1x100x64xf32, #tpu.memory_space<vmem>> -> memref<100x64xf32, #tpu.memory_space<vmem>>
    %dma_start3A_490 = arith.constant 0 : i32
    %dma_start3A_491 = tpu.memref_slice %arg5[%dma_start3A_484, %dma_start3A_490] : memref<4x100xi32, #tpu.memory_space<vmem>> -> memref<1x100xi32, #tpu.memory_space<vmem>>
    %dma_start3A_492 = tpu.memref_squeeze %dma_start3A_491 : memref<1x100xi32, #tpu.memory_space<vmem>> -> memref<100xi32, #tpu.memory_space<vmem>>
    %dma_start3A_493 = arith.constant 0 : i32
    %dma_start3A_494 = arith.constant 0 : i32
    %dma_start3A_495 = tpu.memref_slice %arg2[%dma_start3A_493, %dma_start3A_494] : memref<100000x64xf32, #tpu.memory_space<hbm>> -> memref<100000x64xf32, #tpu.memory_space<hbm>>
    tpu.enqueue_indirect_dma source(%dma_start3A_495 : memref<100000x64xf32, #tpu.memory_space<hbm>>) target(%dma_start3A_489 : memref<100x64xf32, #tpu.memory_space<vmem>>) offsets(%dma_start3A_492 : memref<100xi32, #tpu.memory_space<vmem>>) semaphore(%arg17 : memref<!tpu.dma_semaphore, #tpu.memory_space<semaphore_mem>>)
    %dma_wait3A_496 = arith.constant 0 : i32
    %dma_wait3A_497 = arith.constant 0 : i32
    %dma_wait3A_498 = arith.constant 0 : i32
    %dma_wait3A_499 = tpu.memref_slice %arg11[%dma_wait3A_496, %dma_wait3A_497, %dma_wait3A_498] : memref<2x200x64xf32, #tpu.memory_space<vmem>> -> memref<1x100x64xf32, #tpu.memory_space<vmem>>
    %dma_wait3A_500 = tpu.memref_squeeze %dma_wait3A_499 : memref<1x100x64xf32, #tpu.memory_space<vmem>> -> memref<100x64xf32, #tpu.memory_space<vmem>>
    %dma_wait3A_501 = arith.constant 0 : i32
    %dma_wait3A_502 = arith.constant 0 : i32
    %dma_wait3A_503 = tpu.memref_slice %arg2[%dma_wait3A_501, %dma_wait3A_502] : memref<100000x64xf32, #tpu.memory_space<hbm>> -> memref<100x64xf32, #tpu.memory_space<hbm>>
    %dma_wait3A_504 = arith.constant 0 : i32
    %dma_wait3A_505 = arith.constant 0 : i32
    %dma_wait3A_506 = tpu.memref_slice %arg11[%dma_wait3A_496, %dma_wait3A_504, %dma_wait3A_505] : memref<2x200x64xf32, #tpu.memory_space<vmem>> -> memref<1x100x64xf32, #tpu.memory_space<vmem>>
    %dma_wait3A_507 = tpu.memref_squeeze %dma_wait3A_506 : memref<1x100x64xf32, #tpu.memory_space<vmem>> -> memref<100x64xf32, #tpu.memory_space<vmem>>
    %dma_wait3A_508 = arith.constant 0 : i32
    %dma_wait3A_509 = arith.constant 0 : i32
    %dma_wait3A_510 = tpu.memref_slice %arg2[%dma_wait3A_508, %dma_wait3A_509] : memref<100000x64xf32, #tpu.memory_space<hbm>> -> memref<100x64xf32, #tpu.memory_space<hbm>>
    tpu.wait_dma2 semaphore(%arg19 : memref<!tpu.dma_semaphore, #tpu.memory_space<semaphore_mem>>) src(%dma_wait3A_510 : memref<100x64xf32, #tpu.memory_space<hbm>>) dst(%dma_wait3A_507 : memref<100x64xf32, #tpu.memory_space<vmem>>)
    %dma_wait3A_511 = arith.constant 0 : i32
    %dma_wait3A_512 = arith.constant 0 : i32
    %dma_wait3A_513 = arith.constant 0 : i32
    %dma_wait3A_514 = tpu.memref_slice %arg11[%dma_wait3A_511, %dma_wait3A_512, %dma_wait3A_513] : memref<2x200x64xf32, #tpu.memory_space<vmem>> -> memref<1x100x64xf32, #tpu.memory_space<vmem>>
    %dma_wait3A_515 = tpu.memref_squeeze %dma_wait3A_514 : memref<1x100x64xf32, #tpu.memory_space<vmem>> -> memref<100x64xf32, #tpu.memory_space<vmem>>
    %dma_wait3A_516 = arith.constant 0 : i32
    %dma_wait3A_517 = arith.constant 0 : i32
    %dma_wait3A_518 = tpu.memref_slice %arg2[%dma_wait3A_516, %dma_wait3A_517] : memref<100000x64xf32, #tpu.memory_space<hbm>> -> memref<100x64xf32, #tpu.memory_space<hbm>>
    %dma_wait3A_519 = arith.constant 0 : i32
    %dma_wait3A_520 = arith.constant 0 : i32
    %dma_wait3A_521 = tpu.memref_slice %arg11[%dma_wait3A_511, %dma_wait3A_519, %dma_wait3A_520] : memref<2x200x64xf32, #tpu.memory_space<vmem>> -> memref<1x100x64xf32, #tpu.memory_space<vmem>>
    %dma_wait3A_522 = tpu.memref_squeeze %dma_wait3A_521 : memref<1x100x64xf32, #tpu.memory_space<vmem>> -> memref<100x64xf32, #tpu.memory_space<vmem>>
    %dma_wait3A_523 = arith.constant 0 : i32
    %dma_wait3A_524 = arith.constant 0 : i32
    %dma_wait3A_525 = tpu.memref_slice %arg2[%dma_wait3A_523, %dma_wait3A_524] : memref<100000x64xf32, #tpu.memory_space<hbm>> -> memref<100x64xf32, #tpu.memory_space<hbm>>
    tpu.wait_dma2 semaphore(%arg19 : memref<!tpu.dma_semaphore, #tpu.memory_space<semaphore_mem>>) src(%dma_wait3A_525 : memref<100x64xf32, #tpu.memory_space<hbm>>) dst(%dma_wait3A_522 : memref<100x64xf32, #tpu.memory_space<vmem>>)
    %dma_wait3A_526 = arith.constant 0 : i32
    %dma_wait3A_527 = arith.constant 0 : i32
    %dma_wait3A_528 = arith.constant 0 : i32
    %dma_wait3A_529 = tpu.memref_slice %arg11[%dma_wait3A_526, %dma_wait3A_527, %dma_wait3A_528] : memref<2x200x64xf32, #tpu.memory_space<vmem>> -> memref<1x100x64xf32, #tpu.memory_space<vmem>>
    %dma_wait3A_530 = tpu.memref_squeeze %dma_wait3A_529 : memref<1x100x64xf32, #tpu.memory_space<vmem>> -> memref<100x64xf32, #tpu.memory_space<vmem>>
    %dma_wait3A_531 = arith.constant 0 : i32
    %dma_wait3A_532 = arith.constant 0 : i32
    %dma_wait3A_533 = tpu.memref_slice %arg2[%dma_wait3A_531, %dma_wait3A_532] : memref<100000x64xf32, #tpu.memory_space<hbm>> -> memref<100x64xf32, #tpu.memory_space<hbm>>
    %dma_wait3A_534 = arith.constant 0 : i32
    %dma_wait3A_535 = arith.constant 0 : i32
    %dma_wait3A_536 = tpu.memref_slice %arg11[%dma_wait3A_526, %dma_wait3A_534, %dma_wait3A_535] : memref<2x200x64xf32, #tpu.memory_space<vmem>> -> memref<1x100x64xf32, #tpu.memory_space<vmem>>
    %dma_wait3A_537 = tpu.memref_squeeze %dma_wait3A_536 : memref<1x100x64xf32, #tpu.memory_space<vmem>> -> memref<100x64xf32, #tpu.memory_space<vmem>>
    %dma_wait3A_538 = arith.constant 0 : i32
    %dma_wait3A_539 = arith.constant 0 : i32
    %dma_wait3A_540 = tpu.memref_slice %arg2[%dma_wait3A_538, %dma_wait3A_539] : memref<100000x64xf32, #tpu.memory_space<hbm>> -> memref<100x64xf32, #tpu.memory_space<hbm>>
    tpu.wait_dma2 semaphore(%arg19 : memref<!tpu.dma_semaphore, #tpu.memory_space<semaphore_mem>>) src(%dma_wait3A_540 : memref<100x64xf32, #tpu.memory_space<hbm>>) dst(%dma_wait3A_537 : memref<100x64xf32, #tpu.memory_space<vmem>>)
    %dma_wait3A_541 = arith.constant 0 : i32
    %dma_wait3A_542 = arith.constant 0 : i32
    %dma_wait3A_543 = arith.constant 0 : i32
    %dma_wait3A_544 = tpu.memref_slice %arg11[%dma_wait3A_541, %dma_wait3A_542, %dma_wait3A_543] : memref<2x200x64xf32, #tpu.memory_space<vmem>> -> memref<1x100x64xf32, #tpu.memory_space<vmem>>
    %dma_wait3A_545 = tpu.memref_squeeze %dma_wait3A_544 : memref<1x100x64xf32, #tpu.memory_space<vmem>> -> memref<100x64xf32, #tpu.memory_space<vmem>>
    %dma_wait3A_546 = arith.constant 0 : i32
    %dma_wait3A_547 = arith.constant 0 : i32
    %dma_wait3A_548 = tpu.memref_slice %arg2[%dma_wait3A_546, %dma_wait3A_547] : memref<100000x64xf32, #tpu.memory_space<hbm>> -> memref<100x64xf32, #tpu.memory_space<hbm>>
    %dma_wait3A_549 = arith.constant 0 : i32
    %dma_wait3A_550 = arith.constant 0 : i32
    %dma_wait3A_551 = tpu.memref_slice %arg11[%dma_wait3A_541, %dma_wait3A_549, %dma_wait3A_550] : memref<2x200x64xf32, #tpu.memory_space<vmem>> -> memref<1x100x64xf32, #tpu.memory_space<vmem>>
    %dma_wait3A_552 = tpu.memref_squeeze %dma_wait3A_551 : memref<1x100x64xf32, #tpu.memory_space<vmem>> -> memref<100x64xf32, #tpu.memory_space<vmem>>
    %dma_wait3A_553 = arith.constant 0 : i32
    %dma_wait3A_554 = arith.constant 0 : i32
    %dma_wait3A_555 = tpu.memref_slice %arg2[%dma_wait3A_553, %dma_wait3A_554] : memref<100000x64xf32, #tpu.memory_space<hbm>> -> memref<100x64xf32, #tpu.memory_space<hbm>>
    tpu.wait_dma2 semaphore(%arg19 : memref<!tpu.dma_semaphore, #tpu.memory_space<semaphore_mem>>) src(%dma_wait3A_555 : memref<100x64xf32, #tpu.memory_space<hbm>>) dst(%dma_wait3A_552 : memref<100x64xf32, #tpu.memory_space<vmem>>)
    %add3A_556 = arith.constant 58 : i32
    %add3A_557 = arith.constant 4 : i32
    %add3A_558 = arith.addi %add3A_556, %add3A_557 : i32
    %mul3A_559 = arith.constant 256 : i32
    %mul3A_560 = arith.muli %add3A, %mul3A_559 : i32
    %mul3A_561 = arith.constant 4 : i32
    %mul3A_562 = arith.muli %add3A_558, %mul3A_561 : i32
    %add3A_563 = arith.addi %mul3A_560, %mul3A_562 : i32
    %multiple_of3A_564 = tpu.assume_multiple %add3A_563, 4 : i32
    %dma_start3A_565 = arith.constant 0 : i32
    %dma_start3A_566 = tpu.memref_slice %arg3[%multiple_of3A_564, %dma_start3A_565] : memref<8192x100xi32, #tpu.memory_space<hbm>> -> memref<4x100xi32, #tpu.memory_space<hbm>>
    %dma_start3A_567 = arith.constant 0 : i32
    %dma_start3A_568 = tpu.memref_slice %arg3[%multiple_of3A_564, %dma_start3A_567] : memref<8192x100xi32, #tpu.memory_space<hbm>> -> memref<4x100xi32, #tpu.memory_space<hbm>>
    tpu.enqueue_dma source(%dma_start3A_568 : memref<4x100xi32, #tpu.memory_space<hbm>>) target(%arg7 : memref<4x100xi32, #tpu.memory_space<vmem>>) target_semaphore(%arg15 : memref<!tpu.dma_semaphore, #tpu.memory_space<semaphore_mem>>)
    %mul3A_569 = arith.constant 128 : i32
    %mul3A_570 = arith.muli %add3A, %mul3A_569 : i32
    %mul3A_571 = arith.constant 58 : i32
    %mul3A_572 = arith.constant 2 : i32
    %mul3A_573 = arith.muli %mul3A_571, %mul3A_572 : i32
    %add3A_574 = arith.addi %mul3A_570, %mul3A_573 : i32
    %multiple_of3A_575 = tpu.assume_multiple %add3A_574, 2 : i32
    %dma_start3A_576 = arith.constant 0 : i32
    %dma_start3A_577 = arith.constant 0 : i32
    %dma_start3A_578 = tpu.memref_slice %arg4[%multiple_of3A_575, %dma_start3A_576, %dma_start3A_577] : memref<4096x200x64xf32, #tpu.memory_space<hbm>> -> memref<2x200x64xf32, #tpu.memory_space<hbm>>
    %dma_start3A_579 = arith.constant 0 : i32
    %dma_start3A_580 = arith.constant 0 : i32
    %dma_start3A_581 = tpu.memref_slice %arg4[%multiple_of3A_575, %dma_start3A_579, %dma_start3A_580] : memref<4096x200x64xf32, #tpu.memory_space<hbm>> -> memref<2x200x64xf32, #tpu.memory_space<hbm>>
    tpu.enqueue_dma source(%arg11 : memref<2x200x64xf32, #tpu.memory_space<vmem>>) target(%dma_start3A_581 : memref<2x200x64xf32, #tpu.memory_space<hbm>>) target_semaphore(%arg23 : memref<!tpu.dma_semaphore, #tpu.memory_space<semaphore_mem>>)
    %dma_wait3A_582 = arith.constant 0 : i32
    %dma_wait3A_583 = arith.constant 0 : i32
    %dma_wait3A_584 = arith.constant 0 : i32
    %dma_wait3A_585 = tpu.memref_slice %arg4[%dma_wait3A_582, %dma_wait3A_583, %dma_wait3A_584] : memref<4096x200x64xf32, #tpu.memory_space<hbm>> -> memref<2x200x64xf32, #tpu.memory_space<hbm>>
    %dma_wait3A_586 = arith.constant 0 : i32
    %dma_wait3A_587 = arith.constant 0 : i32
    %dma_wait3A_588 = arith.constant 0 : i32
    %dma_wait3A_589 = tpu.memref_slice %arg4[%dma_wait3A_586, %dma_wait3A_587, %dma_wait3A_588] : memref<4096x200x64xf32, #tpu.memory_space<hbm>> -> memref<2x200x64xf32, #tpu.memory_space<hbm>>
    tpu.wait_dma2 semaphore(%arg22 : memref<!tpu.dma_semaphore, #tpu.memory_space<semaphore_mem>>) src(%arg10 : memref<2x200x64xf32, #tpu.memory_space<vmem>>) dst(%dma_wait3A_589 : memref<2x200x64xf32, #tpu.memory_space<hbm>>)
    %dma_wait3A_590 = arith.constant 0 : i32
    %dma_wait3A_591 = arith.constant 0 : i32
    %dma_wait3A_592 = tpu.memref_slice %arg3[%dma_wait3A_590, %dma_wait3A_591] : memref<8192x100xi32, #tpu.memory_space<hbm>> -> memref<4x100xi32, #tpu.memory_space<hbm>>
    %dma_wait3A_593 = arith.constant 0 : i32
    %dma_wait3A_594 = arith.constant 0 : i32
    %dma_wait3A_595 = tpu.memref_slice %arg3[%dma_wait3A_593, %dma_wait3A_594] : memref<8192x100xi32, #tpu.memory_space<hbm>> -> memref<4x100xi32, #tpu.memory_space<hbm>>
    tpu.wait_dma2 semaphore(%arg14 : memref<!tpu.dma_semaphore, #tpu.memory_space<semaphore_mem>>) src(%dma_wait3A_595 : memref<4x100xi32, #tpu.memory_space<hbm>>) dst(%arg6 : memref<4x100xi32, #tpu.memory_space<vmem>>)
    %dma_start3A_596 = arith.constant 0 : i32
    %dma_start3A_597 = arith.constant 0 : i32
    %dma_start3A_598 = arith.constant 0 : i32
    %dma_start3A_599 = arith.constant 0 : i32
    %dma_start3A_600 = tpu.memref_slice %arg10[%dma_start3A_597, %dma_start3A_598, %dma_start3A_599] : memref<2x200x64xf32, #tpu.memory_space<vmem>> -> memref<1x100x64xf32, #tpu.memory_space<vmem>>
    %dma_start3A_601 = tpu.memref_squeeze %dma_start3A_600 : memref<1x100x64xf32, #tpu.memory_space<vmem>> -> memref<100x64xf32, #tpu.memory_space<vmem>>
    %dma_start3A_602 = arith.constant 0 : i32
    %dma_start3A_603 = tpu.memref_slice %arg6[%dma_start3A_596, %dma_start3A_602] : memref<4x100xi32, #tpu.memory_space<vmem>> -> memref<1x100xi32, #tpu.memory_space<vmem>>
    %dma_start3A_604 = tpu.memref_squeeze %dma_start3A_603 : memref<1x100xi32, #tpu.memory_space<vmem>> -> memref<100xi32, #tpu.memory_space<vmem>>
    %dma_start3A_605 = arith.constant 0 : i32
    %dma_start3A_606 = arith.constant 0 : i32
    %dma_start3A_607 = tpu.memref_slice %arg2[%dma_start3A_605, %dma_start3A_606] : memref<100000x64xf32, #tpu.memory_space<hbm>> -> memref<100000x64xf32, #tpu.memory_space<hbm>>
    tpu.enqueue_indirect_dma source(%dma_start3A_607 : memref<100000x64xf32, #tpu.memory_space<hbm>>) target(%dma_start3A_601 : memref<100x64xf32, #tpu.memory_space<vmem>>) offsets(%dma_start3A_604 : memref<100xi32, #tpu.memory_space<vmem>>) semaphore(%arg18 : memref<!tpu.dma_semaphore, #tpu.memory_space<semaphore_mem>>)
    %dma_start3A_608 = arith.constant 1 : i32
    %dma_start3A_609 = arith.constant 0 : i32
    %dma_start3A_610 = arith.constant 100 : i32
    %dma_start3A_611 = arith.constant 0 : i32
    %dma_start3A_612 = tpu.memref_slice %arg10[%dma_start3A_609, %dma_start3A_610, %dma_start3A_611] : memref<2x200x64xf32, #tpu.memory_space<vmem>> -> memref<1x100x64xf32, #tpu.memory_space<vmem>>
    %dma_start3A_613 = tpu.memref_squeeze %dma_start3A_612 : memref<1x100x64xf32, #tpu.memory_space<vmem>> -> memref<100x64xf32, #tpu.memory_space<vmem>>
    %dma_start3A_614 = arith.constant 0 : i32
    %dma_start3A_615 = tpu.memref_slice %arg6[%dma_start3A_608, %dma_start3A_614] : memref<4x100xi32, #tpu.memory_space<vmem>> -> memref<1x100xi32, #tpu.memory_space<vmem>>
    %dma_start3A_616 = tpu.memref_squeeze %dma_start3A_615 : memref<1x100xi32, #tpu.memory_space<vmem>> -> memref<100xi32, #tpu.memory_space<vmem>>
    %dma_start3A_617 = arith.constant 0 : i32
    %dma_start3A_618 = arith.constant 0 : i32
    %dma_start3A_619 = tpu.memref_slice %arg2[%dma_start3A_617, %dma_start3A_618] : memref<100000x64xf32, #tpu.memory_space<hbm>> -> memref<100000x64xf32, #tpu.memory_space<hbm>>
    tpu.enqueue_indirect_dma source(%dma_start3A_619 : memref<100000x64xf32, #tpu.memory_space<hbm>>) target(%dma_start3A_613 : memref<100x64xf32, #tpu.memory_space<vmem>>) offsets(%dma_start3A_616 : memref<100xi32, #tpu.memory_space<vmem>>) semaphore(%arg18 : memref<!tpu.dma_semaphore, #tpu.memory_space<semaphore_mem>>)
    %dma_start3A_620 = arith.constant 2 : i32
    %dma_start3A_621 = arith.constant 1 : i32
    %dma_start3A_622 = arith.constant 0 : i32
    %dma_start3A_623 = arith.constant 0 : i32
    %dma_start3A_624 = tpu.memref_slice %arg10[%dma_start3A_621, %dma_start3A_622, %dma_start3A_623] : memref<2x200x64xf32, #tpu.memory_space<vmem>> -> memref<1x100x64xf32, #tpu.memory_space<vmem>>
    %dma_start3A_625 = tpu.memref_squeeze %dma_start3A_624 : memref<1x100x64xf32, #tpu.memory_space<vmem>> -> memref<100x64xf32, #tpu.memory_space<vmem>>
    %dma_start3A_626 = arith.constant 0 : i32
    %dma_start3A_627 = tpu.memref_slice %arg6[%dma_start3A_620, %dma_start3A_626] : memref<4x100xi32, #tpu.memory_space<vmem>> -> memref<1x100xi32, #tpu.memory_space<vmem>>
    %dma_start3A_628 = tpu.memref_squeeze %dma_start3A_627 : memref<1x100xi32, #tpu.memory_space<vmem>> -> memref<100xi32, #tpu.memory_space<vmem>>
    %dma_start3A_629 = arith.constant 0 : i32
    %dma_start3A_630 = arith.constant 0 : i32
    %dma_start3A_631 = tpu.memref_slice %arg2[%dma_start3A_629, %dma_start3A_630] : memref<100000x64xf32, #tpu.memory_space<hbm>> -> memref<100000x64xf32, #tpu.memory_space<hbm>>
    tpu.enqueue_indirect_dma source(%dma_start3A_631 : memref<100000x64xf32, #tpu.memory_space<hbm>>) target(%dma_start3A_625 : memref<100x64xf32, #tpu.memory_space<vmem>>) offsets(%dma_start3A_628 : memref<100xi32, #tpu.memory_space<vmem>>) semaphore(%arg18 : memref<!tpu.dma_semaphore, #tpu.memory_space<semaphore_mem>>)
    %dma_start3A_632 = arith.constant 3 : i32
    %dma_start3A_633 = arith.constant 1 : i32
    %dma_start3A_634 = arith.constant 100 : i32
    %dma_start3A_635 = arith.constant 0 : i32
    %dma_start3A_636 = tpu.memref_slice %arg10[%dma_start3A_633, %dma_start3A_634, %dma_start3A_635] : memref<2x200x64xf32, #tpu.memory_space<vmem>> -> memref<1x100x64xf32, #tpu.memory_space<vmem>>
    %dma_start3A_637 = tpu.memref_squeeze %dma_start3A_636 : memref<1x100x64xf32, #tpu.memory_space<vmem>> -> memref<100x64xf32, #tpu.memory_space<vmem>>
    %dma_start3A_638 = arith.constant 0 : i32
    %dma_start3A_639 = tpu.memref_slice %arg6[%dma_start3A_632, %dma_start3A_638] : memref<4x100xi32, #tpu.memory_space<vmem>> -> memref<1x100xi32, #tpu.memory_space<vmem>>
    %dma_start3A_640 = tpu.memref_squeeze %dma_start3A_639 : memref<1x100xi32, #tpu.memory_space<vmem>> -> memref<100xi32, #tpu.memory_space<vmem>>
    %dma_start3A_641 = arith.constant 0 : i32
    %dma_start3A_642 = arith.constant 0 : i32
    %dma_start3A_643 = tpu.memref_slice %arg2[%dma_start3A_641, %dma_start3A_642] : memref<100000x64xf32, #tpu.memory_space<hbm>> -> memref<100000x64xf32, #tpu.memory_space<hbm>>
    tpu.enqueue_indirect_dma source(%dma_start3A_643 : memref<100000x64xf32, #tpu.memory_space<hbm>>) target(%dma_start3A_637 : memref<100x64xf32, #tpu.memory_space<vmem>>) offsets(%dma_start3A_640 : memref<100xi32, #tpu.memory_space<vmem>>) semaphore(%arg18 : memref<!tpu.dma_semaphore, #tpu.memory_space<semaphore_mem>>)
    %dma_wait3A_644 = arith.constant 0 : i32
    %dma_wait3A_645 = arith.constant 0 : i32
    %dma_wait3A_646 = arith.constant 0 : i32
    %dma_wait3A_647 = tpu.memref_slice %arg12[%dma_wait3A_644, %dma_wait3A_645, %dma_wait3A_646] : memref<2x200x64xf32, #tpu.memory_space<vmem>> -> memref<1x100x64xf32, #tpu.memory_space<vmem>>
    %dma_wait3A_648 = tpu.memref_squeeze %dma_wait3A_647 : memref<1x100x64xf32, #tpu.memory_space<vmem>> -> memref<100x64xf32, #tpu.memory_space<vmem>>
    %dma_wait3A_649 = arith.constant 0 : i32
    %dma_wait3A_650 = arith.constant 0 : i32
    %dma_wait3A_651 = tpu.memref_slice %arg2[%dma_wait3A_649, %dma_wait3A_650] : memref<100000x64xf32, #tpu.memory_space<hbm>> -> memref<100x64xf32, #tpu.memory_space<hbm>>
    %dma_wait3A_652 = arith.constant 0 : i32
    %dma_wait3A_653 = arith.constant 0 : i32
    %dma_wait3A_654 = tpu.memref_slice %arg12[%dma_wait3A_644, %dma_wait3A_652, %dma_wait3A_653] : memref<2x200x64xf32, #tpu.memory_space<vmem>> -> memref<1x100x64xf32, #tpu.memory_space<vmem>>
    %dma_wait3A_655 = tpu.memref_squeeze %dma_wait3A_654 : memref<1x100x64xf32, #tpu.memory_space<vmem>> -> memref<100x64xf32, #tpu.memory_space<vmem>>
    %dma_wait3A_656 = arith.constant 0 : i32
    %dma_wait3A_657 = arith.constant 0 : i32
    %dma_wait3A_658 = tpu.memref_slice %arg2[%dma_wait3A_656, %dma_wait3A_657] : memref<100000x64xf32, #tpu.memory_space<hbm>> -> memref<100x64xf32, #tpu.memory_space<hbm>>
    tpu.wait_dma2 semaphore(%arg20 : memref<!tpu.dma_semaphore, #tpu.memory_space<semaphore_mem>>) src(%dma_wait3A_658 : memref<100x64xf32, #tpu.memory_space<hbm>>) dst(%dma_wait3A_655 : memref<100x64xf32, #tpu.memory_space<vmem>>)
    %dma_wait3A_659 = arith.constant 0 : i32
    %dma_wait3A_660 = arith.constant 0 : i32
    %dma_wait3A_661 = arith.constant 0 : i32
    %dma_wait3A_662 = tpu.memref_slice %arg12[%dma_wait3A_659, %dma_wait3A_660, %dma_wait3A_661] : memref<2x200x64xf32, #tpu.memory_space<vmem>> -> memref<1x100x64xf32, #tpu.memory_space<vmem>>
    %dma_wait3A_663 = tpu.memref_squeeze %dma_wait3A_662 : memref<1x100x64xf32, #tpu.memory_space<vmem>> -> memref<100x64xf32, #tpu.memory_space<vmem>>
    %dma_wait3A_664 = arith.constant 0 : i32
    %dma_wait3A_665 = arith.constant 0 : i32
    %dma_wait3A_666 = tpu.memref_slice %arg2[%dma_wait3A_664, %dma_wait3A_665] : memref<100000x64xf32, #tpu.memory_space<hbm>> -> memref<100x64xf32, #tpu.memory_space<hbm>>
    %dma_wait3A_667 = arith.constant 0 : i32
    %dma_wait3A_668 = arith.constant 0 : i32
    %dma_wait3A_669 = tpu.memref_slice %arg12[%dma_wait3A_659, %dma_wait3A_667, %dma_wait3A_668] : memref<2x200x64xf32, #tpu.memory_space<vmem>> -> memref<1x100x64xf32, #tpu.memory_space<vmem>>
    %dma_wait3A_670 = tpu.memref_squeeze %dma_wait3A_669 : memref<1x100x64xf32, #tpu.memory_space<vmem>> -> memref<100x64xf32, #tpu.memory_space<vmem>>
    %dma_wait3A_671 = arith.constant 0 : i32
    %dma_wait3A_672 = arith.constant 0 : i32
    %dma_wait3A_673 = tpu.memref_slice %arg2[%dma_wait3A_671, %dma_wait3A_672] : memref<100000x64xf32, #tpu.memory_space<hbm>> -> memref<100x64xf32, #tpu.memory_space<hbm>>
    tpu.wait_dma2 semaphore(%arg20 : memref<!tpu.dma_semaphore, #tpu.memory_space<semaphore_mem>>) src(%dma_wait3A_673 : memref<100x64xf32, #tpu.memory_space<hbm>>) dst(%dma_wait3A_670 : memref<100x64xf32, #tpu.memory_space<vmem>>)
    %dma_wait3A_674 = arith.constant 0 : i32
    %dma_wait3A_675 = arith.constant 0 : i32
    %dma_wait3A_676 = arith.constant 0 : i32
    %dma_wait3A_677 = tpu.memref_slice %arg12[%dma_wait3A_674, %dma_wait3A_675, %dma_wait3A_676] : memref<2x200x64xf32, #tpu.memory_space<vmem>> -> memref<1x100x64xf32, #tpu.memory_space<vmem>>
    %dma_wait3A_678 = tpu.memref_squeeze %dma_wait3A_677 : memref<1x100x64xf32, #tpu.memory_space<vmem>> -> memref<100x64xf32, #tpu.memory_space<vmem>>
    %dma_wait3A_679 = arith.constant 0 : i32
    %dma_wait3A_680 = arith.constant 0 : i32
    %dma_wait3A_681 = tpu.memref_slice %arg2[%dma_wait3A_679, %dma_wait3A_680] : memref<100000x64xf32, #tpu.memory_space<hbm>> -> memref<100x64xf32, #tpu.memory_space<hbm>>
    %dma_wait3A_682 = arith.constant 0 : i32
    %dma_wait3A_683 = arith.constant 0 : i32
    %dma_wait3A_684 = tpu.memref_slice %arg12[%dma_wait3A_674, %dma_wait3A_682, %dma_wait3A_683] : memref<2x200x64xf32, #tpu.memory_space<vmem>> -> memref<1x100x64xf32, #tpu.memory_space<vmem>>
    %dma_wait3A_685 = tpu.memref_squeeze %dma_wait3A_684 : memref<1x100x64xf32, #tpu.memory_space<vmem>> -> memref<100x64xf32, #tpu.memory_space<vmem>>
    %dma_wait3A_686 = arith.constant 0 : i32
    %dma_wait3A_687 = arith.constant 0 : i32
    %dma_wait3A_688 = tpu.memref_slice %arg2[%dma_wait3A_686, %dma_wait3A_687] : memref<100000x64xf32, #tpu.memory_space<hbm>> -> memref<100x64xf32, #tpu.memory_space<hbm>>
    tpu.wait_dma2 semaphore(%arg20 : memref<!tpu.dma_semaphore, #tpu.memory_space<semaphore_mem>>) src(%dma_wait3A_688 : memref<100x64xf32, #tpu.memory_space<hbm>>) dst(%dma_wait3A_685 : memref<100x64xf32, #tpu.memory_space<vmem>>)
    %dma_wait3A_689 = arith.constant 0 : i32
    %dma_wait3A_690 = arith.constant 0 : i32
    %dma_wait3A_691 = arith.constant 0 : i32
    %dma_wait3A_692 = tpu.memref_slice %arg12[%dma_wait3A_689, %dma_wait3A_690, %dma_wait3A_691] : memref<2x200x64xf32, #tpu.memory_space<vmem>> -> memref<1x100x64xf32, #tpu.memory_space<vmem>>
    %dma_wait3A_693 = tpu.memref_squeeze %dma_wait3A_692 : memref<1x100x64xf32, #tpu.memory_space<vmem>> -> memref<100x64xf32, #tpu.memory_space<vmem>>
    %dma_wait3A_694 = arith.constant 0 : i32
    %dma_wait3A_695 = arith.constant 0 : i32
    %dma_wait3A_696 = tpu.memref_slice %arg2[%dma_wait3A_694, %dma_wait3A_695] : memref<100000x64xf32, #tpu.memory_space<hbm>> -> memref<100x64xf32, #tpu.memory_space<hbm>>
    %dma_wait3A_697 = arith.constant 0 : i32
    %dma_wait3A_698 = arith.constant 0 : i32
    %dma_wait3A_699 = tpu.memref_slice %arg12[%dma_wait3A_689, %dma_wait3A_697, %dma_wait3A_698] : memref<2x200x64xf32, #tpu.memory_space<vmem>> -> memref<1x100x64xf32, #tpu.memory_space<vmem>>
    %dma_wait3A_700 = tpu.memref_squeeze %dma_wait3A_699 : memref<1x100x64xf32, #tpu.memory_space<vmem>> -> memref<100x64xf32, #tpu.memory_space<vmem>>
    %dma_wait3A_701 = arith.constant 0 : i32
    %dma_wait3A_702 = arith.constant 0 : i32
    %dma_wait3A_703 = tpu.memref_slice %arg2[%dma_wait3A_701, %dma_wait3A_702] : memref<100000x64xf32, #tpu.memory_space<hbm>> -> memref<100x64xf32, #tpu.memory_space<hbm>>
    tpu.wait_dma2 semaphore(%arg20 : memref<!tpu.dma_semaphore, #tpu.memory_space<semaphore_mem>>) src(%dma_wait3A_703 : memref<100x64xf32, #tpu.memory_space<hbm>>) dst(%dma_wait3A_700 : memref<100x64xf32, #tpu.memory_space<vmem>>)
    %add3A_704 = arith.constant 59 : i32
    %add3A_705 = arith.constant 4 : i32
    %add3A_706 = arith.addi %add3A_704, %add3A_705 : i32
    %mul3A_707 = arith.constant 256 : i32
    %mul3A_708 = arith.muli %add3A, %mul3A_707 : i32
    %mul3A_709 = arith.constant 4 : i32
    %mul3A_710 = arith.muli %add3A_706, %mul3A_709 : i32
    %add3A_711 = arith.addi %mul3A_708, %mul3A_710 : i32
    %multiple_of3A_712 = tpu.assume_multiple %add3A_711, 4 : i32
    %dma_start3A_713 = arith.constant 0 : i32
    %dma_start3A_714 = tpu.memref_slice %arg3[%multiple_of3A_712, %dma_start3A_713] : memref<8192x100xi32, #tpu.memory_space<hbm>> -> memref<4x100xi32, #tpu.memory_space<hbm>>
    %dma_start3A_715 = arith.constant 0 : i32
    %dma_start3A_716 = tpu.memref_slice %arg3[%multiple_of3A_712, %dma_start3A_715] : memref<8192x100xi32, #tpu.memory_space<hbm>> -> memref<4x100xi32, #tpu.memory_space<hbm>>
    tpu.enqueue_dma source(%dma_start3A_716 : memref<4x100xi32, #tpu.memory_space<hbm>>) target(%arg8 : memref<4x100xi32, #tpu.memory_space<vmem>>) target_semaphore(%arg16 : memref<!tpu.dma_semaphore, #tpu.memory_space<semaphore_mem>>)
    %mul3A_717 = arith.constant 128 : i32
    %mul3A_718 = arith.muli %add3A, %mul3A_717 : i32
    %mul3A_719 = arith.constant 59 : i32
    %mul3A_720 = arith.constant 2 : i32
    %mul3A_721 = arith.muli %mul3A_719, %mul3A_720 : i32
    %add3A_722 = arith.addi %mul3A_718, %mul3A_721 : i32
    %multiple_of3A_723 = tpu.assume_multiple %add3A_722, 2 : i32
    %dma_start3A_724 = arith.constant 0 : i32
    %dma_start3A_725 = arith.constant 0 : i32
    %dma_start3A_726 = tpu.memref_slice %arg4[%multiple_of3A_723, %dma_start3A_724, %dma_start3A_725] : memref<4096x200x64xf32, #tpu.memory_space<hbm>> -> memref<2x200x64xf32, #tpu.memory_space<hbm>>
    %dma_start3A_727 = arith.constant 0 : i32
    %dma_start3A_728 = arith.constant 0 : i32
    %dma_start3A_729 = tpu.memref_slice %arg4[%multiple_of3A_723, %dma_start3A_727, %dma_start3A_728] : memref<4096x200x64xf32, #tpu.memory_space<hbm>> -> memref<2x200x64xf32, #tpu.memory_space<hbm>>
    tpu.enqueue_dma source(%arg12 : memref<2x200x64xf32, #tpu.memory_space<vmem>>) target(%dma_start3A_729 : memref<2x200x64xf32, #tpu.memory_space<hbm>>) target_semaphore(%arg24 : memref<!tpu.dma_semaphore, #tpu.memory_space<semaphore_mem>>)
    %dma_wait3A_730 = arith.constant 0 : i32
    %dma_wait3A_731 = arith.constant 0 : i32
    %dma_wait3A_732 = arith.constant 0 : i32
    %dma_wait3A_733 = tpu.memref_slice %arg4[%dma_wait3A_730, %dma_wait3A_731, %dma_wait3A_732] : memref<4096x200x64xf32, #tpu.memory_space<hbm>> -> memref<2x200x64xf32, #tpu.memory_space<hbm>>
    %dma_wait3A_734 = arith.constant 0 : i32
    %dma_wait3A_735 = arith.constant 0 : i32
    %dma_wait3A_736 = arith.constant 0 : i32
    %dma_wait3A_737 = tpu.memref_slice %arg4[%dma_wait3A_734, %dma_wait3A_735, %dma_wait3A_736] : memref<4096x200x64xf32, #tpu.memory_space<hbm>> -> memref<2x200x64xf32, #tpu.memory_space<hbm>>
    tpu.wait_dma2 semaphore(%arg23 : memref<!tpu.dma_semaphore, #tpu.memory_space<semaphore_mem>>) src(%arg11 : memref<2x200x64xf32, #tpu.memory_space<vmem>>) dst(%dma_wait3A_737 : memref<2x200x64xf32, #tpu.memory_space<hbm>>)
    %dma_wait3A_738 = arith.constant 0 : i32
    %dma_wait3A_739 = arith.constant 0 : i32
    %dma_wait3A_740 = tpu.memref_slice %arg3[%dma_wait3A_738, %dma_wait3A_739] : memref<8192x100xi32, #tpu.memory_space<hbm>> -> memref<4x100xi32, #tpu.memory_space<hbm>>
    %dma_wait3A_741 = arith.constant 0 : i32
    %dma_wait3A_742 = arith.constant 0 : i32
    %dma_wait3A_743 = tpu.memref_slice %arg3[%dma_wait3A_741, %dma_wait3A_742] : memref<8192x100xi32, #tpu.memory_space<hbm>> -> memref<4x100xi32, #tpu.memory_space<hbm>>
    tpu.wait_dma2 semaphore(%arg15 : memref<!tpu.dma_semaphore, #tpu.memory_space<semaphore_mem>>) src(%dma_wait3A_743 : memref<4x100xi32, #tpu.memory_space<hbm>>) dst(%arg7 : memref<4x100xi32, #tpu.memory_space<vmem>>)
    %dma_start3A_744 = arith.constant 0 : i32
    %dma_start3A_745 = arith.constant 0 : i32
    %dma_start3A_746 = arith.constant 0 : i32
    %dma_start3A_747 = arith.constant 0 : i32
    %dma_start3A_748 = tpu.memref_slice %arg11[%dma_start3A_745, %dma_start3A_746, %dma_start3A_747] : memref<2x200x64xf32, #tpu.memory_space<vmem>> -> memref<1x100x64xf32, #tpu.memory_space<vmem>>
    %dma_start3A_749 = tpu.memref_squeeze %dma_start3A_748 : memref<1x100x64xf32, #tpu.memory_space<vmem>> -> memref<100x64xf32, #tpu.memory_space<vmem>>
    %dma_start3A_750 = arith.constant 0 : i32
    %dma_start3A_751 = tpu.memref_slice %arg7[%dma_start3A_744, %dma_start3A_750] : memref<4x100xi32, #tpu.memory_space<vmem>> -> memref<1x100xi32, #tpu.memory_space<vmem>>
    %dma_start3A_752 = tpu.memref_squeeze %dma_start3A_751 : memref<1x100xi32, #tpu.memory_space<vmem>> -> memref<100xi32, #tpu.memory_space<vmem>>
    %dma_start3A_753 = arith.constant 0 : i32
    %dma_start3A_754 = arith.constant 0 : i32
    %dma_start3A_755 = tpu.memref_slice %arg2[%dma_start3A_753, %dma_start3A_754] : memref<100000x64xf32, #tpu.memory_space<hbm>> -> memref<100000x64xf32, #tpu.memory_space<hbm>>
    tpu.enqueue_indirect_dma source(%dma_start3A_755 : memref<100000x64xf32, #tpu.memory_space<hbm>>) target(%dma_start3A_749 : memref<100x64xf32, #tpu.memory_space<vmem>>) offsets(%dma_start3A_752 : memref<100xi32, #tpu.memory_space<vmem>>) semaphore(%arg19 : memref<!tpu.dma_semaphore, #tpu.memory_space<semaphore_mem>>)
    %dma_start3A_756 = arith.constant 1 : i32
    %dma_start3A_757 = arith.constant 0 : i32
    %dma_start3A_758 = arith.constant 100 : i32
    %dma_start3A_759 = arith.constant 0 : i32
    %dma_start3A_760 = tpu.memref_slice %arg11[%dma_start3A_757, %dma_start3A_758, %dma_start3A_759] : memref<2x200x64xf32, #tpu.memory_space<vmem>> -> memref<1x100x64xf32, #tpu.memory_space<vmem>>
    %dma_start3A_761 = tpu.memref_squeeze %dma_start3A_760 : memref<1x100x64xf32, #tpu.memory_space<vmem>> -> memref<100x64xf32, #tpu.memory_space<vmem>>
    %dma_start3A_762 = arith.constant 0 : i32
    %dma_start3A_763 = tpu.memref_slice %arg7[%dma_start3A_756, %dma_start3A_762] : memref<4x100xi32, #tpu.memory_space<vmem>> -> memref<1x100xi32, #tpu.memory_space<vmem>>
    %dma_start3A_764 = tpu.memref_squeeze %dma_start3A_763 : memref<1x100xi32, #tpu.memory_space<vmem>> -> memref<100xi32, #tpu.memory_space<vmem>>
    %dma_start3A_765 = arith.constant 0 : i32
    %dma_start3A_766 = arith.constant 0 : i32
    %dma_start3A_767 = tpu.memref_slice %arg2[%dma_start3A_765, %dma_start3A_766] : memref<100000x64xf32, #tpu.memory_space<hbm>> -> memref<100000x64xf32, #tpu.memory_space<hbm>>
    tpu.enqueue_indirect_dma source(%dma_start3A_767 : memref<100000x64xf32, #tpu.memory_space<hbm>>) target(%dma_start3A_761 : memref<100x64xf32, #tpu.memory_space<vmem>>) offsets(%dma_start3A_764 : memref<100xi32, #tpu.memory_space<vmem>>) semaphore(%arg19 : memref<!tpu.dma_semaphore, #tpu.memory_space<semaphore_mem>>)
    %dma_start3A_768 = arith.constant 2 : i32
    %dma_start3A_769 = arith.constant 1 : i32
    %dma_start3A_770 = arith.constant 0 : i32
    %dma_start3A_771 = arith.constant 0 : i32
    %dma_start3A_772 = tpu.memref_slice %arg11[%dma_start3A_769, %dma_start3A_770, %dma_start3A_771] : memref<2x200x64xf32, #tpu.memory_space<vmem>> -> memref<1x100x64xf32, #tpu.memory_space<vmem>>
    %dma_start3A_773 = tpu.memref_squeeze %dma_start3A_772 : memref<1x100x64xf32, #tpu.memory_space<vmem>> -> memref<100x64xf32, #tpu.memory_space<vmem>>
    %dma_start3A_774 = arith.constant 0 : i32
    %dma_start3A_775 = tpu.memref_slice %arg7[%dma_start3A_768, %dma_start3A_774] : memref<4x100xi32, #tpu.memory_space<vmem>> -> memref<1x100xi32, #tpu.memory_space<vmem>>
    %dma_start3A_776 = tpu.memref_squeeze %dma_start3A_775 : memref<1x100xi32, #tpu.memory_space<vmem>> -> memref<100xi32, #tpu.memory_space<vmem>>
    %dma_start3A_777 = arith.constant 0 : i32
    %dma_start3A_778 = arith.constant 0 : i32
    %dma_start3A_779 = tpu.memref_slice %arg2[%dma_start3A_777, %dma_start3A_778] : memref<100000x64xf32, #tpu.memory_space<hbm>> -> memref<100000x64xf32, #tpu.memory_space<hbm>>
    tpu.enqueue_indirect_dma source(%dma_start3A_779 : memref<100000x64xf32, #tpu.memory_space<hbm>>) target(%dma_start3A_773 : memref<100x64xf32, #tpu.memory_space<vmem>>) offsets(%dma_start3A_776 : memref<100xi32, #tpu.memory_space<vmem>>) semaphore(%arg19 : memref<!tpu.dma_semaphore, #tpu.memory_space<semaphore_mem>>)
    %dma_start3A_780 = arith.constant 3 : i32
    %dma_start3A_781 = arith.constant 1 : i32
    %dma_start3A_782 = arith.constant 100 : i32
    %dma_start3A_783 = arith.constant 0 : i32
    %dma_start3A_784 = tpu.memref_slice %arg11[%dma_start3A_781, %dma_start3A_782, %dma_start3A_783] : memref<2x200x64xf32, #tpu.memory_space<vmem>> -> memref<1x100x64xf32, #tpu.memory_space<vmem>>
    %dma_start3A_785 = tpu.memref_squeeze %dma_start3A_784 : memref<1x100x64xf32, #tpu.memory_space<vmem>> -> memref<100x64xf32, #tpu.memory_space<vmem>>
    %dma_start3A_786 = arith.constant 0 : i32
    %dma_start3A_787 = tpu.memref_slice %arg7[%dma_start3A_780, %dma_start3A_786] : memref<4x100xi32, #tpu.memory_space<vmem>> -> memref<1x100xi32, #tpu.memory_space<vmem>>
    %dma_start3A_788 = tpu.memref_squeeze %dma_start3A_787 : memref<1x100xi32, #tpu.memory_space<vmem>> -> memref<100xi32, #tpu.memory_space<vmem>>
    %dma_start3A_789 = arith.constant 0 : i32
    %dma_start3A_790 = arith.constant 0 : i32
    %dma_start3A_791 = tpu.memref_slice %arg2[%dma_start3A_789, %dma_start3A_790] : memref<100000x64xf32, #tpu.memory_space<hbm>> -> memref<100000x64xf32, #tpu.memory_space<hbm>>
    tpu.enqueue_indirect_dma source(%dma_start3A_791 : memref<100000x64xf32, #tpu.memory_space<hbm>>) target(%dma_start3A_785 : memref<100x64xf32, #tpu.memory_space<vmem>>) offsets(%dma_start3A_788 : memref<100xi32, #tpu.memory_space<vmem>>) semaphore(%arg19 : memref<!tpu.dma_semaphore, #tpu.memory_space<semaphore_mem>>)
    %dma_wait3A_792 = arith.constant 0 : i32
    %dma_wait3A_793 = arith.constant 0 : i32
    %dma_wait3A_794 = arith.constant 0 : i32
    %dma_wait3A_795 = tpu.memref_slice %arg9[%dma_wait3A_792, %dma_wait3A_793, %dma_wait3A_794] : memref<2x200x64xf32, #tpu.memory_space<vmem>> -> memref<1x100x64xf32, #tpu.memory_space<vmem>>
    %dma_wait3A_796 = tpu.memref_squeeze %dma_wait3A_795 : memref<1x100x64xf32, #tpu.memory_space<vmem>> -> memref<100x64xf32, #tpu.memory_space<vmem>>
    %dma_wait3A_797 = arith.constant 0 : i32
    %dma_wait3A_798 = arith.constant 0 : i32
    %dma_wait3A_799 = tpu.memref_slice %arg2[%dma_wait3A_797, %dma_wait3A_798] : memref<100000x64xf32, #tpu.memory_space<hbm>> -> memref<100x64xf32, #tpu.memory_space<hbm>>
    %dma_wait3A_800 = arith.constant 0 : i32
    %dma_wait3A_801 = arith.constant 0 : i32
    %dma_wait3A_802 = tpu.memref_slice %arg9[%dma_wait3A_792, %dma_wait3A_800, %dma_wait3A_801] : memref<2x200x64xf32, #tpu.memory_space<vmem>> -> memref<1x100x64xf32, #tpu.memory_space<vmem>>
    %dma_wait3A_803 = tpu.memref_squeeze %dma_wait3A_802 : memref<1x100x64xf32, #tpu.memory_space<vmem>> -> memref<100x64xf32, #tpu.memory_space<vmem>>
    %dma_wait3A_804 = arith.constant 0 : i32
    %dma_wait3A_805 = arith.constant 0 : i32
    %dma_wait3A_806 = tpu.memref_slice %arg2[%dma_wait3A_804, %dma_wait3A_805] : memref<100000x64xf32, #tpu.memory_space<hbm>> -> memref<100x64xf32, #tpu.memory_space<hbm>>
    tpu.wait_dma2 semaphore(%arg17 : memref<!tpu.dma_semaphore, #tpu.memory_space<semaphore_mem>>) src(%dma_wait3A_806 : memref<100x64xf32, #tpu.memory_space<hbm>>) dst(%dma_wait3A_803 : memref<100x64xf32, #tpu.memory_space<vmem>>)
    %dma_wait3A_807 = arith.constant 0 : i32
    %dma_wait3A_808 = arith.constant 0 : i32
    %dma_wait3A_809 = arith.constant 0 : i32
    %dma_wait3A_810 = tpu.memref_slice %arg9[%dma_wait3A_807, %dma_wait3A_808, %dma_wait3A_809] : memref<2x200x64xf32, #tpu.memory_space<vmem>> -> memref<1x100x64xf32, #tpu.memory_space<vmem>>
    %dma_wait3A_811 = tpu.memref_squeeze %dma_wait3A_810 : memref<1x100x64xf32, #tpu.memory_space<vmem>> -> memref<100x64xf32, #tpu.memory_space<vmem>>
    %dma_wait3A_812 = arith.constant 0 : i32
    %dma_wait3A_813 = arith.constant 0 : i32
    %dma_wait3A_814 = tpu.memref_slice %arg2[%dma_wait3A_812, %dma_wait3A_813] : memref<100000x64xf32, #tpu.memory_space<hbm>> -> memref<100x64xf32, #tpu.memory_space<hbm>>
    %dma_wait3A_815 = arith.constant 0 : i32
    %dma_wait3A_816 = arith.constant 0 : i32
    %dma_wait3A_817 = tpu.memref_slice %arg9[%dma_wait3A_807, %dma_wait3A_815, %dma_wait3A_816] : memref<2x200x64xf32, #tpu.memory_space<vmem>> -> memref<1x100x64xf32, #tpu.memory_space<vmem>>
    %dma_wait3A_818 = tpu.memref_squeeze %dma_wait3A_817 : memref<1x100x64xf32, #tpu.memory_space<vmem>> -> memref<100x64xf32, #tpu.memory_space<vmem>>
    %dma_wait3A_819 = arith.constant 0 : i32
    %dma_wait3A_820 = arith.constant 0 : i32
    %dma_wait3A_821 = tpu.memref_slice %arg2[%dma_wait3A_819, %dma_wait3A_820] : memref<100000x64xf32, #tpu.memory_space<hbm>> -> memref<100x64xf32, #tpu.memory_space<hbm>>
    tpu.wait_dma2 semaphore(%arg17 : memref<!tpu.dma_semaphore, #tpu.memory_space<semaphore_mem>>) src(%dma_wait3A_821 : memref<100x64xf32, #tpu.memory_space<hbm>>) dst(%dma_wait3A_818 : memref<100x64xf32, #tpu.memory_space<vmem>>)
    %dma_wait3A_822 = arith.constant 0 : i32
    %dma_wait3A_823 = arith.constant 0 : i32
    %dma_wait3A_824 = arith.constant 0 : i32
    %dma_wait3A_825 = tpu.memref_slice %arg9[%dma_wait3A_822, %dma_wait3A_823, %dma_wait3A_824] : memref<2x200x64xf32, #tpu.memory_space<vmem>> -> memref<1x100x64xf32, #tpu.memory_space<vmem>>
    %dma_wait3A_826 = tpu.memref_squeeze %dma_wait3A_825 : memref<1x100x64xf32, #tpu.memory_space<vmem>> -> memref<100x64xf32, #tpu.memory_space<vmem>>
    %dma_wait3A_827 = arith.constant 0 : i32
    %dma_wait3A_828 = arith.constant 0 : i32
    %dma_wait3A_829 = tpu.memref_slice %arg2[%dma_wait3A_827, %dma_wait3A_828] : memref<100000x64xf32, #tpu.memory_space<hbm>> -> memref<100x64xf32, #tpu.memory_space<hbm>>
    %dma_wait3A_830 = arith.constant 0 : i32
    %dma_wait3A_831 = arith.constant 0 : i32
    %dma_wait3A_832 = tpu.memref_slice %arg9[%dma_wait3A_822, %dma_wait3A_830, %dma_wait3A_831] : memref<2x200x64xf32, #tpu.memory_space<vmem>> -> memref<1x100x64xf32, #tpu.memory_space<vmem>>
    %dma_wait3A_833 = tpu.memref_squeeze %dma_wait3A_832 : memref<1x100x64xf32, #tpu.memory_space<vmem>> -> memref<100x64xf32, #tpu.memory_space<vmem>>
    %dma_wait3A_834 = arith.constant 0 : i32
    %dma_wait3A_835 = arith.constant 0 : i32
    %dma_wait3A_836 = tpu.memref_slice %arg2[%dma_wait3A_834, %dma_wait3A_835] : memref<100000x64xf32, #tpu.memory_space<hbm>> -> memref<100x64xf32, #tpu.memory_space<hbm>>
    tpu.wait_dma2 semaphore(%arg17 : memref<!tpu.dma_semaphore, #tpu.memory_space<semaphore_mem>>) src(%dma_wait3A_836 : memref<100x64xf32, #tpu.memory_space<hbm>>) dst(%dma_wait3A_833 : memref<100x64xf32, #tpu.memory_space<vmem>>)
    %dma_wait3A_837 = arith.constant 0 : i32
    %dma_wait3A_838 = arith.constant 0 : i32
    %dma_wait3A_839 = arith.constant 0 : i32
    %dma_wait3A_840 = tpu.memref_slice %arg9[%dma_wait3A_837, %dma_wait3A_838, %dma_wait3A_839] : memref<2x200x64xf32, #tpu.memory_space<vmem>> -> memref<1x100x64xf32, #tpu.memory_space<vmem>>
    %dma_wait3A_841 = tpu.memref_squeeze %dma_wait3A_840 : memref<1x100x64xf32, #tpu.memory_space<vmem>> -> memref<100x64xf32, #tpu.memory_space<vmem>>
    %dma_wait3A_842 = arith.constant 0 : i32
    %dma_wait3A_843 = arith.constant 0 : i32
    %dma_wait3A_844 = tpu.memref_slice %arg2[%dma_wait3A_842, %dma_wait3A_843] : memref<100000x64xf32, #tpu.memory_space<hbm>> -> memref<100x64xf32, #tpu.memory_space<hbm>>
    %dma_wait3A_845 = arith.constant 0 : i32
    %dma_wait3A_846 = arith.constant 0 : i32
    %dma_wait3A_847 = tpu.memref_slice %arg9[%dma_wait3A_837, %dma_wait3A_845, %dma_wait3A_846] : memref<2x200x64xf32, #tpu.memory_space<vmem>> -> memref<1x100x64xf32, #tpu.memory_space<vmem>>
    %dma_wait3A_848 = tpu.memref_squeeze %dma_wait3A_847 : memref<1x100x64xf32, #tpu.memory_space<vmem>> -> memref<100x64xf32, #tpu.memory_space<vmem>>
    %dma_wait3A_849 = arith.constant 0 : i32
    %dma_wait3A_850 = arith.constant 0 : i32
    %dma_wait3A_851 = tpu.memref_slice %arg2[%dma_wait3A_849, %dma_wait3A_850] : memref<100000x64xf32, #tpu.memory_space<hbm>> -> memref<100x64xf32, #tpu.memory_space<hbm>>
    tpu.wait_dma2 semaphore(%arg17 : memref<!tpu.dma_semaphore, #tpu.memory_space<semaphore_mem>>) src(%dma_wait3A_851 : memref<100x64xf32, #tpu.memory_space<hbm>>) dst(%dma_wait3A_848 : memref<100x64xf32, #tpu.memory_space<vmem>>)
    %mul3A_852 = arith.constant 128 : i32
    %mul3A_853 = arith.muli %add3A, %mul3A_852 : i32
    %mul3A_854 = arith.constant 60 : i32
    %mul3A_855 = arith.constant 2 : i32
    %mul3A_856 = arith.muli %mul3A_854, %mul3A_855 : i32
    %add3A_857 = arith.addi %mul3A_853, %mul3A_856 : i32
    %multiple_of3A_858 = tpu.assume_multiple %add3A_857, 2 : i32
    %dma_start3A_859 = arith.constant 0 : i32
    %dma_start3A_860 = arith.constant 0 : i32
    %dma_start3A_861 = tpu.memref_slice %arg4[%multiple_of3A_858, %dma_start3A_859, %dma_start3A_860] : memref<4096x200x64xf32, #tpu.memory_space<hbm>> -> memref<2x200x64xf32, #tpu.memory_space<hbm>>
    %dma_start3A_862 = arith.constant 0 : i32
    %dma_start3A_863 = arith.constant 0 : i32
    %dma_start3A_864 = tpu.memref_slice %arg4[%multiple_of3A_858, %dma_start3A_862, %dma_start3A_863] : memref<4096x200x64xf32, #tpu.memory_space<hbm>> -> memref<2x200x64xf32, #tpu.memory_space<hbm>>
    tpu.enqueue_dma source(%arg9 : memref<2x200x64xf32, #tpu.memory_space<vmem>>) target(%dma_start3A_864 : memref<2x200x64xf32, #tpu.memory_space<hbm>>) target_semaphore(%arg21 : memref<!tpu.dma_semaphore, #tpu.memory_space<semaphore_mem>>)
    %dma_wait3A_865 = arith.constant 0 : i32
    %dma_wait3A_866 = arith.constant 0 : i32
    %dma_wait3A_867 = arith.constant 0 : i32
    %dma_wait3A_868 = tpu.memref_slice %arg4[%dma_wait3A_865, %dma_wait3A_866, %dma_wait3A_867] : memref<4096x200x64xf32, #tpu.memory_space<hbm>> -> memref<2x200x64xf32, #tpu.memory_space<hbm>>
    %dma_wait3A_869 = arith.constant 0 : i32
    %dma_wait3A_870 = arith.constant 0 : i32
    %dma_wait3A_871 = arith.constant 0 : i32
    %dma_wait3A_872 = tpu.memref_slice %arg4[%dma_wait3A_869, %dma_wait3A_870, %dma_wait3A_871] : memref<4096x200x64xf32, #tpu.memory_space<hbm>> -> memref<2x200x64xf32, #tpu.memory_space<hbm>>
    tpu.wait_dma2 semaphore(%arg24 : memref<!tpu.dma_semaphore, #tpu.memory_space<semaphore_mem>>) src(%arg12 : memref<2x200x64xf32, #tpu.memory_space<vmem>>) dst(%dma_wait3A_872 : memref<2x200x64xf32, #tpu.memory_space<hbm>>)
    %dma_wait3A_873 = arith.constant 0 : i32
    %dma_wait3A_874 = arith.constant 0 : i32
    %dma_wait3A_875 = tpu.memref_slice %arg3[%dma_wait3A_873, %dma_wait3A_874] : memref<8192x100xi32, #tpu.memory_space<hbm>> -> memref<4x100xi32, #tpu.memory_space<hbm>>
    %dma_wait3A_876 = arith.constant 0 : i32
    %dma_wait3A_877 = arith.constant 0 : i32
    %dma_wait3A_878 = tpu.memref_slice %arg3[%dma_wait3A_876, %dma_wait3A_877] : memref<8192x100xi32, #tpu.memory_space<hbm>> -> memref<4x100xi32, #tpu.memory_space<hbm>>
    tpu.wait_dma2 semaphore(%arg16 : memref<!tpu.dma_semaphore, #tpu.memory_space<semaphore_mem>>) src(%dma_wait3A_878 : memref<4x100xi32, #tpu.memory_space<hbm>>) dst(%arg8 : memref<4x100xi32, #tpu.memory_space<vmem>>)
    %dma_start3A_879 = arith.constant 0 : i32
    %dma_start3A_880 = arith.constant 0 : i32
    %dma_start3A_881 = arith.constant 0 : i32
    %dma_start3A_882 = arith.constant 0 : i32
    %dma_start3A_883 = tpu.memref_slice %arg12[%dma_start3A_880, %dma_start3A_881, %dma_start3A_882] : memref<2x200x64xf32, #tpu.memory_space<vmem>> -> memref<1x100x64xf32, #tpu.memory_space<vmem>>
    %dma_start3A_884 = tpu.memref_squeeze %dma_start3A_883 : memref<1x100x64xf32, #tpu.memory_space<vmem>> -> memref<100x64xf32, #tpu.memory_space<vmem>>
    %dma_start3A_885 = arith.constant 0 : i32
    %dma_start3A_886 = tpu.memref_slice %arg8[%dma_start3A_879, %dma_start3A_885] : memref<4x100xi32, #tpu.memory_space<vmem>> -> memref<1x100xi32, #tpu.memory_space<vmem>>
    %dma_start3A_887 = tpu.memref_squeeze %dma_start3A_886 : memref<1x100xi32, #tpu.memory_space<vmem>> -> memref<100xi32, #tpu.memory_space<vmem>>
    %dma_start3A_888 = arith.constant 0 : i32
    %dma_start3A_889 = arith.constant 0 : i32
    %dma_start3A_890 = tpu.memref_slice %arg2[%dma_start3A_888, %dma_start3A_889] : memref<100000x64xf32, #tpu.memory_space<hbm>> -> memref<100000x64xf32, #tpu.memory_space<hbm>>
    tpu.enqueue_indirect_dma source(%dma_start3A_890 : memref<100000x64xf32, #tpu.memory_space<hbm>>) target(%dma_start3A_884 : memref<100x64xf32, #tpu.memory_space<vmem>>) offsets(%dma_start3A_887 : memref<100xi32, #tpu.memory_space<vmem>>) semaphore(%arg20 : memref<!tpu.dma_semaphore, #tpu.memory_space<semaphore_mem>>)
    %dma_start3A_891 = arith.constant 1 : i32
    %dma_start3A_892 = arith.constant 0 : i32
    %dma_start3A_893 = arith.constant 100 : i32
    %dma_start3A_894 = arith.constant 0 : i32
    %dma_start3A_895 = tpu.memref_slice %arg12[%dma_start3A_892, %dma_start3A_893, %dma_start3A_894] : memref<2x200x64xf32, #tpu.memory_space<vmem>> -> memref<1x100x64xf32, #tpu.memory_space<vmem>>
    %dma_start3A_896 = tpu.memref_squeeze %dma_start3A_895 : memref<1x100x64xf32, #tpu.memory_space<vmem>> -> memref<100x64xf32, #tpu.memory_space<vmem>>
    %dma_start3A_897 = arith.constant 0 : i32
    %dma_start3A_898 = tpu.memref_slice %arg8[%dma_start3A_891, %dma_start3A_897] : memref<4x100xi32, #tpu.memory_space<vmem>> -> memref<1x100xi32, #tpu.memory_space<vmem>>
    %dma_start3A_899 = tpu.memref_squeeze %dma_start3A_898 : memref<1x100xi32, #tpu.memory_space<vmem>> -> memref<100xi32, #tpu.memory_space<vmem>>
    %dma_start3A_900 = arith.constant 0 : i32
    %dma_start3A_901 = arith.constant 0 : i32
    %dma_start3A_902 = tpu.memref_slice %arg2[%dma_start3A_900, %dma_start3A_901] : memref<100000x64xf32, #tpu.memory_space<hbm>> -> memref<100000x64xf32, #tpu.memory_space<hbm>>
    tpu.enqueue_indirect_dma source(%dma_start3A_902 : memref<100000x64xf32, #tpu.memory_space<hbm>>) target(%dma_start3A_896 : memref<100x64xf32, #tpu.memory_space<vmem>>) offsets(%dma_start3A_899 : memref<100xi32, #tpu.memory_space<vmem>>) semaphore(%arg20 : memref<!tpu.dma_semaphore, #tpu.memory_space<semaphore_mem>>)
    %dma_start3A_903 = arith.constant 2 : i32
    %dma_start3A_904 = arith.constant 1 : i32
    %dma_start3A_905 = arith.constant 0 : i32
    %dma_start3A_906 = arith.constant 0 : i32
    %dma_start3A_907 = tpu.memref_slice %arg12[%dma_start3A_904, %dma_start3A_905, %dma_start3A_906] : memref<2x200x64xf32, #tpu.memory_space<vmem>> -> memref<1x100x64xf32, #tpu.memory_space<vmem>>
    %dma_start3A_908 = tpu.memref_squeeze %dma_start3A_907 : memref<1x100x64xf32, #tpu.memory_space<vmem>> -> memref<100x64xf32, #tpu.memory_space<vmem>>
    %dma_start3A_909 = arith.constant 0 : i32
    %dma_start3A_910 = tpu.memref_slice %arg8[%dma_start3A_903, %dma_start3A_909] : memref<4x100xi32, #tpu.memory_space<vmem>> -> memref<1x100xi32, #tpu.memory_space<vmem>>
    %dma_start3A_911 = tpu.memref_squeeze %dma_start3A_910 : memref<1x100xi32, #tpu.memory_space<vmem>> -> memref<100xi32, #tpu.memory_space<vmem>>
    %dma_start3A_912 = arith.constant 0 : i32
    %dma_start3A_913 = arith.constant 0 : i32
    %dma_start3A_914 = tpu.memref_slice %arg2[%dma_start3A_912, %dma_start3A_913] : memref<100000x64xf32, #tpu.memory_space<hbm>> -> memref<100000x64xf32, #tpu.memory_space<hbm>>
    tpu.enqueue_indirect_dma source(%dma_start3A_914 : memref<100000x64xf32, #tpu.memory_space<hbm>>) target(%dma_start3A_908 : memref<100x64xf32, #tpu.memory_space<vmem>>) offsets(%dma_start3A_911 : memref<100xi32, #tpu.memory_space<vmem>>) semaphore(%arg20 : memref<!tpu.dma_semaphore, #tpu.memory_space<semaphore_mem>>)
    %dma_start3A_915 = arith.constant 3 : i32
    %dma_start3A_916 = arith.constant 1 : i32
    %dma_start3A_917 = arith.constant 100 : i32
    %dma_start3A_918 = arith.constant 0 : i32
    %dma_start3A_919 = tpu.memref_slice %arg12[%dma_start3A_916, %dma_start3A_917, %dma_start3A_918] : memref<2x200x64xf32, #tpu.memory_space<vmem>> -> memref<1x100x64xf32, #tpu.memory_space<vmem>>
    %dma_start3A_920 = tpu.memref_squeeze %dma_start3A_919 : memref<1x100x64xf32, #tpu.memory_space<vmem>> -> memref<100x64xf32, #tpu.memory_space<vmem>>
    %dma_start3A_921 = arith.constant 0 : i32
    %dma_start3A_922 = tpu.memref_slice %arg8[%dma_start3A_915, %dma_start3A_921] : memref<4x100xi32, #tpu.memory_space<vmem>> -> memref<1x100xi32, #tpu.memory_space<vmem>>
    %dma_start3A_923 = tpu.memref_squeeze %dma_start3A_922 : memref<1x100xi32, #tpu.memory_space<vmem>> -> memref<100xi32, #tpu.memory_space<vmem>>
    %dma_start3A_924 = arith.constant 0 : i32
    %dma_start3A_925 = arith.constant 0 : i32
    %dma_start3A_926 = tpu.memref_slice %arg2[%dma_start3A_924, %dma_start3A_925] : memref<100000x64xf32, #tpu.memory_space<hbm>> -> memref<100000x64xf32, #tpu.memory_space<hbm>>
    tpu.enqueue_indirect_dma source(%dma_start3A_926 : memref<100000x64xf32, #tpu.memory_space<hbm>>) target(%dma_start3A_920 : memref<100x64xf32, #tpu.memory_space<vmem>>) offsets(%dma_start3A_923 : memref<100xi32, #tpu.memory_space<vmem>>) semaphore(%arg20 : memref<!tpu.dma_semaphore, #tpu.memory_space<semaphore_mem>>)
    %dma_wait3A_927 = arith.constant 0 : i32
    %dma_wait3A_928 = arith.constant 0 : i32
    %dma_wait3A_929 = arith.constant 0 : i32
    %dma_wait3A_930 = tpu.memref_slice %arg10[%dma_wait3A_927, %dma_wait3A_928, %dma_wait3A_929] : memref<2x200x64xf32, #tpu.memory_space<vmem>> -> memref<1x100x64xf32, #tpu.memory_space<vmem>>
    %dma_wait3A_931 = tpu.memref_squeeze %dma_wait3A_930 : memref<1x100x64xf32, #tpu.memory_space<vmem>> -> memref<100x64xf32, #tpu.memory_space<vmem>>
    %dma_wait3A_932 = arith.constant 0 : i32
    %dma_wait3A_933 = arith.constant 0 : i32
    %dma_wait3A_934 = tpu.memref_slice %arg2[%dma_wait3A_932, %dma_wait3A_933] : memref<100000x64xf32, #tpu.memory_space<hbm>> -> memref<100x64xf32, #tpu.memory_space<hbm>>
    %dma_wait3A_935 = arith.constant 0 : i32
    %dma_wait3A_936 = arith.constant 0 : i32
    %dma_wait3A_937 = tpu.memref_slice %arg10[%dma_wait3A_927, %dma_wait3A_935, %dma_wait3A_936] : memref<2x200x64xf32, #tpu.memory_space<vmem>> -> memref<1x100x64xf32, #tpu.memory_space<vmem>>
    %dma_wait3A_938 = tpu.memref_squeeze %dma_wait3A_937 : memref<1x100x64xf32, #tpu.memory_space<vmem>> -> memref<100x64xf32, #tpu.memory_space<vmem>>
    %dma_wait3A_939 = arith.constant 0 : i32
    %dma_wait3A_940 = arith.constant 0 : i32
    %dma_wait3A_941 = tpu.memref_slice %arg2[%dma_wait3A_939, %dma_wait3A_940] : memref<100000x64xf32, #tpu.memory_space<hbm>> -> memref<100x64xf32, #tpu.memory_space<hbm>>
    tpu.wait_dma2 semaphore(%arg18 : memref<!tpu.dma_semaphore, #tpu.memory_space<semaphore_mem>>) src(%dma_wait3A_941 : memref<100x64xf32, #tpu.memory_space<hbm>>) dst(%dma_wait3A_938 : memref<100x64xf32, #tpu.memory_space<vmem>>)
    %dma_wait3A_942 = arith.constant 0 : i32
    %dma_wait3A_943 = arith.constant 0 : i32
    %dma_wait3A_944 = arith.constant 0 : i32
    %dma_wait3A_945 = tpu.memref_slice %arg10[%dma_wait3A_942, %dma_wait3A_943, %dma_wait3A_944] : memref<2x200x64xf32, #tpu.memory_space<vmem>> -> memref<1x100x64xf32, #tpu.memory_space<vmem>>
    %dma_wait3A_946 = tpu.memref_squeeze %dma_wait3A_945 : memref<1x100x64xf32, #tpu.memory_space<vmem>> -> memref<100x64xf32, #tpu.memory_space<vmem>>
    %dma_wait3A_947 = arith.constant 0 : i32
    %dma_wait3A_948 = arith.constant 0 : i32
    %dma_wait3A_949 = tpu.memref_slice %arg2[%dma_wait3A_947, %dma_wait3A_948] : memref<100000x64xf32, #tpu.memory_space<hbm>> -> memref<100x64xf32, #tpu.memory_space<hbm>>
    %dma_wait3A_950 = arith.constant 0 : i32
    %dma_wait3A_951 = arith.constant 0 : i32
    %dma_wait3A_952 = tpu.memref_slice %arg10[%dma_wait3A_942, %dma_wait3A_950, %dma_wait3A_951] : memref<2x200x64xf32, #tpu.memory_space<vmem>> -> memref<1x100x64xf32, #tpu.memory_space<vmem>>
    %dma_wait3A_953 = tpu.memref_squeeze %dma_wait3A_952 : memref<1x100x64xf32, #tpu.memory_space<vmem>> -> memref<100x64xf32, #tpu.memory_space<vmem>>
    %dma_wait3A_954 = arith.constant 0 : i32
    %dma_wait3A_955 = arith.constant 0 : i32
    %dma_wait3A_956 = tpu.memref_slice %arg2[%dma_wait3A_954, %dma_wait3A_955] : memref<100000x64xf32, #tpu.memory_space<hbm>> -> memref<100x64xf32, #tpu.memory_space<hbm>>
    tpu.wait_dma2 semaphore(%arg18 : memref<!tpu.dma_semaphore, #tpu.memory_space<semaphore_mem>>) src(%dma_wait3A_956 : memref<100x64xf32, #tpu.memory_space<hbm>>) dst(%dma_wait3A_953 : memref<100x64xf32, #tpu.memory_space<vmem>>)
    %dma_wait3A_957 = arith.constant 0 : i32
    %dma_wait3A_958 = arith.constant 0 : i32
    %dma_wait3A_959 = arith.constant 0 : i32
    %dma_wait3A_960 = tpu.memref_slice %arg10[%dma_wait3A_957, %dma_wait3A_958, %dma_wait3A_959] : memref<2x200x64xf32, #tpu.memory_space<vmem>> -> memref<1x100x64xf32, #tpu.memory_space<vmem>>
    %dma_wait3A_961 = tpu.memref_squeeze %dma_wait3A_960 : memref<1x100x64xf32, #tpu.memory_space<vmem>> -> memref<100x64xf32, #tpu.memory_space<vmem>>
    %dma_wait3A_962 = arith.constant 0 : i32
    %dma_wait3A_963 = arith.constant 0 : i32
    %dma_wait3A_964 = tpu.memref_slice %arg2[%dma_wait3A_962, %dma_wait3A_963] : memref<100000x64xf32, #tpu.memory_space<hbm>> -> memref<100x64xf32, #tpu.memory_space<hbm>>
    %dma_wait3A_965 = arith.constant 0 : i32
    %dma_wait3A_966 = arith.constant 0 : i32
    %dma_wait3A_967 = tpu.memref_slice %arg10[%dma_wait3A_957, %dma_wait3A_965, %dma_wait3A_966] : memref<2x200x64xf32, #tpu.memory_space<vmem>> -> memref<1x100x64xf32, #tpu.memory_space<vmem>>
    %dma_wait3A_968 = tpu.memref_squeeze %dma_wait3A_967 : memref<1x100x64xf32, #tpu.memory_space<vmem>> -> memref<100x64xf32, #tpu.memory_space<vmem>>
    %dma_wait3A_969 = arith.constant 0 : i32
    %dma_wait3A_970 = arith.constant 0 : i32
    %dma_wait3A_971 = tpu.memref_slice %arg2[%dma_wait3A_969, %dma_wait3A_970] : memref<100000x64xf32, #tpu.memory_space<hbm>> -> memref<100x64xf32, #tpu.memory_space<hbm>>
    tpu.wait_dma2 semaphore(%arg18 : memref<!tpu.dma_semaphore, #tpu.memory_space<semaphore_mem>>) src(%dma_wait3A_971 : memref<100x64xf32, #tpu.memory_space<hbm>>) dst(%dma_wait3A_968 : memref<100x64xf32, #tpu.memory_space<vmem>>)
    %dma_wait3A_972 = arith.constant 0 : i32
    %dma_wait3A_973 = arith.constant 0 : i32
    %dma_wait3A_974 = arith.constant 0 : i32
    %dma_wait3A_975 = tpu.memref_slice %arg10[%dma_wait3A_972, %dma_wait3A_973, %dma_wait3A_974] : memref<2x200x64xf32, #tpu.memory_space<vmem>> -> memref<1x100x64xf32, #tpu.memory_space<vmem>>
    %dma_wait3A_976 = tpu.memref_squeeze %dma_wait3A_975 : memref<1x100x64xf32, #tpu.memory_space<vmem>> -> memref<100x64xf32, #tpu.memory_space<vmem>>
    %dma_wait3A_977 = arith.constant 0 : i32
    %dma_wait3A_978 = arith.constant 0 : i32
    %dma_wait3A_979 = tpu.memref_slice %arg2[%dma_wait3A_977, %dma_wait3A_978] : memref<100000x64xf32, #tpu.memory_space<hbm>> -> memref<100x64xf32, #tpu.memory_space<hbm>>
    %dma_wait3A_980 = arith.constant 0 : i32
    %dma_wait3A_981 = arith.constant 0 : i32
    %dma_wait3A_982 = tpu.memref_slice %arg10[%dma_wait3A_972, %dma_wait3A_980, %dma_wait3A_981] : memref<2x200x64xf32, #tpu.memory_space<vmem>> -> memref<1x100x64xf32, #tpu.memory_space<vmem>>
    %dma_wait3A_983 = tpu.memref_squeeze %dma_wait3A_982 : memref<1x100x64xf32, #tpu.memory_space<vmem>> -> memref<100x64xf32, #tpu.memory_space<vmem>>
    %dma_wait3A_984 = arith.constant 0 : i32
    %dma_wait3A_985 = arith.constant 0 : i32
    %dma_wait3A_986 = tpu.memref_slice %arg2[%dma_wait3A_984, %dma_wait3A_985] : memref<100000x64xf32, #tpu.memory_space<hbm>> -> memref<100x64xf32, #tpu.memory_space<hbm>>
    tpu.wait_dma2 semaphore(%arg18 : memref<!tpu.dma_semaphore, #tpu.memory_space<semaphore_mem>>) src(%dma_wait3A_986 : memref<100x64xf32, #tpu.memory_space<hbm>>) dst(%dma_wait3A_983 : memref<100x64xf32, #tpu.memory_space<vmem>>)
    %mul3A_987 = arith.constant 128 : i32
    %mul3A_988 = arith.muli %add3A, %mul3A_987 : i32
    %mul3A_989 = arith.constant 61 : i32
    %mul3A_990 = arith.constant 2 : i32
    %mul3A_991 = arith.muli %mul3A_989, %mul3A_990 : i32
    %add3A_992 = arith.addi %mul3A_988, %mul3A_991 : i32
    %multiple_of3A_993 = tpu.assume_multiple %add3A_992, 2 : i32
    %dma_start3A_994 = arith.constant 0 : i32
    %dma_start3A_995 = arith.constant 0 : i32
    %dma_start3A_996 = tpu.memref_slice %arg4[%multiple_of3A_993, %dma_start3A_994, %dma_start3A_995] : memref<4096x200x64xf32, #tpu.memory_space<hbm>> -> memref<2x200x64xf32, #tpu.memory_space<hbm>>
    %dma_start3A_997 = arith.constant 0 : i32
    %dma_start3A_998 = arith.constant 0 : i32
    %dma_start3A_999 = tpu.memref_slice %arg4[%multiple_of3A_993, %dma_start3A_997, %dma_start3A_998] : memref<4096x200x64xf32, #tpu.memory_space<hbm>> -> memref<2x200x64xf32, #tpu.memory_space<hbm>>
    tpu.enqueue_dma source(%arg10 : memref<2x200x64xf32, #tpu.memory_space<vmem>>) target(%dma_start3A_999 : memref<2x200x64xf32, #tpu.memory_space<hbm>>) target_semaphore(%arg22 : memref<!tpu.dma_semaphore, #tpu.memory_space<semaphore_mem>>)
    %dma_wait3A_1000 = arith.constant 0 : i32
    %dma_wait3A_1001 = arith.constant 0 : i32
    %dma_wait3A_1002 = arith.constant 0 : i32
    %dma_wait3A_1003 = tpu.memref_slice %arg11[%dma_wait3A_1000, %dma_wait3A_1001, %dma_wait3A_1002] : memref<2x200x64xf32, #tpu.memory_space<vmem>> -> memref<1x100x64xf32, #tpu.memory_space<vmem>>
    %dma_wait3A_1004 = tpu.memref_squeeze %dma_wait3A_1003 : memref<1x100x64xf32, #tpu.memory_space<vmem>> -> memref<100x64xf32, #tpu.memory_space<vmem>>
    %dma_wait3A_1005 = arith.constant 0 : i32
    %dma_wait3A_1006 = arith.constant 0 : i32
    %dma_wait3A_1007 = tpu.memref_slice %arg2[%dma_wait3A_1005, %dma_wait3A_1006] : memref<100000x64xf32, #tpu.memory_space<hbm>> -> memref<100x64xf32, #tpu.memory_space<hbm>>
    %dma_wait3A_1008 = arith.constant 0 : i32
    %dma_wait3A_1009 = arith.constant 0 : i32
    %dma_wait3A_1010 = tpu.memref_slice %arg11[%dma_wait3A_1000, %dma_wait3A_1008, %dma_wait3A_1009] : memref<2x200x64xf32, #tpu.memory_space<vmem>> -> memref<1x100x64xf32, #tpu.memory_space<vmem>>
    %dma_wait3A_1011 = tpu.memref_squeeze %dma_wait3A_1010 : memref<1x100x64xf32, #tpu.memory_space<vmem>> -> memref<100x64xf32, #tpu.memory_space<vmem>>
    %dma_wait3A_1012 = arith.constant 0 : i32
    %dma_wait3A_1013 = arith.constant 0 : i32
    %dma_wait3A_1014 = tpu.memref_slice %arg2[%dma_wait3A_1012, %dma_wait3A_1013] : memref<100000x64xf32, #tpu.memory_space<hbm>> -> memref<100x64xf32, #tpu.memory_space<hbm>>
    tpu.wait_dma2 semaphore(%arg19 : memref<!tpu.dma_semaphore, #tpu.memory_space<semaphore_mem>>) src(%dma_wait3A_1014 : memref<100x64xf32, #tpu.memory_space<hbm>>) dst(%dma_wait3A_1011 : memref<100x64xf32, #tpu.memory_space<vmem>>)
    %dma_wait3A_1015 = arith.constant 0 : i32
    %dma_wait3A_1016 = arith.constant 0 : i32
    %dma_wait3A_1017 = arith.constant 0 : i32
    %dma_wait3A_1018 = tpu.memref_slice %arg11[%dma_wait3A_1015, %dma_wait3A_1016, %dma_wait3A_1017] : memref<2x200x64xf32, #tpu.memory_space<vmem>> -> memref<1x100x64xf32, #tpu.memory_space<vmem>>
    %dma_wait3A_1019 = tpu.memref_squeeze %dma_wait3A_1018 : memref<1x100x64xf32, #tpu.memory_space<vmem>> -> memref<100x64xf32, #tpu.memory_space<vmem>>
    %dma_wait3A_1020 = arith.constant 0 : i32
    %dma_wait3A_1021 = arith.constant 0 : i32
    %dma_wait3A_1022 = tpu.memref_slice %arg2[%dma_wait3A_1020, %dma_wait3A_1021] : memref<100000x64xf32, #tpu.memory_space<hbm>> -> memref<100x64xf32, #tpu.memory_space<hbm>>
    %dma_wait3A_1023 = arith.constant 0 : i32
    %dma_wait3A_1024 = arith.constant 0 : i32
    %dma_wait3A_1025 = tpu.memref_slice %arg11[%dma_wait3A_1015, %dma_wait3A_1023, %dma_wait3A_1024] : memref<2x200x64xf32, #tpu.memory_space<vmem>> -> memref<1x100x64xf32, #tpu.memory_space<vmem>>
    %dma_wait3A_1026 = tpu.memref_squeeze %dma_wait3A_1025 : memref<1x100x64xf32, #tpu.memory_space<vmem>> -> memref<100x64xf32, #tpu.memory_space<vmem>>
    %dma_wait3A_1027 = arith.constant 0 : i32
    %dma_wait3A_1028 = arith.constant 0 : i32
    %dma_wait3A_1029 = tpu.memref_slice %arg2[%dma_wait3A_1027, %dma_wait3A_1028] : memref<100000x64xf32, #tpu.memory_space<hbm>> -> memref<100x64xf32, #tpu.memory_space<hbm>>
    tpu.wait_dma2 semaphore(%arg19 : memref<!tpu.dma_semaphore, #tpu.memory_space<semaphore_mem>>) src(%dma_wait3A_1029 : memref<100x64xf32, #tpu.memory_space<hbm>>) dst(%dma_wait3A_1026 : memref<100x64xf32, #tpu.memory_space<vmem>>)
    %dma_wait3A_1030 = arith.constant 0 : i32
    %dma_wait3A_1031 = arith.constant 0 : i32
    %dma_wait3A_1032 = arith.constant 0 : i32
    %dma_wait3A_1033 = tpu.memref_slice %arg11[%dma_wait3A_1030, %dma_wait3A_1031, %dma_wait3A_1032] : memref<2x200x64xf32, #tpu.memory_space<vmem>> -> memref<1x100x64xf32, #tpu.memory_space<vmem>>
    %dma_wait3A_1034 = tpu.memref_squeeze %dma_wait3A_1033 : memref<1x100x64xf32, #tpu.memory_space<vmem>> -> memref<100x64xf32, #tpu.memory_space<vmem>>
    %dma_wait3A_1035 = arith.constant 0 : i32
    %dma_wait3A_1036 = arith.constant 0 : i32
    %dma_wait3A_1037 = tpu.memref_slice %arg2[%dma_wait3A_1035, %dma_wait3A_1036] : memref<100000x64xf32, #tpu.memory_space<hbm>> -> memref<100x64xf32, #tpu.memory_space<hbm>>
    %dma_wait3A_1038 = arith.constant 0 : i32
    %dma_wait3A_1039 = arith.constant 0 : i32
    %dma_wait3A_1040 = tpu.memref_slice %arg11[%dma_wait3A_1030, %dma_wait3A_1038, %dma_wait3A_1039] : memref<2x200x64xf32, #tpu.memory_space<vmem>> -> memref<1x100x64xf32, #tpu.memory_space<vmem>>
    %dma_wait3A_1041 = tpu.memref_squeeze %dma_wait3A_1040 : memref<1x100x64xf32, #tpu.memory_space<vmem>> -> memref<100x64xf32, #tpu.memory_space<vmem>>
    %dma_wait3A_1042 = arith.constant 0 : i32
    %dma_wait3A_1043 = arith.constant 0 : i32
    %dma_wait3A_1044 = tpu.memref_slice %arg2[%dma_wait3A_1042, %dma_wait3A_1043] : memref<100000x64xf32, #tpu.memory_space<hbm>> -> memref<100x64xf32, #tpu.memory_space<hbm>>
    tpu.wait_dma2 semaphore(%arg19 : memref<!tpu.dma_semaphore, #tpu.memory_space<semaphore_mem>>) src(%dma_wait3A_1044 : memref<100x64xf32, #tpu.memory_space<hbm>>) dst(%dma_wait3A_1041 : memref<100x64xf32, #tpu.memory_space<vmem>>)
    %dma_wait3A_1045 = arith.constant 0 : i32
    %dma_wait3A_1046 = arith.constant 0 : i32
    %dma_wait3A_1047 = arith.constant 0 : i32
    %dma_wait3A_1048 = tpu.memref_slice %arg11[%dma_wait3A_1045, %dma_wait3A_1046, %dma_wait3A_1047] : memref<2x200x64xf32, #tpu.memory_space<vmem>> -> memref<1x100x64xf32, #tpu.memory_space<vmem>>
    %dma_wait3A_1049 = tpu.memref_squeeze %dma_wait3A_1048 : memref<1x100x64xf32, #tpu.memory_space<vmem>> -> memref<100x64xf32, #tpu.memory_space<vmem>>
    %dma_wait3A_1050 = arith.constant 0 : i32
    %dma_wait3A_1051 = arith.constant 0 : i32
    %dma_wait3A_1052 = tpu.memref_slice %arg2[%dma_wait3A_1050, %dma_wait3A_1051] : memref<100000x64xf32, #tpu.memory_space<hbm>> -> memref<100x64xf32, #tpu.memory_space<hbm>>
    %dma_wait3A_1053 = arith.constant 0 : i32
    %dma_wait3A_1054 = arith.constant 0 : i32
    %dma_wait3A_1055 = tpu.memref_slice %arg11[%dma_wait3A_1045, %dma_wait3A_1053, %dma_wait3A_1054] : memref<2x200x64xf32, #tpu.memory_space<vmem>> -> memref<1x100x64xf32, #tpu.memory_space<vmem>>
    %dma_wait3A_1056 = tpu.memref_squeeze %dma_wait3A_1055 : memref<1x100x64xf32, #tpu.memory_space<vmem>> -> memref<100x64xf32, #tpu.memory_space<vmem>>
    %dma_wait3A_1057 = arith.constant 0 : i32
    %dma_wait3A_1058 = arith.constant 0 : i32
    %dma_wait3A_1059 = tpu.memref_slice %arg2[%dma_wait3A_1057, %dma_wait3A_1058] : memref<100000x64xf32, #tpu.memory_space<hbm>> -> memref<100x64xf32, #tpu.memory_space<hbm>>
    tpu.wait_dma2 semaphore(%arg19 : memref<!tpu.dma_semaphore, #tpu.memory_space<semaphore_mem>>) src(%dma_wait3A_1059 : memref<100x64xf32, #tpu.memory_space<hbm>>) dst(%dma_wait3A_1056 : memref<100x64xf32, #tpu.memory_space<vmem>>)
    %mul3A_1060 = arith.constant 128 : i32
    %mul3A_1061 = arith.muli %add3A, %mul3A_1060 : i32
    %mul3A_1062 = arith.constant 62 : i32
    %mul3A_1063 = arith.constant 2 : i32
    %mul3A_1064 = arith.muli %mul3A_1062, %mul3A_1063 : i32
    %add3A_1065 = arith.addi %mul3A_1061, %mul3A_1064 : i32
    %multiple_of3A_1066 = tpu.assume_multiple %add3A_1065, 2 : i32
    %dma_start3A_1067 = arith.constant 0 : i32
    %dma_start3A_1068 = arith.constant 0 : i32
    %dma_start3A_1069 = tpu.memref_slice %arg4[%multiple_of3A_1066, %dma_start3A_1067, %dma_start3A_1068] : memref<4096x200x64xf32, #tpu.memory_space<hbm>> -> memref<2x200x64xf32, #tpu.memory_space<hbm>>
    %dma_start3A_1070 = arith.constant 0 : i32
    %dma_start3A_1071 = arith.constant 0 : i32
    %dma_start3A_1072 = tpu.memref_slice %arg4[%multiple_of3A_1066, %dma_start3A_1070, %dma_start3A_1071] : memref<4096x200x64xf32, #tpu.memory_space<hbm>> -> memref<2x200x64xf32, #tpu.memory_space<hbm>>
    tpu.enqueue_dma source(%arg11 : memref<2x200x64xf32, #tpu.memory_space<vmem>>) target(%dma_start3A_1072 : memref<2x200x64xf32, #tpu.memory_space<hbm>>) target_semaphore(%arg23 : memref<!tpu.dma_semaphore, #tpu.memory_space<semaphore_mem>>)
    %dma_wait3A_1073 = arith.constant 0 : i32
    %dma_wait3A_1074 = arith.constant 0 : i32
    %dma_wait3A_1075 = arith.constant 0 : i32
    %dma_wait3A_1076 = tpu.memref_slice %arg12[%dma_wait3A_1073, %dma_wait3A_1074, %dma_wait3A_1075] : memref<2x200x64xf32, #tpu.memory_space<vmem>> -> memref<1x100x64xf32, #tpu.memory_space<vmem>>
    %dma_wait3A_1077 = tpu.memref_squeeze %dma_wait3A_1076 : memref<1x100x64xf32, #tpu.memory_space<vmem>> -> memref<100x64xf32, #tpu.memory_space<vmem>>
    %dma_wait3A_1078 = arith.constant 0 : i32
    %dma_wait3A_1079 = arith.constant 0 : i32
    %dma_wait3A_1080 = tpu.memref_slice %arg2[%dma_wait3A_1078, %dma_wait3A_1079] : memref<100000x64xf32, #tpu.memory_space<hbm>> -> memref<100x64xf32, #tpu.memory_space<hbm>>
    %dma_wait3A_1081 = arith.constant 0 : i32
    %dma_wait3A_1082 = arith.constant 0 : i32
    %dma_wait3A_1083 = tpu.memref_slice %arg12[%dma_wait3A_1073, %dma_wait3A_1081, %dma_wait3A_1082] : memref<2x200x64xf32, #tpu.memory_space<vmem>> -> memref<1x100x64xf32, #tpu.memory_space<vmem>>
    %dma_wait3A_1084 = tpu.memref_squeeze %dma_wait3A_1083 : memref<1x100x64xf32, #tpu.memory_space<vmem>> -> memref<100x64xf32, #tpu.memory_space<vmem>>
    %dma_wait3A_1085 = arith.constant 0 : i32
    %dma_wait3A_1086 = arith.constant 0 : i32
    %dma_wait3A_1087 = tpu.memref_slice %arg2[%dma_wait3A_1085, %dma_wait3A_1086] : memref<100000x64xf32, #tpu.memory_space<hbm>> -> memref<100x64xf32, #tpu.memory_space<hbm>>
    tpu.wait_dma2 semaphore(%arg20 : memref<!tpu.dma_semaphore, #tpu.memory_space<semaphore_mem>>) src(%dma_wait3A_1087 : memref<100x64xf32, #tpu.memory_space<hbm>>) dst(%dma_wait3A_1084 : memref<100x64xf32, #tpu.memory_space<vmem>>)
    %dma_wait3A_1088 = arith.constant 0 : i32
    %dma_wait3A_1089 = arith.constant 0 : i32
    %dma_wait3A_1090 = arith.constant 0 : i32
    %dma_wait3A_1091 = tpu.memref_slice %arg12[%dma_wait3A_1088, %dma_wait3A_1089, %dma_wait3A_1090] : memref<2x200x64xf32, #tpu.memory_space<vmem>> -> memref<1x100x64xf32, #tpu.memory_space<vmem>>
    %dma_wait3A_1092 = tpu.memref_squeeze %dma_wait3A_1091 : memref<1x100x64xf32, #tpu.memory_space<vmem>> -> memref<100x64xf32, #tpu.memory_space<vmem>>
    %dma_wait3A_1093 = arith.constant 0 : i32
    %dma_wait3A_1094 = arith.constant 0 : i32
    %dma_wait3A_1095 = tpu.memref_slice %arg2[%dma_wait3A_1093, %dma_wait3A_1094] : memref<100000x64xf32, #tpu.memory_space<hbm>> -> memref<100x64xf32, #tpu.memory_space<hbm>>
    %dma_wait3A_1096 = arith.constant 0 : i32
    %dma_wait3A_1097 = arith.constant 0 : i32
    %dma_wait3A_1098 = tpu.memref_slice %arg12[%dma_wait3A_1088, %dma_wait3A_1096, %dma_wait3A_1097] : memref<2x200x64xf32, #tpu.memory_space<vmem>> -> memref<1x100x64xf32, #tpu.memory_space<vmem>>
    %dma_wait3A_1099 = tpu.memref_squeeze %dma_wait3A_1098 : memref<1x100x64xf32, #tpu.memory_space<vmem>> -> memref<100x64xf32, #tpu.memory_space<vmem>>
    %dma_wait3A_1100 = arith.constant 0 : i32
    %dma_wait3A_1101 = arith.constant 0 : i32
    %dma_wait3A_1102 = tpu.memref_slice %arg2[%dma_wait3A_1100, %dma_wait3A_1101] : memref<100000x64xf32, #tpu.memory_space<hbm>> -> memref<100x64xf32, #tpu.memory_space<hbm>>
    tpu.wait_dma2 semaphore(%arg20 : memref<!tpu.dma_semaphore, #tpu.memory_space<semaphore_mem>>) src(%dma_wait3A_1102 : memref<100x64xf32, #tpu.memory_space<hbm>>) dst(%dma_wait3A_1099 : memref<100x64xf32, #tpu.memory_space<vmem>>)
    %dma_wait3A_1103 = arith.constant 0 : i32
    %dma_wait3A_1104 = arith.constant 0 : i32
    %dma_wait3A_1105 = arith.constant 0 : i32
    %dma_wait3A_1106 = tpu.memref_slice %arg12[%dma_wait3A_1103, %dma_wait3A_1104, %dma_wait3A_1105] : memref<2x200x64xf32, #tpu.memory_space<vmem>> -> memref<1x100x64xf32, #tpu.memory_space<vmem>>
    %dma_wait3A_1107 = tpu.memref_squeeze %dma_wait3A_1106 : memref<1x100x64xf32, #tpu.memory_space<vmem>> -> memref<100x64xf32, #tpu.memory_space<vmem>>
    %dma_wait3A_1108 = arith.constant 0 : i32
    %dma_wait3A_1109 = arith.constant 0 : i32
    %dma_wait3A_1110 = tpu.memref_slice %arg2[%dma_wait3A_1108, %dma_wait3A_1109] : memref<100000x64xf32, #tpu.memory_space<hbm>> -> memref<100x64xf32, #tpu.memory_space<hbm>>
    %dma_wait3A_1111 = arith.constant 0 : i32
    %dma_wait3A_1112 = arith.constant 0 : i32
    %dma_wait3A_1113 = tpu.memref_slice %arg12[%dma_wait3A_1103, %dma_wait3A_1111, %dma_wait3A_1112] : memref<2x200x64xf32, #tpu.memory_space<vmem>> -> memref<1x100x64xf32, #tpu.memory_space<vmem>>
    %dma_wait3A_1114 = tpu.memref_squeeze %dma_wait3A_1113 : memref<1x100x64xf32, #tpu.memory_space<vmem>> -> memref<100x64xf32, #tpu.memory_space<vmem>>
    %dma_wait3A_1115 = arith.constant 0 : i32
    %dma_wait3A_1116 = arith.constant 0 : i32
    %dma_wait3A_1117 = tpu.memref_slice %arg2[%dma_wait3A_1115, %dma_wait3A_1116] : memref<100000x64xf32, #tpu.memory_space<hbm>> -> memref<100x64xf32, #tpu.memory_space<hbm>>
    tpu.wait_dma2 semaphore(%arg20 : memref<!tpu.dma_semaphore, #tpu.memory_space<semaphore_mem>>) src(%dma_wait3A_1117 : memref<100x64xf32, #tpu.memory_space<hbm>>) dst(%dma_wait3A_1114 : memref<100x64xf32, #tpu.memory_space<vmem>>)
    %dma_wait3A_1118 = arith.constant 0 : i32
    %dma_wait3A_1119 = arith.constant 0 : i32
    %dma_wait3A_1120 = arith.constant 0 : i32
    %dma_wait3A_1121 = tpu.memref_slice %arg12[%dma_wait3A_1118, %dma_wait3A_1119, %dma_wait3A_1120] : memref<2x200x64xf32, #tpu.memory_space<vmem>> -> memref<1x100x64xf32, #tpu.memory_space<vmem>>
    %dma_wait3A_1122 = tpu.memref_squeeze %dma_wait3A_1121 : memref<1x100x64xf32, #tpu.memory_space<vmem>> -> memref<100x64xf32, #tpu.memory_space<vmem>>
    %dma_wait3A_1123 = arith.constant 0 : i32
    %dma_wait3A_1124 = arith.constant 0 : i32
    %dma_wait3A_1125 = tpu.memref_slice %arg2[%dma_wait3A_1123, %dma_wait3A_1124] : memref<100000x64xf32, #tpu.memory_space<hbm>> -> memref<100x64xf32, #tpu.memory_space<hbm>>
    %dma_wait3A_1126 = arith.constant 0 : i32
    %dma_wait3A_1127 = arith.constant 0 : i32
    %dma_wait3A_1128 = tpu.memref_slice %arg12[%dma_wait3A_1118, %dma_wait3A_1126, %dma_wait3A_1127] : memref<2x200x64xf32, #tpu.memory_space<vmem>> -> memref<1x100x64xf32, #tpu.memory_space<vmem>>
    %dma_wait3A_1129 = tpu.memref_squeeze %dma_wait3A_1128 : memref<1x100x64xf32, #tpu.memory_space<vmem>> -> memref<100x64xf32, #tpu.memory_space<vmem>>
    %dma_wait3A_1130 = arith.constant 0 : i32
    %dma_wait3A_1131 = arith.constant 0 : i32
    %dma_wait3A_1132 = tpu.memref_slice %arg2[%dma_wait3A_1130, %dma_wait3A_1131] : memref<100000x64xf32, #tpu.memory_space<hbm>> -> memref<100x64xf32, #tpu.memory_space<hbm>>
    tpu.wait_dma2 semaphore(%arg20 : memref<!tpu.dma_semaphore, #tpu.memory_space<semaphore_mem>>) src(%dma_wait3A_1132 : memref<100x64xf32, #tpu.memory_space<hbm>>) dst(%dma_wait3A_1129 : memref<100x64xf32, #tpu.memory_space<vmem>>)
    %mul3A_1133 = arith.constant 128 : i32
    %mul3A_1134 = arith.muli %add3A, %mul3A_1133 : i32
    %mul3A_1135 = arith.constant 63 : i32
    %mul3A_1136 = arith.constant 2 : i32
    %mul3A_1137 = arith.muli %mul3A_1135, %mul3A_1136 : i32
    %add3A_1138 = arith.addi %mul3A_1134, %mul3A_1137 : i32
    %multiple_of3A_1139 = tpu.assume_multiple %add3A_1138, 2 : i32
    %dma_start3A_1140 = arith.constant 0 : i32
    %dma_start3A_1141 = arith.constant 0 : i32
    %dma_start3A_1142 = tpu.memref_slice %arg4[%multiple_of3A_1139, %dma_start3A_1140, %dma_start3A_1141] : memref<4096x200x64xf32, #tpu.memory_space<hbm>> -> memref<2x200x64xf32, #tpu.memory_space<hbm>>
    %dma_start3A_1143 = arith.constant 0 : i32
    %dma_start3A_1144 = arith.constant 0 : i32
    %dma_start3A_1145 = tpu.memref_slice %arg4[%multiple_of3A_1139, %dma_start3A_1143, %dma_start3A_1144] : memref<4096x200x64xf32, #tpu.memory_space<hbm>> -> memref<2x200x64xf32, #tpu.memory_space<hbm>>
    tpu.enqueue_dma source(%arg12 : memref<2x200x64xf32, #tpu.memory_space<vmem>>) target(%dma_start3A_1145 : memref<2x200x64xf32, #tpu.memory_space<hbm>>) target_semaphore(%arg24 : memref<!tpu.dma_semaphore, #tpu.memory_space<semaphore_mem>>)
    %dma_wait3A_1146 = arith.constant 0 : i32
    %dma_wait3A_1147 = arith.constant 0 : i32
    %dma_wait3A_1148 = arith.constant 0 : i32
    %dma_wait3A_1149 = tpu.memref_slice %arg4[%dma_wait3A_1146, %dma_wait3A_1147, %dma_wait3A_1148] : memref<4096x200x64xf32, #tpu.memory_space<hbm>> -> memref<2x200x64xf32, #tpu.memory_space<hbm>>
    %dma_wait3A_1150 = arith.constant 0 : i32
    %dma_wait3A_1151 = arith.constant 0 : i32
    %dma_wait3A_1152 = arith.constant 0 : i32
    %dma_wait3A_1153 = tpu.memref_slice %arg4[%dma_wait3A_1150, %dma_wait3A_1151, %dma_wait3A_1152] : memref<4096x200x64xf32, #tpu.memory_space<hbm>> -> memref<2x200x64xf32, #tpu.memory_space<hbm>>
    tpu.wait_dma2 semaphore(%arg21 : memref<!tpu.dma_semaphore, #tpu.memory_space<semaphore_mem>>) src(%arg9 : memref<2x200x64xf32, #tpu.memory_space<vmem>>) dst(%dma_wait3A_1153 : memref<2x200x64xf32, #tpu.memory_space<hbm>>)
    %dma_wait3A_1154 = arith.constant 0 : i32
    %dma_wait3A_1155 = arith.constant 0 : i32
    %dma_wait3A_1156 = arith.constant 0 : i32
    %dma_wait3A_1157 = tpu.memref_slice %arg4[%dma_wait3A_1154, %dma_wait3A_1155, %dma_wait3A_1156] : memref<4096x200x64xf32, #tpu.memory_space<hbm>> -> memref<2x200x64xf32, #tpu.memory_space<hbm>>
    %dma_wait3A_1158 = arith.constant 0 : i32
    %dma_wait3A_1159 = arith.constant 0 : i32
    %dma_wait3A_1160 = arith.constant 0 : i32
    %dma_wait3A_1161 = tpu.memref_slice %arg4[%dma_wait3A_1158, %dma_wait3A_1159, %dma_wait3A_1160] : memref<4096x200x64xf32, #tpu.memory_space<hbm>> -> memref<2x200x64xf32, #tpu.memory_space<hbm>>
    tpu.wait_dma2 semaphore(%arg22 : memref<!tpu.dma_semaphore, #tpu.memory_space<semaphore_mem>>) src(%arg10 : memref<2x200x64xf32, #tpu.memory_space<vmem>>) dst(%dma_wait3A_1161 : memref<2x200x64xf32, #tpu.memory_space<hbm>>)
    %dma_wait3A_1162 = arith.constant 0 : i32
    %dma_wait3A_1163 = arith.constant 0 : i32
    %dma_wait3A_1164 = arith.constant 0 : i32
    %dma_wait3A_1165 = tpu.memref_slice %arg4[%dma_wait3A_1162, %dma_wait3A_1163, %dma_wait3A_1164] : memref<4096x200x64xf32, #tpu.memory_space<hbm>> -> memref<2x200x64xf32, #tpu.memory_space<hbm>>
    %dma_wait3A_1166 = arith.constant 0 : i32
    %dma_wait3A_1167 = arith.constant 0 : i32
    %dma_wait3A_1168 = arith.constant 0 : i32
    %dma_wait3A_1169 = tpu.memref_slice %arg4[%dma_wait3A_1166, %dma_wait3A_1167, %dma_wait3A_1168] : memref<4096x200x64xf32, #tpu.memory_space<hbm>> -> memref<2x200x64xf32, #tpu.memory_space<hbm>>
    tpu.wait_dma2 semaphore(%arg23 : memref<!tpu.dma_semaphore, #tpu.memory_space<semaphore_mem>>) src(%arg11 : memref<2x200x64xf32, #tpu.memory_space<vmem>>) dst(%dma_wait3A_1169 : memref<2x200x64xf32, #tpu.memory_space<hbm>>)
    %dma_wait3A_1170 = arith.constant 0 : i32
    %dma_wait3A_1171 = arith.constant 0 : i32
    %dma_wait3A_1172 = arith.constant 0 : i32
    %dma_wait3A_1173 = tpu.memref_slice %arg4[%dma_wait3A_1170, %dma_wait3A_1171, %dma_wait3A_1172] : memref<4096x200x64xf32, #tpu.memory_space<hbm>> -> memref<2x200x64xf32, #tpu.memory_space<hbm>>
    %dma_wait3A_1174 = arith.constant 0 : i32
    %dma_wait3A_1175 = arith.constant 0 : i32
    %dma_wait3A_1176 = arith.constant 0 : i32
    %dma_wait3A_1177 = tpu.memref_slice %arg4[%dma_wait3A_1174, %dma_wait3A_1175, %dma_wait3A_1176] : memref<4096x200x64xf32, #tpu.memory_space<hbm>> -> memref<2x200x64xf32, #tpu.memory_space<hbm>>
    tpu.wait_dma2 semaphore(%arg24 : memref<!tpu.dma_semaphore, #tpu.memory_space<semaphore_mem>>) src(%arg12 : memref<2x200x64xf32, #tpu.memory_space<vmem>>) dst(%dma_wait3A_1177 : memref<2x200x64xf32, #tpu.memory_space<hbm>>)
    return
  }
}

module attributes {stable_mosaic.version = 14 : i64} {
  func.func @_pe_body(%arg0: memref<200x64xf32, #tpu.memory_space<vmem>>) attributes {dimension_semantics = [], scalar_prefetch = 0 : i64, scratch_operands = 0 : i64, tpu.core_type = #tpu.core_type<tc>} {
    %iota3A = tpu.iota {dimensions = array<i32: 0>} : vector<200x64xi32>
    %convert_element_type3A = arith.sitofp %iota3A : vector<200x64xi32> to vector<200x64xf32>
    %iota3A_0 = tpu.iota {dimensions = array<i32: 1>} : vector<200x64xi32>
    %jit3A = arith.constant 2 : i32
    %div3A = vector.broadcast %jit3A : i32 to vector<200x64xi32>
    %div3A_1 = arith.divsi %iota3A_0, %div3A : vector<200x64xi32>
    %sign3A = arith.constant 0 : i32
    %sign3A_2 = vector.broadcast %sign3A : i32 to vector<200x64xi32>
    %sign3A_3 = arith.cmpi sgt, %iota3A_0, %sign3A_2 : vector<200x64xi32>
    %sign3A_4 = arith.extui %sign3A_3 : vector<200x64xi1> to vector<200x64xi32>
    %sign3A_5 = arith.constant 0 : i32
    %sign3A_6 = vector.broadcast %sign3A_5 : i32 to vector<200x64xi32>
    %sign3A_7 = arith.cmpi slt, %iota3A_0, %sign3A_6 : vector<200x64xi32>
    %sign3A_8 = arith.extui %sign3A_7 : vector<200x64xi1> to vector<200x64xi32>
    %sign3A_9 = arith.subi %sign3A_4, %sign3A_8 : vector<200x64xi32>
    %sign3A_10 = arith.constant 0 : i32
    %sign3A_11 = arith.cmpi sgt, %jit3A, %sign3A_10 : i32
    %sign3A_12 = arith.extui %sign3A_11 : i1 to i32
    %sign3A_13 = arith.constant 0 : i32
    %sign3A_14 = arith.cmpi slt, %jit3A, %sign3A_13 : i32
    %sign3A_15 = arith.extui %sign3A_14 : i1 to i32
    %sign3A_16 = arith.subi %sign3A_12, %sign3A_15 : i32
    %ne3A = vector.broadcast %sign3A_16 : i32 to vector<200x64xi32>
    %ne3A_17 = arith.cmpi ne, %sign3A_9, %ne3A : vector<200x64xi32>
    %rem3A = vector.broadcast %jit3A : i32 to vector<200x64xi32>
    %rem3A_18 = arith.remsi %iota3A_0, %rem3A : vector<200x64xi32>
    %ne3A_19 = arith.constant 0 : i32
    %ne3A_20 = vector.broadcast %ne3A_19 : i32 to vector<200x64xi32>
    %ne3A_21 = arith.cmpi ne, %rem3A_18, %ne3A_20 : vector<200x64xi32>
    %and3A = arith.andi %ne3A_17, %ne3A_21 : vector<200x64xi1>
    %sub3A = arith.constant 1 : i32
    %sub3A_22 = vector.broadcast %sub3A : i32 to vector<200x64xi32>
    %sub3A_23 = arith.subi %div3A_1, %sub3A_22 : vector<200x64xi32>
    %select_n3A = arith.select %and3A, %sub3A_23, %div3A_1 : vector<200x64xi1>, vector<200x64xi32>
    %mul3A = arith.constant 2 : i32
    %mul3A_24 = vector.broadcast %mul3A : i32 to vector<200x64xi32>
    %mul3A_25 = arith.muli %select_n3A, %mul3A_24 : vector<200x64xi32>
    %convert_element_type3A_26 = arith.sitofp %mul3A_25 : vector<200x64xi32> to vector<200x64xf32>
    %mul3A_27 = arith.constant -0.14391157 : f32
    %mul3A_28 = vector.broadcast %mul3A_27 : f32 to vector<200x64xf32>
    %mul3A_29 = arith.mulf %convert_element_type3A_26, %mul3A_28 : vector<200x64xf32>
    %exp3A = math.exp %mul3A_29 : vector<200x64xf32>
    %mul3A_30 = arith.mulf %convert_element_type3A, %exp3A : vector<200x64xf32>
    %jit3A_31 = arith.constant 2 : i32
    %eq3A = arith.constant 0 : i32
    %eq3A_32 = arith.cmpi eq, %jit3A_31, %eq3A : i32
    %jit3A_33 = arith.constant 1 : i32
    %select_n3A_34 = arith.select %eq3A_32, %jit3A_33, %jit3A_31 : i32
    %rem3A_35 = vector.broadcast %select_n3A_34 : i32 to vector<200x64xi32>
    %rem3A_36 = arith.remsi %iota3A_0, %rem3A_35 : vector<200x64xi32>
    %ne3A_37 = arith.constant 0 : i32
    %ne3A_38 = vector.broadcast %ne3A_37 : i32 to vector<200x64xi32>
    %ne3A_39 = arith.cmpi ne, %rem3A_36, %ne3A_38 : vector<200x64xi32>
    %lt3A = arith.constant 0 : i32
    %lt3A_40 = vector.broadcast %lt3A : i32 to vector<200x64xi32>
    %lt3A_41 = arith.cmpi slt, %rem3A_36, %lt3A_40 : vector<200x64xi32>
    %lt3A_42 = arith.constant 0 : i32
    %lt3A_43 = arith.cmpi slt, %select_n3A_34, %lt3A_42 : i32
    %ne3A_44 = vector.broadcast %lt3A_43 : i1 to vector<200x64xi1>
    %ne3A_45 = vector.broadcast %ne3A_44 : vector<200x64xi1> to vector<200x64xi1>
    %ne3A_46 = arith.xori %lt3A_41, %ne3A_45 : vector<200x64xi1>
    %and3A_47 = arith.andi %ne3A_46, %ne3A_39 : vector<200x64xi1>
    %add3A = vector.broadcast %select_n3A_34 : i32 to vector<200x64xi32>
    %add3A_48 = arith.addi %rem3A_36, %add3A : vector<200x64xi32>
    %select_n3A_49 = arith.select %and3A_47, %add3A_48, %rem3A_36 : vector<200x64xi1>, vector<200x64xi32>
    %eq3A_50 = arith.constant 0 : i32
    %eq3A_51 = vector.broadcast %eq3A_50 : i32 to vector<200x64xi32>
    %eq3A_52 = arith.cmpi eq, %select_n3A_49, %eq3A_51 : vector<200x64xi32>
    %sin3A = math.sin %mul3A_30 : vector<200x64xf32>
    %cos3A = math.cos %mul3A_30 : vector<200x64xf32>
    %select_n3A_53 = arith.select %eq3A_52, %sin3A, %cos3A : vector<200x64xi1>, vector<200x64xf32>
    %swap3A = arith.constant 0 : index
    %swap3A_54 = arith.constant 0 : index
    %swap3A_55 = vector.load %arg0[%swap3A, %swap3A_54] : memref<200x64xf32, #tpu.memory_space<vmem>>, vector<200x64xf32>
    tpu.vector_store %arg0[%swap3A, %swap3A_54], %select_n3A_53 {strides = array<i32>} : memref<200x64xf32, #tpu.memory_space<vmem>>, vector<200x64xf32>,
    return
  }
}

module attributes {stable_mosaic.version = 14 : i64} {
  func.func @_add_body(%arg0: i32, %arg1: memref<3200x128xf32, #tpu.memory_space<vmem>>, %arg2: memref<100x128xf32, #tpu.memory_space<vmem>>, %arg3: memref<3200x128xf32, #tpu.memory_space<vmem>>) attributes {dimension_semantics = [#tpu.dimension_semantics<arbitrary>], iteration_bounds = array<i64: 128>, scalar_prefetch = 0 : i64, scratch_operands = 0 : i64, tpu.core_type = #tpu.core_type<tc>, window_params = [{transform_indices = @transform_0, window_bounds = array<i64: 3200, 128>}, {pipeline_mode = #tpu.pipeline_mode<synchronous>, transform_indices = @transform_1, window_bounds = array<i64: 100, 128>}, {transform_indices = @transform_2, window_bounds = array<i64: 3200, 128>}]} {
    %get3A = arith.constant 0 : index
    %get3A_0 = arith.constant 0 : index
    %get3A_1 = vector.load %arg1[%get3A, %get3A_0] : memref<3200x128xf32, #tpu.memory_space<vmem>>, vector<3200x128xf32>
    %get3A_2 = arith.constant 0 : index
    %get3A_3 = arith.constant 0 : index
    %get3A_4 = vector.load %arg2[%get3A_2, %get3A_3] : memref<100x128xf32, #tpu.memory_space<vmem>>, vector<100x128xf32>
    %tile3A = tpu.concatenate %get3A_4, %get3A_4, %get3A_4, %get3A_4, %get3A_4, %get3A_4, %get3A_4, %get3A_4, %get3A_4, %get3A_4, %get3A_4, %get3A_4, %get3A_4, %get3A_4, %get3A_4, %get3A_4, %get3A_4, %get3A_4, %get3A_4, %get3A_4, %get3A_4, %get3A_4, %get3A_4, %get3A_4, %get3A_4, %get3A_4, %get3A_4, %get3A_4, %get3A_4, %get3A_4, %get3A_4, %get3A_4 in 0 : vector<100x128xf32>, vector<100x128xf32>, vector<100x128xf32>, vector<100x128xf32>, vector<100x128xf32>, vector<100x128xf32>, vector<100x128xf32>, vector<100x128xf32>, vector<100x128xf32>, vector<100x128xf32>, vector<100x128xf32>, vector<100x128xf32>, vector<100x128xf32>, vector<100x128xf32>, vector<100x128xf32>, vector<100x128xf32>, vector<100x128xf32>, vector<100x128xf32>, vector<100x128xf32>, vector<100x128xf32>, vector<100x128xf32>, vector<100x128xf32>, vector<100x128xf32>, vector<100x128xf32>, vector<100x128xf32>, vector<100x128xf32>, vector<100x128xf32>, vector<100x128xf32>, vector<100x128xf32>, vector<100x128xf32>, vector<100x128xf32>, vector<100x128xf32> -> vector<3200x128xf32>
    %add3A = arith.addf %get3A_1, %tile3A : vector<3200x128xf32>
    %swap3A = arith.constant 0 : index
    %swap3A_5 = arith.constant 0 : index
    %swap3A_6 = vector.load %arg3[%swap3A, %swap3A_5] : memref<3200x128xf32, #tpu.memory_space<vmem>>, vector<3200x128xf32>
    tpu.vector_store %arg3[%swap3A, %swap3A_5], %add3A {strides = array<i32>} : memref<3200x128xf32, #tpu.memory_space<vmem>>, vector<3200x128xf32>,
    return
  }
  func.func @transform_0(%arg0: i32) -> (i32, i32) {
    %c0_i32 = arith.constant 0 : i32
    %c0_i32_0 = arith.constant 0 : i32
    return %arg0, %c0_i32 : i32, i32
  }
  func.func @transform_1(%arg0: i32) -> (i32, i32) {
    %c0_i32 = arith.constant 0 : i32
    %c0_i32_0 = arith.constant 0 : i32
    %c0_i32_1 = arith.constant 0 : i32
    return %c0_i32, %c0_i32_0 : i32, i32
  }
  func.func @transform_2(%arg0: i32) -> (i32, i32) {
    %c0_i32 = arith.constant 0 : i32
    %c0_i32_0 = arith.constant 0 : i32
    return %arg0, %c0_i32 : i32, i32
  }
}

</mosaic_0001>

<sc_bundles>
// kernel: kernel.5.cloned.1.call-start
scs
__scs_entry_jumppad:
0x0: {  	(pc) =	sbr.rel $0x88, $3  }
0x1: {  	(tag) =	ssettag $0x0;
	lr =	simm.s32 $0x1  }
0x2: {  	[smem:$0x3F9F] =	sst lr;
	_ =	strace $0xD0000000  }
0x3: {  	_ = 	snop  }
0x4: {  	_ = 	snop  }
0x5: {  	_ = 	snop  }
0x6: {  	_ = 	snop  }
0x7: {  	_ = 	snop  }
__scs_overlays_trampoline_lowered:
0x8: {  	[smem:$0x3FAE] =	sst s0  }
0x9: {  	[smem:$0x3FAF] =	sst s1  }
0xa: {  	[smem:$0x3FB0] =	sst s2  }
0xb: {  	[smem:$0x3FB1] =	sst s3  }
0xc: {  	[smem:$0x3FB2] =	sst s4  }
0xd: {  	[smem:$0x3FB3] =	sst s5  }
0xe: {  	[smem:$0x3FB4] =	sst s6  }
0xf: {  	[smem:$0x3FB5] =	sst s7  }
0x10: {  	[smem:$0x3FB6] =	sst s8  }
0x11: {  	[smem:$0x3FB7] =	sst s9;
	s0 =	simm.s32 @!p0 $0x0  }
0x12: {  	s1 =	sld [smem:$0x3F9D];
	s0 =	simm.s32 @p0 $0x1  }
0x13: {  	[smem:$0x3FB8] =	sst s0;
	s0 =	simm.s32 @!p1 $0x0  }
0x14: {  	s2 =	sld [smem:$0x3F9C];
	s0 =	simm.s32 @p1 $0x1  }
0x15: {  	[smem:$0x3FB9] =	sst s0;
	s0 =	simm.s32 @!p2 $0x0  }
0x16: {  	s3 =	sld [smem:$0x3FDB];
	s0 =	simm.s32 @p2 $0x1  }
0x17: {  	s4 =	simm.s32 $0x1BF5;
	[smem:$0x3FBB] =	sst s0  }
0x18: {  	s0 =	sld [smem:$0x3F9E];
	_ =	swait.ge [sflag:s4], $0x0  }
0x19: {  	s7 =	sld [smem:$0x3F9F]  }
0x1a: {  	s8 =	sadd.s32 $0xFFFFE003, lr  }
0x1b: {  	s9 =	sadd.s32 $0xFFFFFEF7, lr;
	s5 =	simm.s32 $0xFFFFFFFF;
	p2 =	slt.u32 s8, $0xFFFFF086  }
0x1c: {  	p1 =	slt.u32 s9, $0xF7A;
	s5 =	simm.s32 @!p2 $0x0  }
0x1d: {  	s5 =	simm.s32 @p1 $0x1;
	p0 =	seq.s32 s7, s2  }
0x1e: {  	s7 =	smul.u32 @!p0 $0xF7A, s2;
	p2 =	seq.s32 @!p0 s5, $0x0  }
0x1f: {  	s9 =	smul.u32 $0xF7A, s1;
	s8 =	simm.s32 @!p0 $0x1BF5;
	p2 =	por !p2, p0  }
0x20: {  	[sflag:s8] =	ssyncset.s32 @!p0 $0xFFFFF086;
	s6 =	sadd.s32 @!p0 s3, s7;
	s7 =	simm.s32 @!p0 $0x108  }
0x21: {  	s3 =	sadd.s32 s3, s9;
	s6 =	sadd.s32 @!p0 $0x88, s6;
	s7 =	simm.s32 @p2 $0x1082  }
0x22: {  	[simem:s7], [sflag:s8] =	dma.local @!p0 [hbm:s6], $0xF7A  }
0x23: {  	s9 =	sor.u32 $0xD0000000, s2;
	s6 =	simm.s32 $0x108;
	_ =	swait.ge @!p0 [sflag:s8], $0x0  }
0x24: {  	s3 =	sadd.s32 $0x88, s3;
	s6 =	simm.s32 @!p1 $0x1082;
	[sflag:s4] =	ssyncset.s32 $0xFFFFF086  }
0x25: {  	[simem:s6], [sflag:s4] =	dma.local [hbm:s3], $0xF7A  }
0x26: {  	[smem:$0x3F9F] =	sst s1;
	(tag) =	ssettag s2;
	_ =	strace s9  }
0x27: {  	s1 =	sld [smem:$0x3FAF]  }
0x28: {  	s2 =	sld [smem:$0x3FB0]  }
0x29: {  	s4 =	sld [smem:$0x3FB2]  }
0x2a: {  	p0 =	seq.s32 s5, $0x0;
	s5 =	sld [smem:$0x3FB3]  }
0x2b: {  	s6 =	sld [smem:$0x3FB4]  }
0x2c: {  	s7 =	sld [smem:$0x3FB5]  }
0x2d: {  	s3 =	simm.s32 $0x108;
	s8 =	sld [smem:$0x3FB6]  }
0x2e: {  	s3 =	simm.s32 @!p0 $0x1082;
	s9 =	sld [smem:$0x3FB7]  }
0x2f: {  	lr =	sadd.s32 s0, s3;
	s0 =	sld [smem:$0x3FAE]  }
0x30: {  	s3 =	sld [smem:$0x3FB1]  }
0x31: {  	[smem:$0x3FBA] =	sst s10  }
0x32: {  	s10 =	sld [smem:$0x3FB8];
	_ =	sdelay $0x3  }
0x33: {  	p0 =	seq.s32 s10, $0x1;
	s10 =	sld [smem:$0x3FBA];
	_ =	sdelay $0x3  }
0x34: {  	[smem:$0x3FBA] =	sst s10  }
0x35: {  	s10 =	sld [smem:$0x3FB9];
	_ =	sdelay $0x3  }
0x36: {  	p1 =	seq.s32 s10, $0x1;
	s10 =	sld [smem:$0x3FBA];
	_ =	sdelay $0x3  }
0x37: {  	[smem:$0x3FBA] =	sst s10  }
0x38: {  	s10 =	sld [smem:$0x3FBB]  }
0x39: {  	_ = 	snop;
	(pc) =	sbr.ind lr, $3  }
0x3a: {  	_ = 	snop  }
0x3b: {  	_ = 	snop  }
0x3c: {  	p2 =	seq.s32 s10, $0x1;
	s10 =	sld [smem:$0x3FBA]  }
0x3d: {  	_ =	shalt  }
0x3e: {  	_ =	shalt  }
0x3f: {  	_ =	shalt  }
0x40: {  	_ =	shalt  }
0x41: {  	_ =	shalt  }
0x42: {  	_ =	shalt  }
0x43: {  	_ =	shalt  }
0x44: {  	_ =	shalt  }
0x45: {  	_ =	shalt  }
0x46: {  	_ =	shalt  }
0x47: {  	_ =	shalt  }
0x48: {  	_ =	shalt  }
0x49: {  	_ =	shalt  }
0x4a: {  	_ =	shalt  }
0x4b: {  	_ =	shalt  }
0x4c: {  	_ =	shalt  }
0x4d: {  	_ =	shalt  }
0x4e: {  	_ =	shalt  }
0x4f: {  	_ =	shalt  }
0x50: {  	_ =	shalt  }
0x51: {  	_ =	shalt  }
0x52: {  	_ =	shalt  }
0x53: {  	_ =	shalt  }
0x54: {  	_ =	shalt  }
0x55: {  	_ =	shalt  }
0x56: {  	_ =	shalt  }
0x57: {  	_ =	shalt  }
0x58: {  	_ =	shalt  }
0x59: {  	_ =	shalt  }
0x5a: {  	_ =	shalt  }
0x5b: {  	_ =	shalt  }
0x5c: {  	_ =	shalt  }
0x5d: {  	_ =	shalt  }
0x5e: {  	_ =	shalt  }
0x5f: {  	_ =	shalt  }
0x60: {  	_ =	shalt  }
0x61: {  	_ =	shalt  }
0x62: {  	_ =	shalt  }
0x63: {  	_ =	shalt  }
0x64: {  	_ =	shalt  }
0x65: {  	_ =	shalt  }
0x66: {  	_ =	shalt  }
0x67: {  	_ =	shalt  }
0x68: {  	_ =	shalt  }
0x69: {  	_ =	shalt  }
0x6a: {  	_ =	shalt  }
0x6b: {  	_ =	shalt  }
0x6c: {  	_ =	shalt  }
0x6d: {  	_ =	shalt  }
0x6e: {  	_ =	shalt  }
0x6f: {  	_ =	shalt  }
0x70: {  	_ =	shalt  }
0x71: {  	_ =	shalt  }
0x72: {  	_ =	shalt  }
0x73: {  	_ =	shalt  }
0x74: {  	_ =	shalt  }
0x75: {  	_ =	shalt  }
0x76: {  	_ =	shalt  }
0x77: {  	_ =	shalt  }
0x78: {  	_ =	shalt  }
0x79: {  	_ =	shalt  }
0x7a: {  	_ =	shalt  }
0x7b: {  	_ =	shalt  }
0x7c: {  	_ =	shalt  }
0x7d: {  	_ =	shalt  }
0x7e: {  	_ =	shalt  }
0x7f: {  	_ =	shalt  }
0x80: {  	_ =	shalt  }
0x81: {  	_ =	shalt  }
0x82: {  	_ =	shalt  }
0x83: {  	_ =	shalt  }
0x84: {  	_ =	shalt  }
0x85: {  	_ =	shalt  }
0x86: {  	_ =	shalt  }
0x87: {  	_ =	shalt  }
.Lfunc_end0:
.L_simem_size_0:
called_computation.1_lowered:
.L_overlay_start_0:
0x88: {  	s2 =	sld [smem:$0x3FD9]  }
0x89: {  	s3 =	sld [smem:$0x3FFE];
	_ =	sdelay $0x1  }
0x8a: {  	s1 =	srdreg.scid  }
0x8b: {  	s0 =	sand.u32 $0x1, s1  }
0x8c: {  	s16 =	sshll.u32 s0, $0xA;
	s2 =	sadd.s32 s3, s2  }
0x8d: {  	s2 =	sadd.s32 s2, s16  }
0x8e: {  	[smem:$0x3FC6] =	sst s2  }
0x8f: {  	_ = 	snop  }
0x90: {  	(tm) =	ssettm $0x1  }
0x91: {  	s17 =	sld [smem:$0x3FFB];
	_ =	sdelay $0x3  }
0x92: {  	_ =	strace s17  }
0x93: {  	s2 =	sld [smem:$0x3FFC];
	_ =	sdelay $0x3  }
0x94: {  	_ =	strace s2  }
0x95: {  	s2 =	sld [smem:$0x3FFD];
	_ =	sdelay $0x3  }
0x96: {  	_ =	strace s2  }
0x97: {  	_ =	strace $0x8FFFFFFF  }
0x98: {  	s18 =	sld [smem:$0x3FDB];
	_ =	sdelay $0x1  }
0x99: {  	s19 =	simm.s32 $_scs_section_size  }
0x9a: {  	s4 =	simm.s32 $_size__tile_overlayer_lowered;
	s5 =	simm.s32 $_tile_overlayer_lowered  }
0x9b: {  	s22 =	simm.s32 $0x1BFF;
	s21 =	sshll.u32 s5, $0x1;
	s2 =	sadd.s32 s19, s18  }
0x9c: {  	s6 =	simm.s32 $0x0;
	s20 =	sshll.u32 s4, $0x1;
	s4 =	sadd.s32 s21, s2  }
0x9d: {  	[timem:s6], [sflag:s22] =	dma.local [hbm:s4], s20  }
0x9e: {  	_ =	swait.ge [sflag:s22], s20  }
0x9f: {  	s3 =	ssub.s32 $0x0, s20;
	[sflag:s22] =	ssyncset.done $0x0  }
0xa0: {  	[sflag:s22] =	ssyncadd.s32 s3;
	_ =	sdelay $0x1  }
0xa1: {  	s23 =	simm.s32 $0x1B8B  }
0xa2: {  	_ =	swait.ge [sflag:s23], $0x1  }
0xa3: {  	[sflag:s23] =	ssyncset.done $0x0  }
0xa4: {  	s25 =	simm.s32 $0x1B8E;
	s24 =	sld [smem:$0x3FFE];
	[sflag:s23] =	ssyncadd.s32 $0xFFFFFFFF  }
0xa5: {  	s26 =	simm.s32 $execute0_lowered;
	[smem:$0x3FD2] =	sst s25  }
0xa6: {  	s4 =	sshll.u32 s26, $0x1;
	_ =	strace $0x80000046;
	[dreg:$0x1] =	wrdreg $0xFFFFFFFF  }
0xa7: {  	s28 =	simm.s32 $_size_execute0_lowered;
	s2 =	sadd.s32 s2, s4;
	[dreg:$0x0] =	wrdreg $0x0  }
0xa8: {  	s4 =	sshll.u32 s28, $0x1;
	[dreg:$0x2] =	wrdreg s2  }
0xa9: {  	[dreg:$0x3] =	wrdreg s4  }
0xaa: {  	[dreg:$0x4] =	wrdreg $0xC0  }
0xab: {  	_ =	task [dreg:s6], $0x5FFFF  }
0xac: {  	[dreg:$0x1] =	wrdreg $0xFFFFFFFF  }
0xad: {  	[dreg:$0x0] =	wrdreg $0x60  }
0xae: {  	[dreg:$0x2] =	wrdreg s24  }
0xaf: {  	[dreg:$0x3] =	wrdreg $0x9  }
0xb0: {  	_ =	task.clear_ibuf [dreg:s6], $0x4FFFF;
	_ =	strace $0x90000046  }
0xb1: {  	s29 =	simm.s32 $0x9;
	_ =	strace $0x80000048  }
0xb2: {  	_ =	swait.ge [sflag:s29], $0x1  }
0xb3: {  	[sflag:s29] =	ssyncadd.s32 $0xFFFFFFFF  }
0xb4: {  	_ =	strace $0x90000048  }
0xb5: {  	_ =	sfence  }
0xb6: {  	s30 =	sld [smem:$0x0];
	_ =	sdelay $0x2  }
0xb7: {  	s31 =	sshll.u32 s1, $0xD;
	s1 =	sshrl.u32 s1, $0x2  }
0xb8: {  	s3 =	sand.u32 $0x4000, s31;
	s1 =	sadd.s32 s1, s30  }
0xb9: {  	s0 =	sor.u32 s3, s0;
	s1 =	sshll.u32 s1, $0x11  }
0xba: {  	s0 =	sor.u32 s1, s0  }
0xbb: {  	s0 =	sadd.s32 $0x8F2B, s0  }
0xbc: {  	[sflag:s0] =	ssyncadd.remote.s32 $0x1  }
0xbd: {  	_ =	sfence.sel $0xFFFF  }
0xbe: {  	[dreg:$0x0] =	wrdreg $0xFFFFFFFF;
	(pc) =	sbr.abs _section_cstart, $3  }
0xbf: {  	[dreg:$0x1] =	wrdreg $0xFFFFFFFF  }
0xc0: {  	_ =	task.clear_ibuf [dreg:s6], $0x2FFFF;
	_ =	strace $0x9FFFFFFF  }
0xc1: {  	(tm) =	ssettm $0x7FFFFFFF  }
tec
execute0_lowered:
.L_overlay_start_1:
0x0: {  	(tag) =	ssettag $0x1  }
0x1: {  	s0 =	rddreg [dreg:$0x0];
	s10 =	stileid.u32  }
0x2: {  	s1 =	srdreg.scid;
	s2 =	simm.s32 $0x0;
	s17 =	smul.u32 $0x1A00, s10  }
0x3: {  	s28 =	simm.s32 $0x680;
	s1 =	sand.u32 $0x1, s1;
	s22 =	smul.u32 $0x64000, s10  }
0x4: {  	s29 =	simm.s32 $0x4;
	s3 =	sshll.u32 s10, $0x1;
	s20 =	smul.u32 $0xD00, s1  }
0x5: {  	s4 =	sor.u32 s1, s3;
	s7 =	ssub.s32 $0x2, s1;
	s1 =	smul.u32 $0x32000, s1  }
0x6: {  	s30 =	simm.s32 $0x13280;
	[smem:$0x7FF] =	sst s2;
	s5 =	smul.u32 $0xD00, s4  }
0x7: {  	s6 =	sadd.s32 $0xA00, s0;
	_ =	strace $0x80000047;
	s12 =	smul.u32 $0x6800, s4  }
0x8: {  	s3 =	sadd.s32 $0x1AA00, s0;
	s0 =	sadd.s32 $0xDE000, s0;
	s14 =	smul.u32 $0x32000, s4  }
0x9: {  	s8 =	sshrl.u32 s7, $0x1;
	s4 =	smul.u32 $0x190000, s4;
	s9 =	sadd.s32 s6, s5  }
0xa: {  	s7 =	ssub.s32 s7, s8;
	s8 =	sadd.s32 s0, s14;
	[dreg:$0x3] =	wrdreg s9  }
0xb: {  	s5 =	sshrl.u32 s12, $0x3;
	s31 =	smax.u32 s7, $0x1;
	[dreg:$0x8] =	wrdreg s8  }
0xc: {  	s4 =	sshrl.u32 s4, $0x3;
	s13 =	sadd.s32 $0x34, s9;
	[dreg:$0x13] =	wrdreg s31  }
0xd: {  	s7 =	simm.s32 $0x6A80;
	s11 =	sadd.s32 $0x68, s9;
	[dreg:$0x4] =	wrdreg s13  }
0xe: {  	s12 =	simm.s32 $0x9;
	s15 =	sadd.s32 $0x9C, s9;
	[dreg:$0x5] =	wrdreg s11  }
0xf: {  	s14 =	simm.s32 $0xA;
	s9 =	sadd.s32 $0xD0, s9;
	[dreg:$0x6] =	wrdreg s15  }
0x10: {  	s5 =	sadd.s32 s6, s5;
	s8 =	sadd.s32 $0xC80, s8;
	[dreg:$0x7] =	wrdreg s9  }
0x11: {  	s4 =	sadd.s32 s0, s4;
	s16 =	sadd.s32 $0x104, s5;
	[dreg:$0xa] =	wrdreg s8  }
0x12: {  	s6 =	sadd.s32 s17, s6;
	s18 =	sadd.s32 $0xC98, s5;
	[dreg:$0x9] =	wrdreg s16  }
0x13: {  	s0 =	sadd.s32 s22, s0;
	s19 =	sadd.s32 $0x2D500, s4;
	[dreg:$0xb] =	wrdreg s18  }
0x14: {  	s22 =	simm.s32 $0x1A0;
	s5 =	sadd.s32 $0xCCC, s5;
	[dreg:$0xc] =	wrdreg s19  }
0x15: {  	s17 =	simm.s32 $0x8;
	s21 =	sadd.s32 $0x2E180, s4;
	[dreg:$0xd] =	wrdreg s5  }
0x16: {  	s23 =	sadd.s32 $0x2EE00, s4;
	s24 =	sadd.s32 $0x2FA80, s4;
	[dreg:$0xe] =	wrdreg s21  }
0x17: {  	s25 =	sadd.s32 $0x30700, s4;
	s4 =	sadd.s32 $0x31380, s4;
	[dreg:$0xf] =	wrdreg s23  }
0x18: {  	s26 =	sadd.s32 s20, s6;
	s0 =	sadd.s32 s1, s0;
	[dreg:$0x10] =	wrdreg s24  }
0x19: {  	s6 =	simm.s32 $0x2;
	s15 =	simm.s32 $0x3;
	[dreg:$0x11] =	wrdreg s25  }
0x1a: {  	s11 =	simm.s32 $0x6;
	s13 =	simm.s32 $0x7;
	[dreg:$0x12] =	wrdreg s4  }
0x1b: {  	s1 =	simm.s32 $0x0;
	[dreg:$0x2] =	wrdreg s26;
	s0 =	sadd.s32 $0x3E80, s0  }
0x1c: {  	s23 =	simm.s32 $0x340;
	s24 =	simm.s32 $0x4E0;
	s25 =	simm.s32 $0x1  }
0x1d: {  	s26 =	simm.s32 $0x64;
	s16 =	simm.s32 $0xCE80;
	s21 =	simm.s32 $0x5  }
0x1e: {  	s18 =	simm.s32 $0xB;
	s19 =	simm.s32 $0xC;
	[dreg:$0x14] =	wrdreg s0  }
.LBB2_1:
0x1f: {  	[dreg:$0x15] =	wrdreg s1  }
0x20: {  	s0 =	rddreg [dreg:$0x3]  }
0x21: {  	[tilespmem:s2], [sflag:$0x1] =	stream.linear.gather [hbm4b:s0+s2], $0x1A0, $0x38;
	[tilespmem:$0x19680] =	vst v63  }
0x22: {  	s1 =	rddreg [dreg:$0x4]  }
0x23: {  	[tilespmem:s22], [sflag:$0x2] =	stream.linear.gather [hbm4b:s1+s2], $0x1A0, $0x38;
	[tilespmem:$0x19680] =	vst v63  }
0x24: {  	s4 =	rddreg [dreg:$0x5]  }
0x25: {  	[tilespmem:s23], [sflag:$0x3] =	stream.linear.gather [hbm4b:s4+s2], $0x1A0, $0x38;
	[tilespmem:$0x19680] =	vst v63  }
0x26: {  	s5 =	rddreg [dreg:$0x6]  }
0x27: {  	[tilespmem:s24], [sflag:$0x4] =	stream.linear.gather [hbm4b:s5+s2], $0x1A0, $0x38;
	[tilespmem:$0x19680] =	vst v63  }
0x28: {  	_ =	swait.ge [sflag:s25], $0x1A0  }
0x29: {  	[sflag:s25] =	ssyncset.done $0x0  }
0x2a: {  	[sflag:s25] =	ssyncadd.s32 $0xFFFFFE60  }
0x2b: {  	[tilespmem:s28], [sflag:$0x5] =	stream.indirect.gather [hbm4b:s3+s26], $0x40, s2, s26, $0xb8;
	[tilespmem:$0x19680] =	vst v63  }
0x2c: {  	s9 =	simm.s32 $0x1F80;
	s4 =	simm.s32 $0x68  }
0x2d: {  	[tilespmem:s9], [sflag:$0x5] =	stream.indirect.gather [hbm4b:s3+s26], $0x40, s4, s26, $0xb8;
	[tilespmem:$0x19680] =	vst v63  }
0x2e: {  	s20 =	simm.s32 $0xD0;
	s31 =	simm.s32 $0x3880  }
0x2f: {  	[tilespmem:s31], [sflag:$0x5] =	stream.indirect.gather [hbm4b:s3+s26], $0x40, s20, s26, $0xb8;
	[tilespmem:$0x19680] =	vst v63  }
0x30: {  	s8 =	simm.s32 $0x138;
	s1 =	simm.s32 $0x5180  }
0x31: {  	[tilespmem:s1], [sflag:$0x5] =	stream.indirect.gather [hbm4b:s3+s26], $0x40, s8, s26, $0xb8;
	[tilespmem:$0x19680] =	vst v63  }
0x32: {  	_ =	swait.ge [sflag:s6], $0x1A0  }
0x33: {  	[sflag:s6] =	ssyncset.done $0x0  }
0x34: {  	[sflag:s6] =	ssyncadd.s32 $0xFFFFFE60  }
0x35: {  	[tilespmem:s7], [sflag:$0x6] =	stream.indirect.gather [hbm4b:s3+s26], $0x40, s22, s26, $0xb8;
	[tilespmem:$0x19680] =	vst v63  }
0x36: {  	s10 =	simm.s32 $0x208;
	s5 =	simm.s32 $0x8380  }
0x37: {  	[tilespmem:s5], [sflag:$0x6] =	stream.indirect.gather [hbm4b:s3+s26], $0x40, s10, s26, $0xb8;
	[tilespmem:$0x19680] =	vst v63  }
0x38: {  	s5 =	simm.s32 $0x270;
	s10 =	simm.s32 $0x9C80  }
0x39: {  	[tilespmem:s10], [sflag:$0x6] =	stream.indirect.gather [hbm4b:s3+s26], $0x40, s5, s26, $0xb8;
	[tilespmem:$0x19680] =	vst v63  }
0x3a: {  	s5 =	simm.s32 $0x2D8;
	s10 =	simm.s32 $0xB580  }
0x3b: {  	[tilespmem:s10], [sflag:$0x6] =	stream.indirect.gather [hbm4b:s3+s26], $0x40, s5, s26, $0xb8;
	[tilespmem:$0x19680] =	vst v63  }
0x3c: {  	_ =	swait.ge [sflag:s15], $0x1A0  }
0x3d: {  	[sflag:s15] =	ssyncset.done $0x0  }
0x3e: {  	[sflag:s15] =	ssyncadd.s32 $0xFFFFFE60  }
0x3f: {  	[tilespmem:s16], [sflag:$0x7] =	stream.indirect.gather [hbm4b:s3+s26], $0x40, s23, s26, $0xb8;
	[tilespmem:$0x19680] =	vst v63  }
0x40: {  	s10 =	simm.s32 $0x3A8;
	s5 =	simm.s32 $0xE780  }
0x41: {  	[tilespmem:s5], [sflag:$0x7] =	stream.indirect.gather [hbm4b:s3+s26], $0x40, s10, s26, $0xb8;
	[tilespmem:$0x19680] =	vst v63  }
0x42: {  	s0 =	simm.s32 $0x410;
	s5 =	simm.s32 $0x10080  }
0x43: {  	[tilespmem:s5], [sflag:$0x7] =	stream.indirect.gather [hbm4b:s3+s26], $0x40, s0, s26, $0xb8;
	[tilespmem:$0x19680] =	vst v63  }
0x44: {  	s0 =	simm.s32 $0x478;
	s5 =	simm.s32 $0x11980  }
0x45: {  	[tilespmem:s5], [sflag:$0x7] =	stream.indirect.gather [hbm4b:s3+s26], $0x40, s0, s26, $0xb8;
	[tilespmem:$0x19680] =	vst v63  }
0x46: {  	_ =	swait.ge [sflag:s21], $0x1900  }
0x47: {  	[sflag:s21] =	ssyncset.done $0x0  }
0x48: {  	[sflag:s21] =	ssyncadd.s32 $0xFFFFE700  }
0x49: {  	_ =	swait.ge [sflag:s21], $0x1900  }
0x4a: {  	[sflag:s21] =	ssyncset.done $0x0  }
0x4b: {  	[sflag:s21] =	ssyncadd.s32 $0xFFFFE700  }
0x4c: {  	_ =	swait.ge [sflag:s21], $0x1900  }
0x4d: {  	[sflag:s21] =	ssyncset.done $0x0  }
0x4e: {  	[sflag:s21] =	ssyncadd.s32 $0xFFFFE700  }
0x4f: {  	_ =	swait.ge [sflag:s21], $0x1900  }
0x50: {  	[sflag:s21] =	ssyncset.done $0x0  }
0x51: {  	s5 =	rddreg [dreg:$0x7];
	[sflag:s21] =	ssyncadd.s32 $0xFFFFE700  }
0x52: {  	[tilespmem:s2], [sflag:$0x1] =	stream.linear.gather [hbm4b:s5+s2], $0x1A0, $0x38;
	[tilespmem:$0x19680] =	vst v63  }
0x53: {  	s5 =	rddreg [dreg:$0x8]  }
0x54: {  	[hbm4b:s5+s2] =	stream.linear.scatter [tilespmem:s28], [sflag:$0x9], $0x6400, $0x38;
	[tilespmem:$0x19680] =	vst v63  }
0x55: {  	_ =	swait.ge [sflag:s29], $0x1A0  }
0x56: {  	[sflag:s29] =	ssyncset.done $0x0  }
0x57: {  	[sflag:s29] =	ssyncadd.s32 $0xFFFFFE60  }
0x58: {  	[tilespmem:s30], [sflag:$0x8] =	stream.indirect.gather [hbm4b:s3+s26], $0x40, s24, s26, $0xb8;
	[tilespmem:$0x19680] =	vst v63  }
0x59: {  	s0 =	simm.s32 $0x14B80;
	s5 =	simm.s32 $0x548  }
0x5a: {  	[tilespmem:s0], [sflag:$0x8] =	stream.indirect.gather [hbm4b:s3+s26], $0x40, s5, s26, $0xb8;
	[tilespmem:$0x19680] =	vst v63  }
0x5b: {  	s0 =	simm.s32 $0x5B0;
	s5 =	simm.s32 $0x16480  }
0x5c: {  	[tilespmem:s5], [sflag:$0x8] =	stream.indirect.gather [hbm4b:s3+s26], $0x40, s0, s26, $0xb8;
	[tilespmem:$0x19680] =	vst v63  }
0x5d: {  	s0 =	simm.s32 $0x618;
	s5 =	simm.s32 $0x17D80  }
0x5e: {  	[tilespmem:s5], [sflag:$0x8] =	stream.indirect.gather [hbm4b:s3+s26], $0x40, s0, s26, $0xb8;
	[tilespmem:$0x19680] =	vst v63  }
0x5f: {  	_ =	swait.ge [sflag:s11], $0x1900  }
0x60: {  	[sflag:s11] =	ssyncset.done $0x0  }
0x61: {  	[sflag:s11] =	ssyncadd.s32 $0xFFFFE700  }
0x62: {  	_ =	swait.ge [sflag:s11], $0x1900  }
0x63: {  	[sflag:s11] =	ssyncset.done $0x0  }
0x64: {  	[sflag:s11] =	ssyncadd.s32 $0xFFFFE700  }
0x65: {  	_ =	swait.ge [sflag:s11], $0x1900  }
0x66: {  	[sflag:s11] =	ssyncset.done $0x0  }
0x67: {  	[sflag:s11] =	ssyncadd.s32 $0xFFFFE700  }
0x68: {  	_ =	swait.ge [sflag:s11], $0x1900  }
0x69: {  	[sflag:s11] =	ssyncset.done $0x0  }
0x6a: {  	s5 =	rddreg [dreg:$0x9];
	[sflag:s11] =	ssyncadd.s32 $0xFFFFE700  }
0x6b: {  	[tilespmem:s22], [sflag:$0x2] =	stream.linear.gather [hbm4b:s5+s2], $0x1A0, $0x38;
	[tilespmem:$0x19680] =	vst v63  }
0x6c: {  	s5 =	rddreg [dreg:$0xa]  }
0x6d: {  	[hbm4b:s5+s2] =	stream.linear.scatter [tilespmem:s7], [sflag:$0xA], $0x6400, $0x38;
	[tilespmem:$0x19680] =	vst v63  }
0x6e: {  	_ =	swait.ge [sflag:s12], $0x6400  }
0x6f: {  	[sflag:s12] =	ssyncset.done $0x0  }
0x70: {  	[sflag:s12] =	ssyncadd.s32 $0xFFFF9C00  }
0x71: {  	_ =	swait.ge [sflag:s25], $0x1A0  }
0x72: {  	[sflag:s25] =	ssyncset.done $0x0  }
0x73: {  	[sflag:s25] =	ssyncadd.s32 $0xFFFFFE60  }
0x74: {  	[tilespmem:s28], [sflag:$0x5] =	stream.indirect.gather [hbm4b:s3+s26], $0x40, s2, s26, $0xb8;
	[tilespmem:$0x19680] =	vst v63  }
0x75: {  	_ = 	snop  }
0x76: {  	[tilespmem:s9], [sflag:$0x5] =	stream.indirect.gather [hbm4b:s3+s26], $0x40, s4, s26, $0xb8;
	[tilespmem:$0x19680] =	vst v63  }
0x77: {  	_ = 	snop  }
0x78: {  	[tilespmem:s31], [sflag:$0x5] =	stream.indirect.gather [hbm4b:s3+s26], $0x40, s20, s26, $0xb8;
	[tilespmem:$0x19680] =	vst v63  }
0x79: {  	s8 =	simm.s32 $0x138  }
0x7a: {  	[tilespmem:s1], [sflag:$0x5] =	stream.indirect.gather [hbm4b:s3+s26], $0x40, s8, s26, $0xb8;
	[tilespmem:$0x19680] =	vst v63  }
0x7b: {  	_ =	swait.ge [sflag:s13], $0x1900  }
0x7c: {  	[sflag:s13] =	ssyncset.done $0x0  }
0x7d: {  	[sflag:s13] =	ssyncadd.s32 $0xFFFFE700  }
0x7e: {  	_ =	swait.ge [sflag:s13], $0x1900  }
0x7f: {  	[sflag:s13] =	ssyncset.done $0x0  }
0x80: {  	[sflag:s13] =	ssyncadd.s32 $0xFFFFE700  }
0x81: {  	_ =	swait.ge [sflag:s13], $0x1900  }
0x82: {  	[sflag:s13] =	ssyncset.done $0x0  }
0x83: {  	[sflag:s13] =	ssyncadd.s32 $0xFFFFE700  }
0x84: {  	_ =	swait.ge [sflag:s13], $0x1900  }
0x85: {  	s1 =	rddreg [dreg:$0x2]  }
0x86: {  	[sflag:s13] =	ssyncset.done $0x0;
	s4 =	sadd.s32 $0x0, s1  }
0x87: {  	s0 =	rddreg [dreg:$0x14];
	[sflag:s13] =	ssyncadd.s32 $0xFFFFE700;
	s5 =	sadd.s32 $0x138, s4  }
0x88: {  	[tilespmem:s23], [sflag:$0x3] =	stream.linear.gather [hbm4b:s5+s2], $0x1A0, $0x38;
	[tilespmem:$0x19680] =	vst v63  }
0x89: {  	s8 =	sadd.s32 $0xFFFFDA80, s0  }
0x8a: {  	[hbm4b:s8+s2] =	stream.linear.scatter [tilespmem:s16], [sflag:$0xB], $0x6400, $0x38;
	[tilespmem:$0x19680] =	vst v63  }
0x8b: {  	_ =	swait.ge [sflag:s14], $0x6400  }
0x8c: {  	[sflag:s14] =	ssyncset.done $0x0  }
0x8d: {  	[sflag:s14] =	ssyncadd.s32 $0xFFFF9C00  }
0x8e: {  	_ =	swait.ge [sflag:s6], $0x1A0  }
0x8f: {  	[sflag:s6] =	ssyncset.done $0x0  }
0x90: {  	[sflag:s6] =	ssyncadd.s32 $0xFFFFFE60  }
0x91: {  	[tilespmem:s7], [sflag:$0x6] =	stream.indirect.gather [hbm4b:s3+s26], $0x40, s22, s26, $0xb8;
	[tilespmem:$0x19680] =	vst v63  }
0x92: {  	s20 =	simm.s32 $0x208;
	s31 =	simm.s32 $0x8380  }
0x93: {  	[tilespmem:s31], [sflag:$0x6] =	stream.indirect.gather [hbm4b:s3+s26], $0x40, s20, s26, $0xb8;
	[tilespmem:$0x19680] =	vst v63  }
0x94: {  	s9 =	simm.s32 $0x9C80;
	s8 =	simm.s32 $0x270  }
0x95: {  	[tilespmem:s9], [sflag:$0x6] =	stream.indirect.gather [hbm4b:s3+s26], $0x40, s8, s26, $0xb8;
	[tilespmem:$0x19680] =	vst v63  }
0x96: {  	s20 =	simm.s32 $0x2D8;
	s31 =	simm.s32 $0xB580  }
0x97: {  	[tilespmem:s31], [sflag:$0x6] =	stream.indirect.gather [hbm4b:s3+s26], $0x40, s20, s26, $0xb8;
	[tilespmem:$0x19680] =	vst v63  }
0x98: {  	_ =	swait.ge [sflag:s17], $0x1900  }
0x99: {  	[sflag:s17] =	ssyncset.done $0x0  }
0x9a: {  	[sflag:s17] =	ssyncadd.s32 $0xFFFFE700  }
0x9b: {  	_ =	swait.ge [sflag:s17], $0x1900  }
0x9c: {  	[sflag:s17] =	ssyncset.done $0x0  }
0x9d: {  	[sflag:s17] =	ssyncadd.s32 $0xFFFFE700  }
0x9e: {  	_ =	swait.ge [sflag:s17], $0x1900  }
0x9f: {  	[sflag:s17] =	ssyncset.done $0x0  }
0xa0: {  	[sflag:s17] =	ssyncadd.s32 $0xFFFFE700  }
0xa1: {  	_ =	swait.ge [sflag:s17], $0x1900  }
0xa2: {  	[sflag:s17] =	ssyncset.done $0x0  }
0xa3: {  	s1 =	sadd.s32 $0x16C, s4;
	[sflag:s17] =	ssyncadd.s32 $0xFFFFE700  }
0xa4: {  	[tilespmem:s24], [sflag:$0x4] =	stream.linear.gather [hbm4b:s1+s2], $0x1A0, $0x38;
	[tilespmem:$0x19680] =	vst v63  }
0xa5: {  	s5 =	sadd.s32 $0xFFFFE700, s0  }
0xa6: {  	[hbm4b:s5+s2] =	stream.linear.scatter [tilespmem:s30], [sflag:$0xC], $0x6400, $0x38;
	[tilespmem:$0x19680] =	vst v63  }
0xa7: {  	_ =	swait.ge [sflag:s18], $0x6400  }
0xa8: {  	[sflag:s18] =	ssyncset.done $0x0  }
0xa9: {  	[sflag:s18] =	ssyncadd.s32 $0xFFFF9C00  }
0xaa: {  	_ =	swait.ge [sflag:s15], $0x1A0  }
0xab: {  	[sflag:s15] =	ssyncset.done $0x0  }
0xac: {  	[sflag:s15] =	ssyncadd.s32 $0xFFFFFE60  }
0xad: {  	[tilespmem:s16], [sflag:$0x7] =	stream.indirect.gather [hbm4b:s3+s26], $0x40, s23, s26, $0xb8;
	[tilespmem:$0x19680] =	vst v63  }
0xae: {  	s8 =	simm.s32 $0xE780  }
0xaf: {  	[tilespmem:s8], [sflag:$0x7] =	stream.indirect.gather [hbm4b:s3+s26], $0x40, s10, s26, $0xb8;
	[tilespmem:$0x19680] =	vst v63  }
0xb0: {  	s9 =	simm.s32 $0x410;
	s10 =	simm.s32 $0x10080  }
0xb1: {  	[tilespmem:s10], [sflag:$0x7] =	stream.indirect.gather [hbm4b:s3+s26], $0x40, s9, s26, $0xb8;
	[tilespmem:$0x19680] =	vst v63  }
0xb2: {  	s20 =	simm.s32 $0x478;
	s31 =	simm.s32 $0x11980  }
0xb3: {  	[tilespmem:s31], [sflag:$0x7] =	stream.indirect.gather [hbm4b:s3+s26], $0x40, s20, s26, $0xb8;
	[tilespmem:$0x19680] =	vst v63  }
0xb4: {  	_ =	swait.ge [sflag:s21], $0x1900  }
0xb5: {  	[sflag:s21] =	ssyncset.done $0x0  }
0xb6: {  	[sflag:s21] =	ssyncadd.s32 $0xFFFFE700  }
0xb7: {  	_ =	swait.ge [sflag:s21], $0x1900  }
0xb8: {  	[sflag:s21] =	ssyncset.done $0x0  }
0xb9: {  	[sflag:s21] =	ssyncadd.s32 $0xFFFFE700  }
0xba: {  	_ =	swait.ge [sflag:s21], $0x1900  }
0xbb: {  	[sflag:s21] =	ssyncset.done $0x0  }
0xbc: {  	[sflag:s21] =	ssyncadd.s32 $0xFFFFE700  }
0xbd: {  	_ =	swait.ge [sflag:s21], $0x1900  }
0xbe: {  	[sflag:s21] =	ssyncset.done $0x0  }
0xbf: {  	s1 =	sadd.s32 $0x1A0, s4;
	[sflag:s21] =	ssyncadd.s32 $0xFFFFE700  }
0xc0: {  	[tilespmem:s2], [sflag:$0x1] =	stream.linear.gather [hbm4b:s1+s2], $0x1A0, $0x38;
	[tilespmem:$0x19680] =	vst v63  }
0xc1: {  	s5 =	sadd.s32 $0xFFFFF380, s0  }
0xc2: {  	[hbm4b:s5+s2] =	stream.linear.scatter [tilespmem:s28], [sflag:$0x9], $0x6400, $0x38;
	[tilespmem:$0x19680] =	vst v63  }
0xc3: {  	_ =	swait.ge [sflag:s19], $0x6400  }
0xc4: {  	[sflag:s19] =	ssyncset.done $0x0  }
0xc5: {  	[sflag:s19] =	ssyncadd.s32 $0xFFFF9C00  }
0xc6: {  	_ =	swait.ge [sflag:s29], $0x1A0  }
0xc7: {  	[sflag:s29] =	ssyncset.done $0x0  }
0xc8: {  	[sflag:s29] =	ssyncadd.s32 $0xFFFFFE60  }
0xc9: {  	[tilespmem:s30], [sflag:$0x8] =	stream.indirect.gather [hbm4b:s3+s26], $0x40, s24, s26, $0xb8;
	[tilespmem:$0x19680] =	vst v63  }
0xca: {  	s8 =	simm.s32 $0x14B80;
	s9 =	simm.s32 $0x548  }
0xcb: {  	[tilespmem:s8], [sflag:$0x8] =	stream.indirect.gather [hbm4b:s3+s26], $0x40, s9, s26, $0xb8;
	[tilespmem:$0x19680] =	vst v63  }
0xcc: {  	s20 =	simm.s32 $0x5B0;
	s31 =	simm.s32 $0x16480  }
0xcd: {  	[tilespmem:s31], [sflag:$0x8] =	stream.indirect.gather [hbm4b:s3+s26], $0x40, s20, s26, $0xb8;
	[tilespmem:$0x19680] =	vst v63  }
0xce: {  	s20 =	simm.s32 $0x618;
	s31 =	simm.s32 $0x17D80  }
0xcf: {  	[tilespmem:s31], [sflag:$0x8] =	stream.indirect.gather [hbm4b:s3+s26], $0x40, s20, s26, $0xb8;
	[tilespmem:$0x19680] =	vst v63  }
0xd0: {  	_ =	swait.ge [sflag:s11], $0x1900  }
0xd1: {  	[sflag:s11] =	ssyncset.done $0x0  }
0xd2: {  	[sflag:s11] =	ssyncadd.s32 $0xFFFFE700  }
0xd3: {  	_ =	swait.ge [sflag:s11], $0x1900  }
0xd4: {  	[sflag:s11] =	ssyncset.done $0x0  }
0xd5: {  	[sflag:s11] =	ssyncadd.s32 $0xFFFFE700  }
0xd6: {  	_ =	swait.ge [sflag:s11], $0x1900  }
0xd7: {  	[sflag:s11] =	ssyncset.done $0x0  }
0xd8: {  	[sflag:s11] =	ssyncadd.s32 $0xFFFFE700  }
0xd9: {  	_ =	swait.ge [sflag:s11], $0x1900  }
0xda: {  	s4 =	sadd.s32 $0x1D4, s4;
	s10 =	simm.s32 $0x548;
	[sflag:s11] =	ssyncset.done $0x0  }
0xdb: {  	s5 =	simm.s32 $0x14B80;
	s8 =	simm.s32 $0x16480;
	[sflag:s11] =	ssyncadd.s32 $0xFFFFE700  }
0xdc: {  	[tilespmem:s22], [sflag:$0x2] =	stream.linear.gather [hbm4b:s4+s2], $0x1A0, $0x38;
	[tilespmem:$0x19680] =	vst v63  }
0xdd: {  	s9 =	simm.s32 $0xD0;
	s20 =	sadd.s32 $0x3200, s0;
	s4 =	smov.u32 s0  }
.LBB2_2:
0xde: {  	[hbm4b:s4+s2] =	stream.linear.scatter [tilespmem:s7], [sflag:$0xA], $0x6400, $0x38;
	[tilespmem:$0x19680] =	vst v63  }
0xdf: {  	_ =	swait.ge [sflag:s12], $0x6400  }
0xe0: {  	[sflag:s12] =	ssyncset.done $0x0  }
0xe1: {  	[sflag:s12] =	ssyncadd.s32 $0xFFFF9C00  }
0xe2: {  	_ =	swait.ge [sflag:s25], $0x1A0  }
0xe3: {  	[sflag:s25] =	ssyncset.done $0x0  }
0xe4: {  	[sflag:s25] =	ssyncadd.s32 $0xFFFFFE60  }
0xe5: {  	[tilespmem:s28], [sflag:$0x5] =	stream.indirect.gather [hbm4b:s3+s26], $0x40, s2, s26, $0xb8;
	[tilespmem:$0x19680] =	vst v63  }
0xe6: {  	s0 =	simm.s32 $0x68;
	s1 =	simm.s32 $0x1F80  }
0xe7: {  	[tilespmem:s1], [sflag:$0x5] =	stream.indirect.gather [hbm4b:s3+s26], $0x40, s0, s26, $0xb8;
	[tilespmem:$0x19680] =	vst v63  }
0xe8: {  	s0 =	simm.s32 $0xD0;
	s1 =	simm.s32 $0x3880  }
0xe9: {  	[tilespmem:s1], [sflag:$0x5] =	stream.indirect.gather [hbm4b:s3+s26], $0x40, s0, s26, $0xb8;
	[tilespmem:$0x19680] =	vst v63  }
0xea: {  	s0 =	simm.s32 $0x138;
	s1 =	simm.s32 $0x5180  }
0xeb: {  	[tilespmem:s1], [sflag:$0x5] =	stream.indirect.gather [hbm4b:s3+s26], $0x40, s0, s26, $0xb8;
	[tilespmem:$0x19680] =	vst v63  }
0xec: {  	_ =	swait.ge [sflag:s13], $0x1900  }
0xed: {  	[sflag:s13] =	ssyncset.done $0x0  }
0xee: {  	[sflag:s13] =	ssyncadd.s32 $0xFFFFE700  }
0xef: {  	_ =	swait.ge [sflag:s13], $0x1900  }
0xf0: {  	[sflag:s13] =	ssyncset.done $0x0  }
0xf1: {  	[sflag:s13] =	ssyncadd.s32 $0xFFFFE700  }
0xf2: {  	_ =	swait.ge [sflag:s13], $0x1900  }
0xf3: {  	[sflag:s13] =	ssyncset.done $0x0  }
0xf4: {  	[sflag:s13] =	ssyncadd.s32 $0xFFFFE700  }
0xf5: {  	_ =	swait.ge [sflag:s13], $0x1900  }
0xf6: {  	s31 =	smov.u32 s9;
	s1 =	rddreg [dreg:$0x2]  }
0xf7: {  	[sflag:s13] =	ssyncset.done $0x0;
	s31 =	sadd.s32 s31, s1  }
0xf8: {  	[sflag:s13] =	ssyncadd.s32 $0xFFFFE700;
	s0 =	sadd.s32 $0x138, s31  }
0xf9: {  	[tilespmem:s23], [sflag:$0x3] =	stream.linear.gather [hbm4b:s0+s2], $0x1A0, $0x38;
	[tilespmem:$0x19680] =	vst v63  }
0xfa: {  	s1 =	sadd.s32 $0xFFFFDA80, s20  }
0xfb: {  	[hbm4b:s1+s2] =	stream.linear.scatter [tilespmem:s16], [sflag:$0xB], $0x6400, $0x38;
	[tilespmem:$0x19680] =	vst v63  }
0xfc: {  	_ =	swait.ge [sflag:s14], $0x6400  }
0xfd: {  	[sflag:s14] =	ssyncset.done $0x0  }
0xfe: {  	[sflag:s14] =	ssyncadd.s32 $0xFFFF9C00  }
0xff: {  	_ =	swait.ge [sflag:s6], $0x1A0  }
0x100: {  	[sflag:s6] =	ssyncset.done $0x0  }
0x101: {  	[sflag:s6] =	ssyncadd.s32 $0xFFFFFE60  }
0x102: {  	[tilespmem:s7], [sflag:$0x6] =	stream.indirect.gather [hbm4b:s3+s26], $0x40, s22, s26, $0xb8;
	[tilespmem:$0x19680] =	vst v63  }
0x103: {  	s0 =	simm.s32 $0x208;
	s1 =	simm.s32 $0x8380  }
0x104: {  	[tilespmem:s1], [sflag:$0x6] =	stream.indirect.gather [hbm4b:s3+s26], $0x40, s0, s26, $0xb8;
	[tilespmem:$0x19680] =	vst v63  }
0x105: {  	s0 =	simm.s32 $0x270;
	s1 =	simm.s32 $0x9C80  }
0x106: {  	[tilespmem:s1], [sflag:$0x6] =	stream.indirect.gather [hbm4b:s3+s26], $0x40, s0, s26, $0xb8;
	[tilespmem:$0x19680] =	vst v63  }
0x107: {  	s0 =	simm.s32 $0x2D8;
	s1 =	simm.s32 $0xB580  }
0x108: {  	[tilespmem:s1], [sflag:$0x6] =	stream.indirect.gather [hbm4b:s3+s26], $0x40, s0, s26, $0xb8;
	[tilespmem:$0x19680] =	vst v63  }
0x109: {  	_ =	swait.ge [sflag:s17], $0x1900  }
0x10a: {  	[sflag:s17] =	ssyncset.done $0x0  }
0x10b: {  	[sflag:s17] =	ssyncadd.s32 $0xFFFFE700  }
0x10c: {  	_ =	swait.ge [sflag:s17], $0x1900  }
0x10d: {  	[sflag:s17] =	ssyncset.done $0x0  }
0x10e: {  	[sflag:s17] =	ssyncadd.s32 $0xFFFFE700  }
0x10f: {  	_ =	swait.ge [sflag:s17], $0x1900  }
0x110: {  	[sflag:s17] =	ssyncset.done $0x0  }
0x111: {  	[sflag:s17] =	ssyncadd.s32 $0xFFFFE700  }
0x112: {  	_ =	swait.ge [sflag:s17], $0x1900  }
0x113: {  	[sflag:s17] =	ssyncset.done $0x0  }
0x114: {  	s1 =	sadd.s32 $0x16C, s31;
	[sflag:s17] =	ssyncadd.s32 $0xFFFFE700  }
0x115: {  	[tilespmem:s24], [sflag:$0x4] =	stream.linear.gather [hbm4b:s1+s2], $0x1A0, $0x38;
	[tilespmem:$0x19680] =	vst v63  }
0x116: {  	s1 =	sadd.s32 $0xFFFFE700, s20  }
0x117: {  	[hbm4b:s1+s2] =	stream.linear.scatter [tilespmem:s30], [sflag:$0xC], $0x6400, $0x38;
	[tilespmem:$0x19680] =	vst v63  }
0x118: {  	_ =	swait.ge [sflag:s18], $0x6400  }
0x119: {  	[sflag:s18] =	ssyncset.done $0x0  }
0x11a: {  	[sflag:s18] =	ssyncadd.s32 $0xFFFF9C00  }
0x11b: {  	_ =	swait.ge [sflag:s15], $0x1A0  }
0x11c: {  	[sflag:s15] =	ssyncset.done $0x0  }
0x11d: {  	[sflag:s15] =	ssyncadd.s32 $0xFFFFFE60  }
0x11e: {  	[tilespmem:s16], [sflag:$0x7] =	stream.indirect.gather [hbm4b:s3+s26], $0x40, s23, s26, $0xb8;
	[tilespmem:$0x19680] =	vst v63  }
0x11f: {  	s0 =	simm.s32 $0x3A8;
	s1 =	simm.s32 $0xE780  }
0x120: {  	[tilespmem:s1], [sflag:$0x7] =	stream.indirect.gather [hbm4b:s3+s26], $0x40, s0, s26, $0xb8;
	[tilespmem:$0x19680] =	vst v63  }
0x121: {  	s0 =	simm.s32 $0x410;
	s1 =	simm.s32 $0x10080  }
0x122: {  	[tilespmem:s1], [sflag:$0x7] =	stream.indirect.gather [hbm4b:s3+s26], $0x40, s0, s26, $0xb8;
	[tilespmem:$0x19680] =	vst v63  }
0x123: {  	s0 =	simm.s32 $0x478;
	s1 =	simm.s32 $0x11980  }
0x124: {  	[tilespmem:s1], [sflag:$0x7] =	stream.indirect.gather [hbm4b:s3+s26], $0x40, s0, s26, $0xb8;
	[tilespmem:$0x19680] =	vst v63  }
0x125: {  	_ =	swait.ge [sflag:s21], $0x1900  }
0x126: {  	[sflag:s21] =	ssyncset.done $0x0  }
0x127: {  	[sflag:s21] =	ssyncadd.s32 $0xFFFFE700  }
0x128: {  	_ =	swait.ge [sflag:s21], $0x1900  }
0x129: {  	[sflag:s21] =	ssyncset.done $0x0  }
0x12a: {  	[sflag:s21] =	ssyncadd.s32 $0xFFFFE700  }
0x12b: {  	_ =	swait.ge [sflag:s21], $0x1900  }
0x12c: {  	[sflag:s21] =	ssyncset.done $0x0  }
0x12d: {  	[sflag:s21] =	ssyncadd.s32 $0xFFFFE700  }
0x12e: {  	_ =	swait.ge [sflag:s21], $0x1900  }
0x12f: {  	[sflag:s21] =	ssyncset.done $0x0  }
0x130: {  	s1 =	sadd.s32 $0x1A0, s31;
	[sflag:s21] =	ssyncadd.s32 $0xFFFFE700  }
0x131: {  	[tilespmem:s2], [sflag:$0x1] =	stream.linear.gather [hbm4b:s1+s2], $0x1A0, $0x38;
	[tilespmem:$0x19680] =	vst v63  }
0x132: {  	s1 =	sadd.s32 $0xFFFFF380, s20  }
0x133: {  	[hbm4b:s1+s2] =	stream.linear.scatter [tilespmem:s28], [sflag:$0x9], $0x6400, $0x38;
	[tilespmem:$0x19680] =	vst v63  }
0x134: {  	_ =	swait.ge [sflag:s19], $0x6400  }
0x135: {  	[sflag:s19] =	ssyncset.done $0x0  }
0x136: {  	[sflag:s19] =	ssyncadd.s32 $0xFFFF9C00  }
0x137: {  	_ =	swait.ge [sflag:s29], $0x1A0  }
0x138: {  	[sflag:s29] =	ssyncset.done $0x0  }
0x139: {  	[sflag:s29] =	ssyncadd.s32 $0xFFFFFE60  }
0x13a: {  	[tilespmem:s30], [sflag:$0x8] =	stream.indirect.gather [hbm4b:s3+s26], $0x40, s24, s26, $0xb8;
	[tilespmem:$0x19680] =	vst v63  }
0x13b: {  	_ = 	snop  }
0x13c: {  	[tilespmem:s5], [sflag:$0x8] =	stream.indirect.gather [hbm4b:s3+s26], $0x40, s10, s26, $0xb8;
	[tilespmem:$0x19680] =	vst v63  }
0x13d: {  	s1 =	simm.s32 $0x5B0  }
0x13e: {  	[tilespmem:s8], [sflag:$0x8] =	stream.indirect.gather [hbm4b:s3+s26], $0x40, s1, s26, $0xb8;
	[tilespmem:$0x19680] =	vst v63  }
0x13f: {  	s0 =	simm.s32 $0x618;
	s1 =	simm.s32 $0x17D80  }
0x140: {  	[tilespmem:s1], [sflag:$0x8] =	stream.indirect.gather [hbm4b:s3+s26], $0x40, s0, s26, $0xb8;
	[tilespmem:$0x19680] =	vst v63  }
0x141: {  	_ =	swait.ge [sflag:s11], $0x1900  }
0x142: {  	[sflag:s11] =	ssyncset.done $0x0  }
0x143: {  	[sflag:s11] =	ssyncadd.s32 $0xFFFFE700  }
0x144: {  	_ =	swait.ge [sflag:s11], $0x1900  }
0x145: {  	[sflag:s11] =	ssyncset.done $0x0  }
0x146: {  	[sflag:s11] =	ssyncadd.s32 $0xFFFFE700  }
0x147: {  	_ =	swait.ge [sflag:s11], $0x1900  }
0x148: {  	p0 =	sne.s32 s9, $0xA90;
	[sflag:s11] =	ssyncset.done $0x0  }
.Ltmp0:
0x149: {  	[sflag:s11] =	ssyncadd.s32 $0xFFFFE700;
	(pc) =	sbr.rel @p0 .LBB2_2-.Ltmp0, $4  }
0x14a: {  	_ =	swait.ge [sflag:s11], $0x1900  }
0x14b: {  	s4 =	smov.u32 s20;
	s9 =	sadd.s32 $0xD0, s9;
	[sflag:s11] =	ssyncset.done $0x0  }
0x14c: {  	s31 =	sadd.s32 $0x1D4, s31;
	s20 =	sadd.s32 $0x3200, s20;
	[sflag:s11] =	ssyncadd.s32 $0xFFFFE700  }
0x14d: {  	[tilespmem:s22], [sflag:$0x2] =	stream.linear.gather [hbm4b:s31+s2], $0x1A0, $0x38;
	[tilespmem:$0x19680] =	vst v63  }
0x14e: {  	[hbm4b:s4+s2] =	stream.linear.scatter [tilespmem:s7], [sflag:$0xA], $0x6400, $0x38;
	[tilespmem:$0x19680] =	vst v63  }
0x14f: {  	_ =	swait.ge [sflag:s12], $0x6400  }
0x150: {  	[sflag:s12] =	ssyncset.done $0x0  }
0x151: {  	[sflag:s12] =	ssyncadd.s32 $0xFFFF9C00  }
0x152: {  	_ =	swait.ge [sflag:s25], $0x1A0  }
0x153: {  	[sflag:s25] =	ssyncset.done $0x0  }
0x154: {  	[sflag:s25] =	ssyncadd.s32 $0xFFFFFE60  }
0x155: {  	[tilespmem:s28], [sflag:$0x5] =	stream.indirect.gather [hbm4b:s3+s26], $0x40, s2, s26, $0xb8;
	[tilespmem:$0x19680] =	vst v63  }
0x156: {  	s0 =	simm.s32 $0x68;
	s1 =	simm.s32 $0x1F80  }
0x157: {  	[tilespmem:s1], [sflag:$0x5] =	stream.indirect.gather [hbm4b:s3+s26], $0x40, s0, s26, $0xb8;
	[tilespmem:$0x19680] =	vst v63  }
0x158: {  	s4 =	simm.s32 $0xD0;
	s9 =	simm.s32 $0x3880  }
0x159: {  	[tilespmem:s9], [sflag:$0x5] =	stream.indirect.gather [hbm4b:s3+s26], $0x40, s4, s26, $0xb8;
	[tilespmem:$0x19680] =	vst v63  }
0x15a: {  	s20 =	simm.s32 $0x138;
	s31 =	simm.s32 $0x5180  }
0x15b: {  	[tilespmem:s31], [sflag:$0x5] =	stream.indirect.gather [hbm4b:s3+s26], $0x40, s20, s26, $0xb8;
	[tilespmem:$0x19680] =	vst v63  }
0x15c: {  	_ =	swait.ge [sflag:s13], $0x1900  }
0x15d: {  	[sflag:s13] =	ssyncset.done $0x0  }
0x15e: {  	[sflag:s13] =	ssyncadd.s32 $0xFFFFE700  }
0x15f: {  	_ =	swait.ge [sflag:s13], $0x1900  }
0x160: {  	[sflag:s13] =	ssyncset.done $0x0  }
0x161: {  	[sflag:s13] =	ssyncadd.s32 $0xFFFFE700  }
0x162: {  	_ =	swait.ge [sflag:s13], $0x1900  }
0x163: {  	[sflag:s13] =	ssyncset.done $0x0  }
0x164: {  	[sflag:s13] =	ssyncadd.s32 $0xFFFFE700  }
0x165: {  	_ =	swait.ge [sflag:s13], $0x1900  }
0x166: {  	[sflag:s13] =	ssyncset.done $0x0  }
0x167: {  	s4 =	rddreg [dreg:$0xb];
	[sflag:s13] =	ssyncadd.s32 $0xFFFFE700  }
0x168: {  	[tilespmem:s23], [sflag:$0x3] =	stream.linear.gather [hbm4b:s4+s2], $0x1A0, $0x38;
	[tilespmem:$0x19680] =	vst v63  }
0x169: {  	s9 =	rddreg [dreg:$0xc]  }
0x16a: {  	[hbm4b:s9+s2] =	stream.linear.scatter [tilespmem:s16], [sflag:$0xB], $0x6400, $0x38;
	[tilespmem:$0x19680] =	vst v63  }
0x16b: {  	_ =	swait.ge [sflag:s14], $0x6400  }
0x16c: {  	[sflag:s14] =	ssyncset.done $0x0  }
0x16d: {  	[sflag:s14] =	ssyncadd.s32 $0xFFFF9C00  }
0x16e: {  	_ =	swait.ge [sflag:s6], $0x1A0  }
0x16f: {  	[sflag:s6] =	ssyncset.done $0x0  }
0x170: {  	[sflag:s6] =	ssyncadd.s32 $0xFFFFFE60  }
0x171: {  	[tilespmem:s7], [sflag:$0x6] =	stream.indirect.gather [hbm4b:s3+s26], $0x40, s22, s26, $0xb8;
	[tilespmem:$0x19680] =	vst v63  }
0x172: {  	s20 =	simm.s32 $0x208;
	s31 =	simm.s32 $0x8380  }
0x173: {  	[tilespmem:s31], [sflag:$0x6] =	stream.indirect.gather [hbm4b:s3+s26], $0x40, s20, s26, $0xb8;
	[tilespmem:$0x19680] =	vst v63  }
0x174: {  	s4 =	simm.s32 $0x270;
	s9 =	simm.s32 $0x9C80  }
0x175: {  	[tilespmem:s9], [sflag:$0x6] =	stream.indirect.gather [hbm4b:s3+s26], $0x40, s4, s26, $0xb8;
	[tilespmem:$0x19680] =	vst v63  }
0x176: {  	s20 =	simm.s32 $0x2D8;
	s31 =	simm.s32 $0xB580  }
0x177: {  	[tilespmem:s31], [sflag:$0x6] =	stream.indirect.gather [hbm4b:s3+s26], $0x40, s20, s26, $0xb8;
	[tilespmem:$0x19680] =	vst v63  }
0x178: {  	_ =	swait.ge [sflag:s17], $0x1900  }
0x179: {  	[sflag:s17] =	ssyncset.done $0x0  }
0x17a: {  	[sflag:s17] =	ssyncadd.s32 $0xFFFFE700  }
0x17b: {  	_ =	swait.ge [sflag:s17], $0x1900  }
0x17c: {  	[sflag:s17] =	ssyncset.done $0x0  }
0x17d: {  	[sflag:s17] =	ssyncadd.s32 $0xFFFFE700  }
0x17e: {  	_ =	swait.ge [sflag:s17], $0x1900  }
0x17f: {  	[sflag:s17] =	ssyncset.done $0x0  }
0x180: {  	[sflag:s17] =	ssyncadd.s32 $0xFFFFE700  }
0x181: {  	_ =	swait.ge [sflag:s17], $0x1900  }
0x182: {  	[sflag:s17] =	ssyncset.done $0x0  }
0x183: {  	s4 =	rddreg [dreg:$0xd];
	[sflag:s17] =	ssyncadd.s32 $0xFFFFE700  }
0x184: {  	[tilespmem:s24], [sflag:$0x4] =	stream.linear.gather [hbm4b:s4+s2], $0x1A0, $0x38;
	[tilespmem:$0x19680] =	vst v63  }
0x185: {  	s9 =	rddreg [dreg:$0xe]  }
0x186: {  	[hbm4b:s9+s2] =	stream.linear.scatter [tilespmem:s30], [sflag:$0xC], $0x6400, $0x38;
	[tilespmem:$0x19680] =	vst v63  }
0x187: {  	_ =	swait.ge [sflag:s18], $0x6400  }
0x188: {  	[sflag:s18] =	ssyncset.done $0x0  }
0x189: {  	[sflag:s18] =	ssyncadd.s32 $0xFFFF9C00  }
0x18a: {  	_ =	swait.ge [sflag:s15], $0x1A0  }
0x18b: {  	[sflag:s15] =	ssyncset.done $0x0  }
0x18c: {  	[sflag:s15] =	ssyncadd.s32 $0xFFFFFE60  }
0x18d: {  	[tilespmem:s16], [sflag:$0x7] =	stream.indirect.gather [hbm4b:s3+s26], $0x40, s23, s26, $0xb8;
	[tilespmem:$0x19680] =	vst v63  }
0x18e: {  	s20 =	simm.s32 $0x3A8;
	s31 =	simm.s32 $0xE780  }
0x18f: {  	[tilespmem:s31], [sflag:$0x7] =	stream.indirect.gather [hbm4b:s3+s26], $0x40, s20, s26, $0xb8;
	[tilespmem:$0x19680] =	vst v63  }
0x190: {  	s1 =	simm.s32 $0x410;
	s4 =	simm.s32 $0x10080  }
0x191: {  	[tilespmem:s4], [sflag:$0x7] =	stream.indirect.gather [hbm4b:s3+s26], $0x40, s1, s26, $0xb8;
	[tilespmem:$0x19680] =	vst v63  }
0x192: {  	s9 =	simm.s32 $0x478;
	s20 =	simm.s32 $0x11980  }
0x193: {  	[tilespmem:s20], [sflag:$0x7] =	stream.indirect.gather [hbm4b:s3+s26], $0x40, s9, s26, $0xb8;
	[tilespmem:$0x19680] =	vst v63  }
0x194: {  	_ =	swait.ge [sflag:s21], $0x1900  }
0x195: {  	[sflag:s21] =	ssyncset.done $0x0  }
0x196: {  	[sflag:s21] =	ssyncadd.s32 $0xFFFFE700  }
0x197: {  	_ =	swait.ge [sflag:s21], $0x1900  }
0x198: {  	[sflag:s21] =	ssyncset.done $0x0  }
0x199: {  	[sflag:s21] =	ssyncadd.s32 $0xFFFFE700  }
0x19a: {  	_ =	swait.ge [sflag:s21], $0x1900  }
0x19b: {  	[sflag:s21] =	ssyncset.done $0x0  }
0x19c: {  	[sflag:s21] =	ssyncadd.s32 $0xFFFFE700  }
0x19d: {  	_ =	swait.ge [sflag:s21], $0x1900  }
0x19e: {  	[sflag:s21] =	ssyncset.done $0x0  }
0x19f: {  	s31 =	rddreg [dreg:$0xf];
	[sflag:s21] =	ssyncadd.s32 $0xFFFFE700  }
0x1a0: {  	[hbm4b:s31+s2] =	stream.linear.scatter [tilespmem:s28], [sflag:$0x9], $0x6400, $0x38;
	[tilespmem:$0x19680] =	vst v63  }
0x1a1: {  	_ =	swait.ge [sflag:s19], $0x6400  }
0x1a2: {  	[sflag:s19] =	ssyncset.done $0x0  }
0x1a3: {  	[sflag:s19] =	ssyncadd.s32 $0xFFFF9C00  }
0x1a4: {  	_ =	swait.ge [sflag:s29], $0x1A0  }
0x1a5: {  	[sflag:s29] =	ssyncset.done $0x0  }
0x1a6: {  	[sflag:s29] =	ssyncadd.s32 $0xFFFFFE60  }
0x1a7: {  	[tilespmem:s30], [sflag:$0x8] =	stream.indirect.gather [hbm4b:s3+s26], $0x40, s24, s26, $0xb8;
	[tilespmem:$0x19680] =	vst v63  }
0x1a8: {  	_ = 	snop  }
0x1a9: {  	[tilespmem:s5], [sflag:$0x8] =	stream.indirect.gather [hbm4b:s3+s26], $0x40, s10, s26, $0xb8;
	[tilespmem:$0x19680] =	vst v63  }
0x1aa: {  	s1 =	simm.s32 $0x5B0  }
0x1ab: {  	[tilespmem:s8], [sflag:$0x8] =	stream.indirect.gather [hbm4b:s3+s26], $0x40, s1, s26, $0xb8;
	[tilespmem:$0x19680] =	vst v63  }
0x1ac: {  	s4 =	simm.s32 $0x618;
	s5 =	simm.s32 $0x17D80  }
0x1ad: {  	[tilespmem:s5], [sflag:$0x8] =	stream.indirect.gather [hbm4b:s3+s26], $0x40, s4, s26, $0xb8;
	[tilespmem:$0x19680] =	vst v63  }
0x1ae: {  	_ =	swait.ge [sflag:s11], $0x1900  }
0x1af: {  	[sflag:s11] =	ssyncset.done $0x0  }
0x1b0: {  	[sflag:s11] =	ssyncadd.s32 $0xFFFFE700  }
0x1b1: {  	_ =	swait.ge [sflag:s11], $0x1900  }
0x1b2: {  	[sflag:s11] =	ssyncset.done $0x0  }
0x1b3: {  	[sflag:s11] =	ssyncadd.s32 $0xFFFFE700  }
0x1b4: {  	_ =	swait.ge [sflag:s11], $0x1900  }
0x1b5: {  	[sflag:s11] =	ssyncset.done $0x0  }
0x1b6: {  	[sflag:s11] =	ssyncadd.s32 $0xFFFFE700  }
0x1b7: {  	_ =	swait.ge [sflag:s11], $0x1900  }
0x1b8: {  	[sflag:s11] =	ssyncset.done $0x0  }
0x1b9: {  	s8 =	rddreg [dreg:$0x10];
	[sflag:s11] =	ssyncadd.s32 $0xFFFFE700  }
0x1ba: {  	[hbm4b:s8+s2] =	stream.linear.scatter [tilespmem:s7], [sflag:$0xA], $0x6400, $0x38;
	[tilespmem:$0x19680] =	vst v63  }
0x1bb: {  	_ =	swait.ge [sflag:s13], $0x1900  }
0x1bc: {  	[sflag:s13] =	ssyncset.done $0x0  }
0x1bd: {  	[sflag:s13] =	ssyncadd.s32 $0xFFFFE700  }
0x1be: {  	_ =	swait.ge [sflag:s13], $0x1900  }
0x1bf: {  	[sflag:s13] =	ssyncset.done $0x0  }
0x1c0: {  	[sflag:s13] =	ssyncadd.s32 $0xFFFFE700  }
0x1c1: {  	_ =	swait.ge [sflag:s13], $0x1900  }
0x1c2: {  	[sflag:s13] =	ssyncset.done $0x0  }
0x1c3: {  	[sflag:s13] =	ssyncadd.s32 $0xFFFFE700  }
0x1c4: {  	_ =	swait.ge [sflag:s13], $0x1900  }
0x1c5: {  	[sflag:s13] =	ssyncset.done $0x0  }
0x1c6: {  	s9 =	rddreg [dreg:$0x11];
	[sflag:s13] =	ssyncadd.s32 $0xFFFFE700  }
0x1c7: {  	[hbm4b:s9+s2] =	stream.linear.scatter [tilespmem:s16], [sflag:$0xB], $0x6400, $0x38;
	[tilespmem:$0x19680] =	vst v63  }
0x1c8: {  	_ =	swait.ge [sflag:s17], $0x1900  }
0x1c9: {  	[sflag:s17] =	ssyncset.done $0x0  }
0x1ca: {  	[sflag:s17] =	ssyncadd.s32 $0xFFFFE700  }
0x1cb: {  	_ =	swait.ge [sflag:s17], $0x1900  }
0x1cc: {  	[sflag:s17] =	ssyncset.done $0x0  }
0x1cd: {  	[sflag:s17] =	ssyncadd.s32 $0xFFFFE700  }
0x1ce: {  	_ =	swait.ge [sflag:s17], $0x1900  }
0x1cf: {  	[sflag:s17] =	ssyncset.done $0x0  }
0x1d0: {  	[sflag:s17] =	ssyncadd.s32 $0xFFFFE700  }
0x1d1: {  	_ =	swait.ge [sflag:s17], $0x1900  }
0x1d2: {  	[sflag:s17] =	ssyncset.done $0x0  }
0x1d3: {  	s10 =	rddreg [dreg:$0x12];
	[sflag:s17] =	ssyncadd.s32 $0xFFFFE700  }
0x1d4: {  	[hbm4b:s10+s2] =	stream.linear.scatter [tilespmem:s30], [sflag:$0xC], $0x6400, $0x38;
	[tilespmem:$0x19680] =	vst v63  }
0x1d5: {  	_ =	swait.ge [sflag:s12], $0x6400  }
0x1d6: {  	[sflag:s12] =	ssyncset.done $0x0  }
0x1d7: {  	[sflag:s12] =	ssyncadd.s32 $0xFFFF9C00  }
0x1d8: {  	_ =	swait.ge [sflag:s14], $0x6400  }
0x1d9: {  	[sflag:s14] =	ssyncset.done $0x0  }
0x1da: {  	[sflag:s14] =	ssyncadd.s32 $0xFFFF9C00  }
0x1db: {  	_ =	swait.ge [sflag:s18], $0x6400  }
0x1dc: {  	[sflag:s18] =	ssyncset.done $0x0  }
0x1dd: {  	[sflag:s18] =	ssyncadd.s32 $0xFFFF9C00  }
0x1de: {  	_ =	swait.ge [sflag:s19], $0x6400  }
0x1df: {  	s20 =	rddreg [dreg:$0x15]  }
0x1e0: {  	s31 =	rddreg [dreg:$0x13];
	s1 =	sadd.s32 $0x1, s20  }
0x1e1: {  	p0 =	sne.s32 s1, s31  }
.Ltmp1:
0x1e2: {  	_ = 	snop;
	(pc) =	sbr.rel @p0 .LBB2_1-.Ltmp1, $3  }
0x1e3: {  	_ =	sdelay $0x1  }
0x1e4: {  	[sflag:s19] =	ssyncset.done $0x0  }
0x1e5: {  	[sflag:s19] =	ssyncadd.s32 $0xFFFF9C00  }
0x1e6: {  	_ =	sfence.sel $0x180000  }
0x1e7: {  	[bflag:$0x0] =	sbarrier.arrive $0xFFFF  }
0x1e8: {  	_ =	strace $0x90000047  }
0x1e9: {  	s0 =	stileid.u32;
	[bflag:$0x2] =	sbarrier.arrive $0xFFFF  }
0x1ea: {  	p0 =	sne.s32 s0, $0x0;
	s0 =	rddreg [dreg:$0x1]  }
0x1eb: {  	s0 =	sadd.s32 @!p0 $0x100000, s0  }
0x1ec: {  	[sflag:s0] =	ssyncadd.tile.s32 @!p0 $0x1;
	_ =	shalt  }
.Lfunc_end2:
_tile_overlayer_lowered:
.L_overlay_start_2:
0x1ed: {  	(tag) =	ssettag $0x2  }
0x1ee: {  	s0 =	rddreg [dreg:$0x0];
	s2 =	stileid.u32  }
0x1ef: {  	s1 =	rddreg [dreg:$0x1];
	p0 =	sne.s32 s2, $0x0  }
0x1f0: {  	s3 =	rddreg [dreg:$0x2];
	[bflag:$0x3] =	sbarrier.arrive $0xFFFF;
	s2 =	simm.s32 @!p0 $0x1C0D  }
0x1f1: {  	[timem:s3], [sflag:s2] =	dma.local @!p0 [hbm:s0], s1  }
0x1f2: {  	s0 =	simm.s32 @!p0 $0xD  }
0x1f3: {  	_ =	swait.ge @!p0 [sflag:s0], s1  }
0x1f4: {  	s1 =	ssub.s32 @!p0 $0x0, s1;
	[sflag:s0] =	ssyncset.done @!p0 $0x0  }
0x1f5: {  	[sflag:s0] =	ssyncadd.s32 @!p0 s1  }
0x1f6: {  	[bflag:$0x3] =	sbarrier.arrive $0xFFFF  }
0x1f7: {  	_ =	shalt  }

// kernel: sparse-core-data-format-call.cloned.1.call-start
scs
called_computation_lowered:
.L_overlay_start_0:
0x0: {  	s2 =	sld [smem:$0x3FD9]  }
0x1: {  	s3 =	sld [smem:$0x3FFE];
	_ =	sdelay $0x1  }
0x2: {  	s1 =	srdreg.scid  }
0x3: {  	s0 =	sand.u32 $0x1, s1  }
0x4: {  	s18 =	sshll.u32 s0, $0xA;
	s2 =	sadd.s32 s3, s2  }
0x5: {  	s2 =	sadd.s32 s2, s18  }
0x6: {  	[smem:$0x3FC6] =	sst s2  }
0x7: {  	_ = 	snop  }
0x8: {  	s2 =	sld [smem:$0x3FD0];
	(tm) =	ssettm $0x1  }
0x9: {  	s19 =	sld [smem:$0x3FFB];
	_ =	sdelay $0x3  }
0xa: {  	_ =	strace s19  }
0xb: {  	s3 =	sld [smem:$0x3FFC];
	_ =	sdelay $0x3  }
0xc: {  	_ =	strace s3  }
0xd: {  	s3 =	sld [smem:$0x3FFD];
	_ =	sdelay $0x3  }
0xe: {  	_ =	strace s3  }
0xf: {  	_ =	strace $0x8FFFFFFF  }
0x10: {  	s20 =	sld [smem:$0x3FDB];
	_ =	sdelay $0x1  }
0x11: {  	s4 =	simm.s32 $_scs_section_size  }
0x12: {  	s5 =	simm.s32 $_size__tile_overlayer_lowered;
	s6 =	simm.s32 $_tile_overlayer_lowered  }
0x13: {  	s23 =	simm.s32 $0x1BFF;
	s22 =	sshll.u32 s6, $0x1;
	s3 =	sadd.s32 s4, s20  }
0x14: {  	s7 =	simm.s32 $0x0;
	s21 =	sshll.u32 s5, $0x1;
	s5 =	sadd.s32 s22, s3  }
0x15: {  	[timem:s7], [sflag:s23] =	dma.local [hbm:s5], s21  }
0x16: {  	_ =	swait.ge [sflag:s23], s21  }
0x17: {  	s4 =	ssub.s32 $0x0, s21;
	[sflag:s23] =	ssyncset.done $0x0  }
0x18: {  	[sflag:s23] =	ssyncadd.s32 s4;
	_ =	sdelay $0x1  }
0x19: {  	s24 =	simm.s32 $0x1B8B  }
0x1a: {  	_ =	swait.ge [sflag:s24], $0x1  }
0x1b: {  	[sflag:s24] =	ssyncset.done $0x0  }
0x1c: {  	s26 =	simm.s32 $0x1B8E;
	s25 =	sld [smem:$0x3FFE];
	[sflag:s24] =	ssyncadd.s32 $0xFFFFFFFF  }
0x1d: {  	s27 =	simm.s32 $execute0_lowered;
	[smem:$0x3FD2] =	sst s26  }
0x1e: {  	s5 =	sshll.u32 s27, $0x1;
	_ =	strace $0x80000049;
	[dreg:$0x1] =	wrdreg $0xFFFFFFFF  }
0x1f: {  	s28 =	simm.s32 $_size_execute0_lowered;
	s3 =	sadd.s32 s3, s5;
	[dreg:$0x0] =	wrdreg $0x0  }
0x20: {  	s5 =	sshll.u32 s28, $0x1;
	[dreg:$0x2] =	wrdreg s3  }
0x21: {  	[dreg:$0x3] =	wrdreg s5  }
0x22: {  	[dreg:$0x4] =	wrdreg $0xC0  }
0x23: {  	_ =	task [dreg:s7], $0x5FFFF  }
0x24: {  	[dreg:$0x1] =	wrdreg $0xFFFFFFFF  }
0x25: {  	[dreg:$0x0] =	wrdreg $0x60  }
0x26: {  	[dreg:$0x2] =	wrdreg s25  }
0x27: {  	[dreg:$0x3] =	wrdreg s2  }
0x28: {  	[dreg:$0x4] =	wrdreg $0x9  }
0x29: {  	_ =	task.clear_ibuf [dreg:s7], $0x5FFFF;
	_ =	strace $0x90000049  }
0x2a: {  	s29 =	simm.s32 $0x9;
	_ =	strace $0x8000004B  }
0x2b: {  	_ =	swait.ge [sflag:s29], $0x1  }
0x2c: {  	[sflag:s29] =	ssyncadd.s32 $0xFFFFFFFF  }
0x2d: {  	_ =	strace $0x9000004B  }
0x2e: {  	_ =	sfence  }
0x2f: {  	s30 =	sld [smem:$0x0];
	_ =	sdelay $0x2  }
0x30: {  	s31 =	sshll.u32 s1, $0xD;
	s1 =	sshrl.u32 s1, $0x2  }
0x31: {  	s3 =	sand.u32 $0x4000, s31;
	s1 =	sadd.s32 s1, s30  }
0x32: {  	s0 =	sor.u32 s3, s0;
	s1 =	sshll.u32 s1, $0x11  }
0x33: {  	s0 =	sor.u32 s1, s0  }
0x34: {  	s0 =	sadd.s32 $0x8F2B, s0  }
0x35: {  	[sflag:s0] =	ssyncadd.remote.s32 $0x1  }
0x36: {  	_ =	sfence.sel $0xFFFF  }
0x37: {  	[dreg:$0x0] =	wrdreg $0xFFFFFFFF;
	(pc) =	sbr.abs _section_cstart, $3  }
0x38: {  	[dreg:$0x1] =	wrdreg $0xFFFFFFFF  }
0x39: {  	_ =	task.clear_ibuf [dreg:s7], $0x2FFFF;
	_ =	strace $0x9FFFFFFF  }
0x3a: {  	(tm) =	ssettm $0x7FFFFFFF  }
0x3b: {  	_ =	shalt  }
tec
execute0_lowered:
.L_overlay_start_1:
0x0: {  	(tag) =	ssettag $0x1  }
0x1: {  	s0 =	srdreg.scid  }
0x2: {  	s1 =	sshll.u32 s0, $0x4  }
0x3: {  	s0 =	stileid.u32;
	s1 =	sand.u32 $0x10, s1  }
0x4: {  	s1 =	sor.u32 s0, s1  }
0x5: {  	s6 =	rddreg [dreg:$0x0];
	s4 =	simm.s32 $0x1;
	s2 =	sshll.u32 s1, $0x7  }
0x6: {  	s7 =	simm.s32 $0x2;
	s12 =	simm.s32 $0x0;
	s1 =	ssub.s32 $0x1000, s2  }
0x7: {  	s8 =	simm.s32 $0x8000;
	s13 =	simm.s32 $0x0;
	s3 =	sand.u32 $0xF80, s1  }
0x8: {  	s9 =	simm.s32 $0x0;
	s5 =	sshrl.u32 s1, $0xC;
	p0 =	sne.s32 s3, $0x0  }
.Ltmp0:
0x9: {  	s1 =	rddreg [dreg:$0x2];
	s4 =	simm.s32 @!p0 $0x0;
	(pc) =	sbr.rel .LBB1_1-.Ltmp0, $4  }
0xa: {  	s11 =	simm.s32 $0x0;
	s3 =	rddreg [dreg:$0x1];
	s5 =	sadd.s32 s4, s5  }
0xb: {  	_ =	strace $0x8000004A;
	s4 =	simm.s32 $0x1;
	s5 =	smul.u32 $0xC8, s5  }
0xc: {  	s6 =	sadd.s32 $0xA00, s6;
	s10 =	smov.u32 s2;
	[sflag:s4] =	ssyncpa.u1 $0x0  }
0xd: {  	p0 =	por $0x0, $0x0;
	[sflag:s7] =	ssyncpa.u1 $0x0;
	s7 =	sor.u32 $0x1, s5  }
.LBB1_4:
0xe: {  	s16 =	sshll.u32 s13, $0x3;
	s17 =	sand.u32 $0x78, s13  }
0xf: {  	s30 =	sand.u32 $0x7E00, s13;
	s12 =	sshll.u32 s12, $0xF;
	s16 =	sand.u32 $0xC00, s16  }
0x10: {  	[tilespmem:s15+$0x810 ss:$0x81] =	vst.msk $0xffff, v2;
	s31 =	sand.u32 $0x7, s13;
	s16 =	sor.u32 s17, s16;
	s17 =	sadd.s32 s3, s30  }
0x11: {  	[tilespmem:s15+$0x1020 ss:$0x81] =	vst.msk $0xffff, v0;
	s13 =	sshll.u32 s31, $0x12;
	s12 =	sadd.s32 s12, s17;
	s16 =	sshrl.u32 s16, $0x3  }
0x12: {  	[tilespmem:s15+$0x0 ss:$0x81] =	vst.msk $0xffff, v1;
	s13 =	sor.u32 $0x400, s13;
	s12 =	sadd.s32 s16, s12  }
0x13: {  	[hbm4b:s12+s13] =	stream.strided.scatter [tilespmem:s14], [sflag:$0x2], $0x2000, s8, s13, $0x20;
	[tilespmem:$0x8080] =	vst v63  }
.LBB1_5:
0x14: {  	s14 =	sadd.s32 $0x1, s9  }
0x15: {  	s12 =	sadd.s32 $0x1000, s10;
	s16 =	smov.u32 s10;
	p2 =	sgt.s32 s14, $0xC7  }
0x16: {  	s16 =	smov.u32 @p2 s12  }
0x17: {  	s14 =	simm.s32 @p2 $0x0;
	p2 =	sgt.s32 s16, $0xFFF  }
0x18: {  	s16 =	smov.u32 @p2 s2;
	p2 =	sne.s32 s11, s7  }
.Ltmp1:
0x19: {  	p1 =	slt.u32 s11, $0x2;
	(pc) =	sbr.rel @!p2 .LBB1_6-.Ltmp1, $4  }
0x1a: {  	s15 =	simm.s32 @!p1 $0x2  }
0x1b: {  	s13 =	smov.u32 s10;
	p0 =	por !p0, !p0;
	_ =	swait.ge @!p1 [sflag:s15], $0x2000  }
0x1c: {  	s12 =	smov.u32 s9;
	[sflag:s15] =	ssyncset.done @!p1 $0x0;
	s9 =	smov.u32 s14  }
0x1d: {  	s11 =	sadd.s32 $0x1, s11;
	[sflag:s15] =	ssyncadd.s32 @!p1 $0xFFFFE000;
	s10 =	smov.u32 s16  }
.LBB1_1:
0x1e: {  	p1 =	sge.u32 s11, s5  }
0x1f: {  	s14 =	sand.u32 @!p1 $0x1FFFFFF, s9  }
0x20: {  	s15 =	smulhi.u32 @!p1 $0x147AE15, s14;
	_ =	sdelay $0x1  }
0x21: {  	s15 =	smul.u32 @!p1 $0xC8, s15  }
0x22: {  	s16 =	sxor.u32 @!p1 $0xFFFFFFFF, s11;
	s17 =	smul.u32 @!p1 $0xC80, s10  }
0x23: {  	s31 =	sadd.s32 $0xFFFFFFFF, s11;
	s16 =	sshll.u32 @!p1 s16, $0xD;
	s14 =	ssub.s32 @!p1 s14, s15  }
0x24: {  	s15 =	sand.u32 @!p1 $0x2000, s16;
	s16 =	sadd.s32 @!p1 s6, s17;
	s14 =	sshll.u32 @!p1 s14, $0x4  }
0x25: {  	s17 =	simm.s32 @!p1 $0x6400;
	s14 =	sadd.s32 @!p1 s14, s16;
	s16 =	simm.s32 @!p1 $0x40  }
0x26: {  	[tilespmem:s15], [sflag:$0x1] =	stream.strided.gather @!p1 [hbm4b:s14+s16], $0x2000, s17, s16, $0x38;
	[tilespmem:$0x8080] =	vst v63  }
0x27: {  	p1 =	sge.u32 s31, s5  }
.Ltmp2:
0x28: {  	_ = 	snop;
	(pc) =	sbr.rel @p1 .LBB1_5-.Ltmp2, $1  }
0x29: {  	_ =	sdelay $0x3  }
0x2a: {  	s14 =	simm.s32 $0x1  }
0x2b: {  	_ =	swait.ge [sflag:s4], $0x2000;
	s14 =	simm.s32 @!p0 $0x0  }
0x2c: {  	[sflag:s4] =	ssyncset.done $0x0;
	s15 =	sshll.u32 s14, $0xD  }
0x2d: {  	[sflag:s4] =	ssyncadd.s32 $0xFFFFE000;
	s18 =	sor.u32 $0x20, s15  }
0x2e: {  	s14 =	smul.u32 $0x8100, s14;
	v3 =	vld [tilespmem:s18+$0x10]  }
0x2f: {  	s30 =	sand.u32 $0x1, s11;
	v2 =	vld [tilespmem:s18+$0xFFFFFFF0]  }
0x30: {  	s15 =	smul.u32 $0x8100, s30;
	s14 =	sshrl.u32 s14, $0x2;
	v0 =	vld [tilespmem:s18+$0x0]  }
0x31: {  	v1 =	vld [tilespmem:s18+$0xFFFFFFE0];
	s16 =	sor.u32 $0x4000, s14  }
0x32: {  	s31 =	sshrl.u32 s15, $0x2;
	s15 =	sadd.s32 $0x0, s16  }
0x33: {  	s17 =	simm.s32 $0x4;
	s18 =	sadd.s32 $0x40, s18;
	s14 =	sor.u32 $0x4000, s31;
	[tilespmem:s15+$0x1830 ss:$0x81] =	vst.msk $0xffff, v3  }
.LBB1_3:
0x34: {  	v3 =	vld [tilespmem:s18+$0x10];
	p1 =	sne.s32 s17, $0x1FC;
	[tilespmem:s15+$0x810 ss:$0x81] =	vst.msk $0xffff, v2;
	s19 =	smov.u32 s17;
	s17 =	sadd.s32 $0x4, s17  }
.Ltmp3:
0x35: {  	v2 =	vld [tilespmem:s18+$0xFFFFFFF0];
	[tilespmem:s15+$0x1020 ss:$0x81] =	vst.msk $0xffff, v0;
	(pc) =	sbr.rel @p1 .LBB1_3-.Ltmp3, $4  }
0x36: {  	v0 =	vld [tilespmem:s18+$0x0];
	[tilespmem:s15+$0x0 ss:$0x81] =	vst.msk $0xffff, v1  }
0x37: {  	s15 =	sshra.s32 s19, $0x2;
	v1 =	vld [tilespmem:s18+$0xFFFFFFE0]  }
0x38: {  	s15 =	sadd.s32 s15, s16  }
0x39: {  	s18 =	sadd.s32 $0x40, s18;
	[tilespmem:s15+$0x1830 ss:$0x81] =	vst.msk $0xffff, v3  }
.Ltmp4:
0x3a: {  	_ = 	snop;
	(pc) =	sbr.rel .LBB1_4-.Ltmp4, $1  }
0x3b: {  	_ =	sdelay $0x3  }
.LBB1_6:
0x3c: {  	_ =	sfence.sel $0x180000  }
0x3d: {  	s2 =	simm.s32 $0x1;
	[bflag:$0x0] =	sbarrier.arrive $0xFFFF  }
0x3e: {  	s31 =	simm.s32 $0x2;
	[sflag:s2] =	ssyncpa.u1 $0x1  }
0x3f: {  	[sflag:s31] =	ssyncpa.u1 $0x1  }
0x40: {  	p0 =	sne.s32 s0, $0x0;
	_ =	strace $0x9000004A  }
0x41: {  	s0 =	sadd.s32 @!p0 $0x100000, s1;
	[bflag:$0x2] =	sbarrier.arrive $0xFFFF  }
0x42: {  	[sflag:s0] =	ssyncadd.tile.s32 @!p0 $0x1;
	_ =	shalt  }
.Lfunc_end1:
_tile_overlayer_lowered:
.L_overlay_start_2:
0x43: {  	(tag) =	ssettag $0x2  }
0x44: {  	s0 =	rddreg [dreg:$0x0];
	s2 =	stileid.u32  }
0x45: {  	s1 =	rddreg [dreg:$0x1];
	p0 =	sne.s32 s2, $0x0  }
0x46: {  	s3 =	rddreg [dreg:$0x2];
	[bflag:$0x3] =	sbarrier.arrive $0xFFFF;
	s2 =	simm.s32 @!p0 $0x1C01  }
0x47: {  	[timem:s3], [sflag:s2] =	dma.local @!p0 [hbm:s0], s1  }
0x48: {  	s0 =	simm.s32 @!p0 $0x1  }
0x49: {  	_ =	swait.ge @!p0 [sflag:s0], s1  }
0x4a: {  	s1 =	ssub.s32 @!p0 $0x0, s1;
	[sflag:s0] =	ssyncset.done @!p0 $0x0  }
0x4b: {  	[sflag:s0] =	ssyncadd.s32 @!p0 s1  }
0x4c: {  	[bflag:$0x3] =	sbarrier.arrive $0xFFFF  }
0x4d: {  	_ =	shalt  }

</sc_bundles>
